<compile_context>
chip_gen: v7x
topology: tpu7x:2x2x1
jax: 0.10.2.dev20260603
libtpu: 0.0.44.dev20260713+nightly
codegen_flags: <defaults>
</compile_context>

<pallas_src>
import functools

import jax
import jax.numpy as jnp
from jax import lax
from jax.experimental import pallas as pl
from jax.experimental.pallas import tpu as pltpu
from jax.experimental.pallas import tpu_sc as plsc

_F32 = jnp.float32


def _sc_gather(table, idx):
    n = idx.shape[0]
    h_dim = table.shape[1]
    info = plsc.get_sparse_core_info()
    nw = info.num_cores * info.num_subcores
    per_w = n // nw
    ch = 80
    nch = per_w // ch

    mesh = plsc.VectorSubcoreMesh(core_axis_name="c", subcore_axis_name="s")

    @functools.partial(
        pl.kernel,
        mesh=mesh,
        out_type=jax.ShapeDtypeStruct((n, h_dim), _F32),
        scratch_types=[
            pltpu.VMEM((per_w,), jnp.int32),
            pltpu.VMEM((per_w, h_dim), _F32),
            pltpu.SemaphoreType.DMA,
        ],
        compiler_params=pltpu.CompilerParams(use_tc_tiling_on_sc=False),
    )
    def k(table_hbm, idx_hbm, out_hbm, idx_v, rows_v, sem):
        wid = lax.axis_index("s") * info.num_cores + lax.axis_index("c")
        base = wid * per_w
        pltpu.sync_copy(idx_hbm.at[pl.ds(base, per_w)], idx_v)
        descs = [
            pltpu.async_copy(table_hbm.at[idx_v.at[pl.ds(c * ch, ch)]],
                             rows_v.at[pl.ds(c * ch, ch)], sem)
            for c in range(nch)
        ]
        for d in descs:
            d.wait()
        pltpu.sync_copy(rows_v, out_hbm.at[pl.ds(base, per_w)])

    return k(table, idx)


def _dot(a, b, dims):
    return lax.dot_general(a, b, (dims, ((), ())),
                           preferred_element_type=_F32,
                           precision=lax.Precision.DEFAULT)


def _gat_block(x, W, wa1, wa2, mask_c, samebatch, ones_col, concat):
    H = x.shape[1]
    Wh = _dot(x, W, ((1,), (0,)))
    e1 = _dot(x, wa1, ((1,), (1,)))
    e2r = _dot(wa2, x, ((1,), (1,)))
    e2m = jnp.where(mask_c > 0, e2r, -1e30)
    e = e1 + e2m
    e = jnp.maximum(e, 0.2 * e)
    p = jnp.exp2(e) * samebatch
    whe = jnp.concatenate([Wh, ones_col], axis=1)
    agg = _dot(p, whe, ((1,), (0,)))
    out = agg[:, :H] * (1.0 / agg[:, H:H + 1])
    if concat:
        out = jnp.where(out > 0, out, jnp.exp(jnp.minimum(out, 0.0)) - 1.0)
    return out




def _gat_stack(h, mask, W_in, a_in, W_out, a_out, w, W1, b1, W2, b2, W3, Wt, bt,
               bb=8, ng=8):
    B, L = mask.shape
    H = h.shape[-1]
    NH = W_in.shape[0]
    M = bb * L
    nblk = B // (bb * ng)
    log2e = 1.4426950408889634

    h4 = h.reshape(nblk, ng, M, H)
    mask_a = mask.reshape(nblk, ng, bb, L)
    mask_b = mask.reshape(nblk, ng, M, 1)
    mask_c = mask.reshape(nblk, ng, 1, M)

    was = []
    for i in range(NH):
        was.append((W_in[i] @ a_in[i, :H, 0]) * log2e)
        was.append((W_in[i] @ a_in[i, H:, 0]) * log2e)
    was.append((W_out @ a_out[:H, 0]) * log2e)
    was.append((W_out @ a_out[H:, 0]) * log2e)
    wa_all = jnp.stack(was, axis=0)

    rows = jnp.arange(M)
    blk = rows // L
    samebatch = (blk[:, None] == blk[None, :]).astype(_F32)
    bmat = (blk[None, :] == jnp.arange(bb)[:, None]).astype(_F32)
    posb = jnp.where(bmat > 0, (rows % L)[None, :].astype(_F32), -5.0)

    def body(h_ref, ma_ref, mb_ref, mc_ref, wi_ref, wa_ref, wo_ref, w_ref,
             w1_ref, b1_ref, w2_ref, b2_ref, w3_ref, wt_ref, bt_ref,
             sb_ref, bm_ref, pb_ref, out_ref):
        ones_col = jnp.full((M, 1), 1.0, _F32)
        samebatch_v = sb_ref[...]
        bmat_v = bm_ref[...]
        posb_v = pb_ref[...]

        for g in range(ng):
            hx = h_ref[0, g]
            maskb = ma_ref[0, g]
            mask_col = mb_ref[0, g]
            mcol = mc_ref[0, g]

            seqb = jnp.sum(maskb, axis=1, keepdims=True)

            heads = []
            for i in range(NH):
                heads.append(_gat_block(hx, wi_ref[i],
                                        wa_ref[2 * i:2 * i + 1],
                                        wa_ref[2 * i + 1:2 * i + 2],
                                        mcol, samebatch_v, ones_col, True))
            mul_seq = jnp.concatenate(heads, axis=1)
            z = _dot(mul_seq, w_ref[...], ((1,), (0,)))
            mul_one = jnp.where(z > 0, z, jnp.exp(jnp.minimum(z, 0.0)) - 1.0)

            seq_hidden = _gat_block(mul_one, wo_ref[...],
                                    wa_ref[2 * NH:2 * NH + 1],
                                    wa_ref[2 * NH + 1:2 * NH + 2],
                                    mcol, samebatch_v, ones_col, False)

            sel = (posb_v == (seqb - 1.0)).astype(_F32)
            ht = _dot(sel, seq_hidden, ((1,), (0,)))
            q1 = _dot(ht, w1_ref[...], ((1,), (0,))) + b1_ref[...]
            q1f = _dot(bmat_v, q1, ((0,), (0,)))
            q2 = _dot(seq_hidden, w2_ref[...], ((1,), (0,))) + b2_ref[...]
            zs = q1f + q2
            sig = 1.0 / (1.0 + jnp.exp(-zs))
            alpha = _dot(sig, w3_ref[...], ((1,), (0,)))
            wgt = alpha * seq_hidden * mask_col
            apool = _dot(bmat_v, wgt, ((1,), (0,)))
            cat = jnp.concatenate([apool, ht], axis=1)
            out_ref[0, g] = _dot(cat, wt_ref[...], ((1,), (0,))) + bt_ref[...]

    def const(*s):
        return pl.BlockSpec(s, lambda i: tuple(0 for _ in s))

    a4 = pl.pallas_call(
        body,
        grid=(nblk,),
        in_specs=[
            pl.BlockSpec((1, ng, M, H), lambda i: (i, 0, 0, 0)),
            pl.BlockSpec((1, ng, bb, L), lambda i: (i, 0, 0, 0)),
            pl.BlockSpec((1, ng, M, 1), lambda i: (i, 0, 0, 0)),
            pl.BlockSpec((1, ng, 1, M), lambda i: (i, 0, 0, 0)),
            const(NH, H, H),
            const(2 * NH + 2, H),
            const(H, H),
            const(NH * H, H),
            const(H, H),
            const(1, H),
            const(H, H),
            const(1, H),
            const(H, 1),
            const(2 * H, H),
            const(1, H),
            const(M, M),
            const(bb, M),
            const(bb, M),
        ],
        out_specs=pl.BlockSpec((1, ng, bb, H), lambda i: (i, 0, 0, 0)),
        out_shape=jax.ShapeDtypeStruct((nblk, ng, bb, H), _F32),
        compiler_params=pltpu.CompilerParams(
            dimension_semantics=("arbitrary",)),
    )(h4, mask_a, mask_b, mask_c, W_in, wa_all, W_out, w,
      W1, b1.reshape(1, H), W2, b2.reshape(1, H), W3, Wt, bt.reshape(1, H),
      samebatch, bmat, posb)
    return a4.reshape(B, H)


def _scores_mm(a_vec, table, flagf, V, vt=2048):
    B, H = a_vec.shape
    ngrid = (V + vt - 1) // vt

    def body(a_ref, t_ref, f_ref, o_ref):
        o_ref[...] = lax.dot_general(
            a_ref[...], t_ref[...], (((1,), (1,)), ((), ())),
            preferred_element_type=_F32) + f_ref[...]

    return pl.pallas_call(
        body,
        grid=(ngrid,),
        in_specs=[
            pl.BlockSpec((B, H), lambda j: (0, 0)),
            pl.BlockSpec((vt, H), lambda j: (j, 0)),
            pl.BlockSpec((1, 1), lambda j: (0, 0)),
        ],
        out_specs=pl.BlockSpec((B, vt), lambda j: (0, j)),
        out_shape=jax.ShapeDtypeStruct((B, V), _F32),
        compiler_params=pltpu.CompilerParams(
            dimension_semantics=("arbitrary",)),
    )(a_vec, table, flagf)


def kernel(path, mask, targets, flag, user_embedding, W_in, a_in, W_out, a_out,
           w, W1, b1, W2, b2, W3, Wt, bt):
    B, L = path.shape
    V = user_embedding.shape[0] - 1
    idx = path.reshape(-1).astype(jnp.int32)
    h = _sc_gather(user_embedding, idx)
    a_vec = _gat_stack(h, mask, W_in, a_in, W_out, a_out, w,
                       W1, b1, W2, b2, W3, Wt, bt)
    flagf = jnp.asarray(flag, _F32).reshape(1, 1)
    scores = _scores_mm(a_vec, user_embedding, flagf, V)
    return (scores, targets)

# --- scband reference (transcript-rebuilt; emitter-appended) ---
"""Pipeline reference for scband-trust-path-74431783239687 (READ-ONLY COPY).

The authoritative reference and input builder live on the scoring server;
editing this copy changes nothing except your own understanding.
"""

import jax, jax.numpy as jnp
import numpy as np

B, L, H, NH, V = 1024, 50, 64, 2, 100000


def setup_inputs(seed: int = 0) -> dict:
    key = jax.random.key(seed)
    ks = jax.random.split(key, 16)
    stdv = 1.0 / np.sqrt(H)

    def u(k, shape, lim=stdv):
        return jax.random.uniform(k, shape, minval=-lim, maxval=lim, dtype=jnp.float32)

    inp = {
        "path": jax.random.randint(ks[0], (B, L), 0, V),
        "mask": jnp.ones((B, L), dtype=jnp.float32),
        "targets": jax.random.randint(ks[1], (B,), 0, V),
        "flag": 0,
        "user_embedding": jax.random.normal(ks[2], (V + 1, H), dtype=jnp.float32) * 0.01,
        "W_in": u(ks[3], (NH, H, H)),
        "a_in": u(ks[4], (NH, 2 * H, 1)),
        "W_out": u(ks[5], (H, H)),
        "a_out": u(ks[6], (2 * H, 1)),
        "w": u(ks[7], (NH * H, H), np.sqrt(6.0 / (NH * H + H))),
        "W1": u(ks[8], (H, H)), "b1": jnp.zeros((H,), jnp.float32),
        "W2": u(ks[9], (H, H)), "b2": jnp.zeros((H,), jnp.float32),
        "W3": u(ks[10], (H, 1)),
        "Wt": u(ks[11], (2 * H, H)), "bt": jnp.zeros((H,), jnp.float32),
    }
    return inp


def _gat(h, seq_l, W, a, concat):
    # GraphAttentionLayer: Wh_i, pairwise attention e_ij = LeakyReLU(a1.Wh_i + a2.Wh_j),
    # masked softmax over valid sequence positions, aggregate.
    Wh = h @ W
    Hd = Wh.shape[-1]
    e1 = Wh @ a[:Hd]            # [B, L, 1]
    e2 = Wh @ a[Hd:]            # [B, L, 1]
    e = jax.nn.leaky_relu(e1 + jnp.transpose(e2, (0, 2, 1)), negative_slope=0.2)  # [B, L, L]
    valid = jnp.arange(h.shape[1])[None, :] < seq_l[:, None]
    e = jnp.where(valid[:, None, :], e, -1e9)
    attn = jax.nn.softmax(e, axis=-1)
    out = attn @ Wh
    return jax.nn.elu(out) if concat else out


def reference(path, mask, targets, flag, user_embedding, W_in, a_in, W_out, a_out, w,
              W1, b1, W2, b2, W3, Wt, bt):
    seq_l = jnp.sum(mask, axis=1).astype(jnp.int32)
    h = user_embedding[path]                      # embedding gather [B, L, H]
    heads = [_gat(h, seq_l, W_in[i], a_in[i], True) for i in range(W_in.shape[0])]
    mul_seq = jnp.concatenate(heads, axis=2)      # [B, L, NH*H]
    mul_seq_c = mul_seq.reshape(-1, mul_seq.shape[-1])
    mul_one = jax.nn.elu(mul_seq_c @ w)
    seq_hidden = _gat(mul_one.reshape(mul_seq.shape[0], mul_seq.shape[1], -1), seq_l, W_out, a_out, False)
    ht = seq_hidden[jnp.arange(seq_hidden.shape[0]), seq_l - 1]   # gather last valid step
    q1 = (ht @ W1 + b1)[:, None, :]
    q2 = seq_hidden @ W2 + b2
    alpha = jax.nn.sigmoid(q1 + q2) @ W3
    a_vec = jnp.sum(alpha * seq_hidden * mask[:, :, None], axis=1)
    a_vec = jnp.concatenate([a_vec, ht], axis=1) @ Wt + bt        # nonhybrid == False
    b = user_embedding[:-1]
    scores = a_vec @ b.T                          # [B, num_users]
    scores = scores + jnp.asarray(flag, dtype=scores.dtype)
    return (scores, targets)

if __name__ == "__main__":
    import jax
    _d = setup_inputs()
    print(jax.jit(kernel)(*tuple(_d.values())))

</pallas_src>

<mosaic_0001>
#map = affine_map<(d0, d1) -> (0, 0)>
#map1 = affine_map<(d0, d1) -> (0)>
module attributes {stable_mosaic.version = 14 : i64} {
  func.func @k(%arg0: i32, %arg1: i32, %arg2: memref<100001x64xf32, #tpu.memory_space<hbm>>, %arg3: memref<51200xi32, #tpu.memory_space<hbm>>, %arg4: memref<51200x64xf32, #tpu.memory_space<hbm>>, %arg5: memref<1600xi32, #tpu.memory_space<vmem>>, %arg6: memref<1600x64xf32, #tpu.memory_space<vmem>>, %arg7: memref<!tpu.dma_semaphore, #tpu.memory_space<semaphore_mem>>) attributes {dimension_semantics = [#tpu.dimension_semantics<core_parallel>, #tpu.dimension_semantics<subcore_parallel>], iteration_bounds = array<i64: 2, 16>, scalar_prefetch = 0 : i64, scratch_operands = 3 : i64, tpu.core_type = #tpu.core_type<sc_vector_subcore>, window_params = [{transform_indices = #map}, {transform_indices = #map1}, {transform_indices = #map}]} {
    %mul3A = arith.constant 2 : i32
    %mul3A_0 = arith.muli %arg1, %mul3A : i32
    %add3A = arith.addi %mul3A_0, %arg0 : i32
    %mul3A_1 = arith.constant 1600 : i32
    %mul3A_2 = arith.muli %add3A, %mul3A_1 : i32
    "tpu.region"() ({
      %run_scoped3A = tpu.sem_alloc : memref<!tpu.dma_semaphore, #tpu.memory_space<semaphore_mem>>
      %dma_start3A_321 = tpu.memref_slice %arg3[%mul3A_2] : memref<51200xi32, #tpu.memory_space<hbm>> -> memref<1600xi32, #tpu.memory_space<hbm>>
      %dma_start3A_322 = tpu.memref_slice %arg3[%mul3A_2] : memref<51200xi32, #tpu.memory_space<hbm>> -> memref<1600xi32, #tpu.memory_space<hbm>>
      tpu.enqueue_dma source(%dma_start3A_322 : memref<1600xi32, #tpu.memory_space<hbm>>) target(%arg5 : memref<1600xi32, #tpu.memory_space<vmem>>) target_semaphore(%run_scoped3A : memref<!tpu.dma_semaphore, #tpu.memory_space<semaphore_mem>>)
      %dma_wait3A_323 = tpu.memref_slice %arg3[%mul3A_2] : memref<51200xi32, #tpu.memory_space<hbm>> -> memref<1600xi32, #tpu.memory_space<hbm>>
      %dma_wait3A_324 = tpu.memref_slice %arg3[%mul3A_2] : memref<51200xi32, #tpu.memory_space<hbm>> -> memref<1600xi32, #tpu.memory_space<hbm>>
      tpu.wait_dma2 semaphore(%run_scoped3A : memref<!tpu.dma_semaphore, #tpu.memory_space<semaphore_mem>>) src(%dma_wait3A_324 : memref<1600xi32, #tpu.memory_space<hbm>>) dst(%arg5 : memref<1600xi32, #tpu.memory_space<vmem>>)
      tpu.yield
    }) : () -> ()
    %dma_start3A = arith.constant 0 : i32
    %dma_start3A_3 = arith.constant 0 : i32
    %dma_start3A_4 = tpu.memref_slice %arg6[%dma_start3A, %dma_start3A_3] : memref<1600x64xf32, #tpu.memory_space<vmem>> -> memref<80x64xf32, #tpu.memory_space<vmem>>
    %dma_start3A_5 = arith.constant 0 : i32
    %dma_start3A_6 = tpu.memref_slice %arg5[%dma_start3A_5] : memref<1600xi32, #tpu.memory_space<vmem>> -> memref<80xi32, #tpu.memory_space<vmem>>
    %dma_start3A_7 = arith.constant 0 : i32
    %dma_start3A_8 = arith.constant 0 : i32
    %dma_start3A_9 = tpu.memref_slice %arg2[%dma_start3A_7, %dma_start3A_8] : memref<100001x64xf32, #tpu.memory_space<hbm>> -> memref<100001x64xf32, #tpu.memory_space<hbm>>
    tpu.enqueue_indirect_dma source(%dma_start3A_9 : memref<100001x64xf32, #tpu.memory_space<hbm>>) target(%dma_start3A_4 : memref<80x64xf32, #tpu.memory_space<vmem>>) offsets(%dma_start3A_6 : memref<80xi32, #tpu.memory_space<vmem>>) semaphore(%arg7 : memref<!tpu.dma_semaphore, #tpu.memory_space<semaphore_mem>>)
    %dma_start3A_10 = arith.constant 80 : i32
    %dma_start3A_11 = arith.constant 0 : i32
    %dma_start3A_12 = tpu.memref_slice %arg6[%dma_start3A_10, %dma_start3A_11] : memref<1600x64xf32, #tpu.memory_space<vmem>> -> memref<80x64xf32, #tpu.memory_space<vmem>>
    %dma_start3A_13 = arith.constant 80 : i32
    %dma_start3A_14 = tpu.memref_slice %arg5[%dma_start3A_13] : memref<1600xi32, #tpu.memory_space<vmem>> -> memref<80xi32, #tpu.memory_space<vmem>>
    %dma_start3A_15 = arith.constant 0 : i32
    %dma_start3A_16 = arith.constant 0 : i32
    %dma_start3A_17 = tpu.memref_slice %arg2[%dma_start3A_15, %dma_start3A_16] : memref<100001x64xf32, #tpu.memory_space<hbm>> -> memref<100001x64xf32, #tpu.memory_space<hbm>>
    tpu.enqueue_indirect_dma source(%dma_start3A_17 : memref<100001x64xf32, #tpu.memory_space<hbm>>) target(%dma_start3A_12 : memref<80x64xf32, #tpu.memory_space<vmem>>) offsets(%dma_start3A_14 : memref<80xi32, #tpu.memory_space<vmem>>) semaphore(%arg7 : memref<!tpu.dma_semaphore, #tpu.memory_space<semaphore_mem>>)
    %dma_start3A_18 = arith.constant 160 : i32
    %dma_start3A_19 = arith.constant 0 : i32
    %dma_start3A_20 = tpu.memref_slice %arg6[%dma_start3A_18, %dma_start3A_19] : memref<1600x64xf32, #tpu.memory_space<vmem>> -> memref<80x64xf32, #tpu.memory_space<vmem>>
    %dma_start3A_21 = arith.constant 160 : i32
    %dma_start3A_22 = tpu.memref_slice %arg5[%dma_start3A_21] : memref<1600xi32, #tpu.memory_space<vmem>> -> memref<80xi32, #tpu.memory_space<vmem>>
    %dma_start3A_23 = arith.constant 0 : i32
    %dma_start3A_24 = arith.constant 0 : i32
    %dma_start3A_25 = tpu.memref_slice %arg2[%dma_start3A_23, %dma_start3A_24] : memref<100001x64xf32, #tpu.memory_space<hbm>> -> memref<100001x64xf32, #tpu.memory_space<hbm>>
    tpu.enqueue_indirect_dma source(%dma_start3A_25 : memref<100001x64xf32, #tpu.memory_space<hbm>>) target(%dma_start3A_20 : memref<80x64xf32, #tpu.memory_space<vmem>>) offsets(%dma_start3A_22 : memref<80xi32, #tpu.memory_space<vmem>>) semaphore(%arg7 : memref<!tpu.dma_semaphore, #tpu.memory_space<semaphore_mem>>)
    %dma_start3A_26 = arith.constant 240 : i32
    %dma_start3A_27 = arith.constant 0 : i32
    %dma_start3A_28 = tpu.memref_slice %arg6[%dma_start3A_26, %dma_start3A_27] : memref<1600x64xf32, #tpu.memory_space<vmem>> -> memref<80x64xf32, #tpu.memory_space<vmem>>
    %dma_start3A_29 = arith.constant 240 : i32
    %dma_start3A_30 = tpu.memref_slice %arg5[%dma_start3A_29] : memref<1600xi32, #tpu.memory_space<vmem>> -> memref<80xi32, #tpu.memory_space<vmem>>
    %dma_start3A_31 = arith.constant 0 : i32
    %dma_start3A_32 = arith.constant 0 : i32
    %dma_start3A_33 = tpu.memref_slice %arg2[%dma_start3A_31, %dma_start3A_32] : memref<100001x64xf32, #tpu.memory_space<hbm>> -> memref<100001x64xf32, #tpu.memory_space<hbm>>
    tpu.enqueue_indirect_dma source(%dma_start3A_33 : memref<100001x64xf32, #tpu.memory_space<hbm>>) target(%dma_start3A_28 : memref<80x64xf32, #tpu.memory_space<vmem>>) offsets(%dma_start3A_30 : memref<80xi32, #tpu.memory_space<vmem>>) semaphore(%arg7 : memref<!tpu.dma_semaphore, #tpu.memory_space<semaphore_mem>>)
    %dma_start3A_34 = arith.constant 320 : i32
    %dma_start3A_35 = arith.constant 0 : i32
    %dma_start3A_36 = tpu.memref_slice %arg6[%dma_start3A_34, %dma_start3A_35] : memref<1600x64xf32, #tpu.memory_space<vmem>> -> memref<80x64xf32, #tpu.memory_space<vmem>>
    %dma_start3A_37 = arith.constant 320 : i32
    %dma_start3A_38 = tpu.memref_slice %arg5[%dma_start3A_37] : memref<1600xi32, #tpu.memory_space<vmem>> -> memref<80xi32, #tpu.memory_space<vmem>>
    %dma_start3A_39 = arith.constant 0 : i32
    %dma_start3A_40 = arith.constant 0 : i32
    %dma_start3A_41 = tpu.memref_slice %arg2[%dma_start3A_39, %dma_start3A_40] : memref<100001x64xf32, #tpu.memory_space<hbm>> -> memref<100001x64xf32, #tpu.memory_space<hbm>>
    tpu.enqueue_indirect_dma source(%dma_start3A_41 : memref<100001x64xf32, #tpu.memory_space<hbm>>) target(%dma_start3A_36 : memref<80x64xf32, #tpu.memory_space<vmem>>) offsets(%dma_start3A_38 : memref<80xi32, #tpu.memory_space<vmem>>) semaphore(%arg7 : memref<!tpu.dma_semaphore, #tpu.memory_space<semaphore_mem>>)
    %dma_start3A_42 = arith.constant 400 : i32
    %dma_start3A_43 = arith.constant 0 : i32
    %dma_start3A_44 = tpu.memref_slice %arg6[%dma_start3A_42, %dma_start3A_43] : memref<1600x64xf32, #tpu.memory_space<vmem>> -> memref<80x64xf32, #tpu.memory_space<vmem>>
    %dma_start3A_45 = arith.constant 400 : i32
    %dma_start3A_46 = tpu.memref_slice %arg5[%dma_start3A_45] : memref<1600xi32, #tpu.memory_space<vmem>> -> memref<80xi32, #tpu.memory_space<vmem>>
    %dma_start3A_47 = arith.constant 0 : i32
    %dma_start3A_48 = arith.constant 0 : i32
    %dma_start3A_49 = tpu.memref_slice %arg2[%dma_start3A_47, %dma_start3A_48] : memref<100001x64xf32, #tpu.memory_space<hbm>> -> memref<100001x64xf32, #tpu.memory_space<hbm>>
    tpu.enqueue_indirect_dma source(%dma_start3A_49 : memref<100001x64xf32, #tpu.memory_space<hbm>>) target(%dma_start3A_44 : memref<80x64xf32, #tpu.memory_space<vmem>>) offsets(%dma_start3A_46 : memref<80xi32, #tpu.memory_space<vmem>>) semaphore(%arg7 : memref<!tpu.dma_semaphore, #tpu.memory_space<semaphore_mem>>)
    %dma_start3A_50 = arith.constant 480 : i32
    %dma_start3A_51 = arith.constant 0 : i32
    %dma_start3A_52 = tpu.memref_slice %arg6[%dma_start3A_50, %dma_start3A_51] : memref<1600x64xf32, #tpu.memory_space<vmem>> -> memref<80x64xf32, #tpu.memory_space<vmem>>
    %dma_start3A_53 = arith.constant 480 : i32
    %dma_start3A_54 = tpu.memref_slice %arg5[%dma_start3A_53] : memref<1600xi32, #tpu.memory_space<vmem>> -> memref<80xi32, #tpu.memory_space<vmem>>
    %dma_start3A_55 = arith.constant 0 : i32
    %dma_start3A_56 = arith.constant 0 : i32
    %dma_start3A_57 = tpu.memref_slice %arg2[%dma_start3A_55, %dma_start3A_56] : memref<100001x64xf32, #tpu.memory_space<hbm>> -> memref<100001x64xf32, #tpu.memory_space<hbm>>
    tpu.enqueue_indirect_dma source(%dma_start3A_57 : memref<100001x64xf32, #tpu.memory_space<hbm>>) target(%dma_start3A_52 : memref<80x64xf32, #tpu.memory_space<vmem>>) offsets(%dma_start3A_54 : memref<80xi32, #tpu.memory_space<vmem>>) semaphore(%arg7 : memref<!tpu.dma_semaphore, #tpu.memory_space<semaphore_mem>>)
    %dma_start3A_58 = arith.constant 560 : i32
    %dma_start3A_59 = arith.constant 0 : i32
    %dma_start3A_60 = tpu.memref_slice %arg6[%dma_start3A_58, %dma_start3A_59] : memref<1600x64xf32, #tpu.memory_space<vmem>> -> memref<80x64xf32, #tpu.memory_space<vmem>>
    %dma_start3A_61 = arith.constant 560 : i32
    %dma_start3A_62 = tpu.memref_slice %arg5[%dma_start3A_61] : memref<1600xi32, #tpu.memory_space<vmem>> -> memref<80xi32, #tpu.memory_space<vmem>>
    %dma_start3A_63 = arith.constant 0 : i32
    %dma_start3A_64 = arith.constant 0 : i32
    %dma_start3A_65 = tpu.memref_slice %arg2[%dma_start3A_63, %dma_start3A_64] : memref<100001x64xf32, #tpu.memory_space<hbm>> -> memref<100001x64xf32, #tpu.memory_space<hbm>>
    tpu.enqueue_indirect_dma source(%dma_start3A_65 : memref<100001x64xf32, #tpu.memory_space<hbm>>) target(%dma_start3A_60 : memref<80x64xf32, #tpu.memory_space<vmem>>) offsets(%dma_start3A_62 : memref<80xi32, #tpu.memory_space<vmem>>) semaphore(%arg7 : memref<!tpu.dma_semaphore, #tpu.memory_space<semaphore_mem>>)
    %dma_start3A_66 = arith.constant 640 : i32
    %dma_start3A_67 = arith.constant 0 : i32
    %dma_start3A_68 = tpu.memref_slice %arg6[%dma_start3A_66, %dma_start3A_67] : memref<1600x64xf32, #tpu.memory_space<vmem>> -> memref<80x64xf32, #tpu.memory_space<vmem>>
    %dma_start3A_69 = arith.constant 640 : i32
    %dma_start3A_70 = tpu.memref_slice %arg5[%dma_start3A_69] : memref<1600xi32, #tpu.memory_space<vmem>> -> memref<80xi32, #tpu.memory_space<vmem>>
    %dma_start3A_71 = arith.constant 0 : i32
    %dma_start3A_72 = arith.constant 0 : i32
    %dma_start3A_73 = tpu.memref_slice %arg2[%dma_start3A_71, %dma_start3A_72] : memref<100001x64xf32, #tpu.memory_space<hbm>> -> memref<100001x64xf32, #tpu.memory_space<hbm>>
    tpu.enqueue_indirect_dma source(%dma_start3A_73 : memref<100001x64xf32, #tpu.memory_space<hbm>>) target(%dma_start3A_68 : memref<80x64xf32, #tpu.memory_space<vmem>>) offsets(%dma_start3A_70 : memref<80xi32, #tpu.memory_space<vmem>>) semaphore(%arg7 : memref<!tpu.dma_semaphore, #tpu.memory_space<semaphore_mem>>)
    %dma_start3A_74 = arith.constant 720 : i32
    %dma_start3A_75 = arith.constant 0 : i32
    %dma_start3A_76 = tpu.memref_slice %arg6[%dma_start3A_74, %dma_start3A_75] : memref<1600x64xf32, #tpu.memory_space<vmem>> -> memref<80x64xf32, #tpu.memory_space<vmem>>
    %dma_start3A_77 = arith.constant 720 : i32
    %dma_start3A_78 = tpu.memref_slice %arg5[%dma_start3A_77] : memref<1600xi32, #tpu.memory_space<vmem>> -> memref<80xi32, #tpu.memory_space<vmem>>
    %dma_start3A_79 = arith.constant 0 : i32
    %dma_start3A_80 = arith.constant 0 : i32
    %dma_start3A_81 = tpu.memref_slice %arg2[%dma_start3A_79, %dma_start3A_80] : memref<100001x64xf32, #tpu.memory_space<hbm>> -> memref<100001x64xf32, #tpu.memory_space<hbm>>
    tpu.enqueue_indirect_dma source(%dma_start3A_81 : memref<100001x64xf32, #tpu.memory_space<hbm>>) target(%dma_start3A_76 : memref<80x64xf32, #tpu.memory_space<vmem>>) offsets(%dma_start3A_78 : memref<80xi32, #tpu.memory_space<vmem>>) semaphore(%arg7 : memref<!tpu.dma_semaphore, #tpu.memory_space<semaphore_mem>>)
    %dma_start3A_82 = arith.constant 800 : i32
    %dma_start3A_83 = arith.constant 0 : i32
    %dma_start3A_84 = tpu.memref_slice %arg6[%dma_start3A_82, %dma_start3A_83] : memref<1600x64xf32, #tpu.memory_space<vmem>> -> memref<80x64xf32, #tpu.memory_space<vmem>>
    %dma_start3A_85 = arith.constant 800 : i32
    %dma_start3A_86 = tpu.memref_slice %arg5[%dma_start3A_85] : memref<1600xi32, #tpu.memory_space<vmem>> -> memref<80xi32, #tpu.memory_space<vmem>>
    %dma_start3A_87 = arith.constant 0 : i32
    %dma_start3A_88 = arith.constant 0 : i32
    %dma_start3A_89 = tpu.memref_slice %arg2[%dma_start3A_87, %dma_start3A_88] : memref<100001x64xf32, #tpu.memory_space<hbm>> -> memref<100001x64xf32, #tpu.memory_space<hbm>>
    tpu.enqueue_indirect_dma source(%dma_start3A_89 : memref<100001x64xf32, #tpu.memory_space<hbm>>) target(%dma_start3A_84 : memref<80x64xf32, #tpu.memory_space<vmem>>) offsets(%dma_start3A_86 : memref<80xi32, #tpu.memory_space<vmem>>) semaphore(%arg7 : memref<!tpu.dma_semaphore, #tpu.memory_space<semaphore_mem>>)
    %dma_start3A_90 = arith.constant 880 : i32
    %dma_start3A_91 = arith.constant 0 : i32
    %dma_start3A_92 = tpu.memref_slice %arg6[%dma_start3A_90, %dma_start3A_91] : memref<1600x64xf32, #tpu.memory_space<vmem>> -> memref<80x64xf32, #tpu.memory_space<vmem>>
    %dma_start3A_93 = arith.constant 880 : i32
    %dma_start3A_94 = tpu.memref_slice %arg5[%dma_start3A_93] : memref<1600xi32, #tpu.memory_space<vmem>> -> memref<80xi32, #tpu.memory_space<vmem>>
    %dma_start3A_95 = arith.constant 0 : i32
    %dma_start3A_96 = arith.constant 0 : i32
    %dma_start3A_97 = tpu.memref_slice %arg2[%dma_start3A_95, %dma_start3A_96] : memref<100001x64xf32, #tpu.memory_space<hbm>> -> memref<100001x64xf32, #tpu.memory_space<hbm>>
    tpu.enqueue_indirect_dma source(%dma_start3A_97 : memref<100001x64xf32, #tpu.memory_space<hbm>>) target(%dma_start3A_92 : memref<80x64xf32, #tpu.memory_space<vmem>>) offsets(%dma_start3A_94 : memref<80xi32, #tpu.memory_space<vmem>>) semaphore(%arg7 : memref<!tpu.dma_semaphore, #tpu.memory_space<semaphore_mem>>)
    %dma_start3A_98 = arith.constant 960 : i32
    %dma_start3A_99 = arith.constant 0 : i32
    %dma_start3A_100 = tpu.memref_slice %arg6[%dma_start3A_98, %dma_start3A_99] : memref<1600x64xf32, #tpu.memory_space<vmem>> -> memref<80x64xf32, #tpu.memory_space<vmem>>
    %dma_start3A_101 = arith.constant 960 : i32
    %dma_start3A_102 = tpu.memref_slice %arg5[%dma_start3A_101] : memref<1600xi32, #tpu.memory_space<vmem>> -> memref<80xi32, #tpu.memory_space<vmem>>
    %dma_start3A_103 = arith.constant 0 : i32
    %dma_start3A_104 = arith.constant 0 : i32
    %dma_start3A_105 = tpu.memref_slice %arg2[%dma_start3A_103, %dma_start3A_104] : memref<100001x64xf32, #tpu.memory_space<hbm>> -> memref<100001x64xf32, #tpu.memory_space<hbm>>
    tpu.enqueue_indirect_dma source(%dma_start3A_105 : memref<100001x64xf32, #tpu.memory_space<hbm>>) target(%dma_start3A_100 : memref<80x64xf32, #tpu.memory_space<vmem>>) offsets(%dma_start3A_102 : memref<80xi32, #tpu.memory_space<vmem>>) semaphore(%arg7 : memref<!tpu.dma_semaphore, #tpu.memory_space<semaphore_mem>>)
    %dma_start3A_106 = arith.constant 1040 : i32
    %dma_start3A_107 = arith.constant 0 : i32
    %dma_start3A_108 = tpu.memref_slice %arg6[%dma_start3A_106, %dma_start3A_107] : memref<1600x64xf32, #tpu.memory_space<vmem>> -> memref<80x64xf32, #tpu.memory_space<vmem>>
    %dma_start3A_109 = arith.constant 1040 : i32
    %dma_start3A_110 = tpu.memref_slice %arg5[%dma_start3A_109] : memref<1600xi32, #tpu.memory_space<vmem>> -> memref<80xi32, #tpu.memory_space<vmem>>
    %dma_start3A_111 = arith.constant 0 : i32
    %dma_start3A_112 = arith.constant 0 : i32
    %dma_start3A_113 = tpu.memref_slice %arg2[%dma_start3A_111, %dma_start3A_112] : memref<100001x64xf32, #tpu.memory_space<hbm>> -> memref<100001x64xf32, #tpu.memory_space<hbm>>
    tpu.enqueue_indirect_dma source(%dma_start3A_113 : memref<100001x64xf32, #tpu.memory_space<hbm>>) target(%dma_start3A_108 : memref<80x64xf32, #tpu.memory_space<vmem>>) offsets(%dma_start3A_110 : memref<80xi32, #tpu.memory_space<vmem>>) semaphore(%arg7 : memref<!tpu.dma_semaphore, #tpu.memory_space<semaphore_mem>>)
    %dma_start3A_114 = arith.constant 1120 : i32
    %dma_start3A_115 = arith.constant 0 : i32
    %dma_start3A_116 = tpu.memref_slice %arg6[%dma_start3A_114, %dma_start3A_115] : memref<1600x64xf32, #tpu.memory_space<vmem>> -> memref<80x64xf32, #tpu.memory_space<vmem>>
    %dma_start3A_117 = arith.constant 1120 : i32
    %dma_start3A_118 = tpu.memref_slice %arg5[%dma_start3A_117] : memref<1600xi32, #tpu.memory_space<vmem>> -> memref<80xi32, #tpu.memory_space<vmem>>
    %dma_start3A_119 = arith.constant 0 : i32
    %dma_start3A_120 = arith.constant 0 : i32
    %dma_start3A_121 = tpu.memref_slice %arg2[%dma_start3A_119, %dma_start3A_120] : memref<100001x64xf32, #tpu.memory_space<hbm>> -> memref<100001x64xf32, #tpu.memory_space<hbm>>
    tpu.enqueue_indirect_dma source(%dma_start3A_121 : memref<100001x64xf32, #tpu.memory_space<hbm>>) target(%dma_start3A_116 : memref<80x64xf32, #tpu.memory_space<vmem>>) offsets(%dma_start3A_118 : memref<80xi32, #tpu.memory_space<vmem>>) semaphore(%arg7 : memref<!tpu.dma_semaphore, #tpu.memory_space<semaphore_mem>>)
    %dma_start3A_122 = arith.constant 1200 : i32
    %dma_start3A_123 = arith.constant 0 : i32
    %dma_start3A_124 = tpu.memref_slice %arg6[%dma_start3A_122, %dma_start3A_123] : memref<1600x64xf32, #tpu.memory_space<vmem>> -> memref<80x64xf32, #tpu.memory_space<vmem>>
    %dma_start3A_125 = arith.constant 1200 : i32
    %dma_start3A_126 = tpu.memref_slice %arg5[%dma_start3A_125] : memref<1600xi32, #tpu.memory_space<vmem>> -> memref<80xi32, #tpu.memory_space<vmem>>
    %dma_start3A_127 = arith.constant 0 : i32
    %dma_start3A_128 = arith.constant 0 : i32
    %dma_start3A_129 = tpu.memref_slice %arg2[%dma_start3A_127, %dma_start3A_128] : memref<100001x64xf32, #tpu.memory_space<hbm>> -> memref<100001x64xf32, #tpu.memory_space<hbm>>
    tpu.enqueue_indirect_dma source(%dma_start3A_129 : memref<100001x64xf32, #tpu.memory_space<hbm>>) target(%dma_start3A_124 : memref<80x64xf32, #tpu.memory_space<vmem>>) offsets(%dma_start3A_126 : memref<80xi32, #tpu.memory_space<vmem>>) semaphore(%arg7 : memref<!tpu.dma_semaphore, #tpu.memory_space<semaphore_mem>>)
    %dma_start3A_130 = arith.constant 1280 : i32
    %dma_start3A_131 = arith.constant 0 : i32
    %dma_start3A_132 = tpu.memref_slice %arg6[%dma_start3A_130, %dma_start3A_131] : memref<1600x64xf32, #tpu.memory_space<vmem>> -> memref<80x64xf32, #tpu.memory_space<vmem>>
    %dma_start3A_133 = arith.constant 1280 : i32
    %dma_start3A_134 = tpu.memref_slice %arg5[%dma_start3A_133] : memref<1600xi32, #tpu.memory_space<vmem>> -> memref<80xi32, #tpu.memory_space<vmem>>
    %dma_start3A_135 = arith.constant 0 : i32
    %dma_start3A_136 = arith.constant 0 : i32
    %dma_start3A_137 = tpu.memref_slice %arg2[%dma_start3A_135, %dma_start3A_136] : memref<100001x64xf32, #tpu.memory_space<hbm>> -> memref<100001x64xf32, #tpu.memory_space<hbm>>
    tpu.enqueue_indirect_dma source(%dma_start3A_137 : memref<100001x64xf32, #tpu.memory_space<hbm>>) target(%dma_start3A_132 : memref<80x64xf32, #tpu.memory_space<vmem>>) offsets(%dma_start3A_134 : memref<80xi32, #tpu.memory_space<vmem>>) semaphore(%arg7 : memref<!tpu.dma_semaphore, #tpu.memory_space<semaphore_mem>>)
    %dma_start3A_138 = arith.constant 1360 : i32
    %dma_start3A_139 = arith.constant 0 : i32
    %dma_start3A_140 = tpu.memref_slice %arg6[%dma_start3A_138, %dma_start3A_139] : memref<1600x64xf32, #tpu.memory_space<vmem>> -> memref<80x64xf32, #tpu.memory_space<vmem>>
    %dma_start3A_141 = arith.constant 1360 : i32
    %dma_start3A_142 = tpu.memref_slice %arg5[%dma_start3A_141] : memref<1600xi32, #tpu.memory_space<vmem>> -> memref<80xi32, #tpu.memory_space<vmem>>
    %dma_start3A_143 = arith.constant 0 : i32
    %dma_start3A_144 = arith.constant 0 : i32
    %dma_start3A_145 = tpu.memref_slice %arg2[%dma_start3A_143, %dma_start3A_144] : memref<100001x64xf32, #tpu.memory_space<hbm>> -> memref<100001x64xf32, #tpu.memory_space<hbm>>
    tpu.enqueue_indirect_dma source(%dma_start3A_145 : memref<100001x64xf32, #tpu.memory_space<hbm>>) target(%dma_start3A_140 : memref<80x64xf32, #tpu.memory_space<vmem>>) offsets(%dma_start3A_142 : memref<80xi32, #tpu.memory_space<vmem>>) semaphore(%arg7 : memref<!tpu.dma_semaphore, #tpu.memory_space<semaphore_mem>>)
    %dma_start3A_146 = arith.constant 1440 : i32
    %dma_start3A_147 = arith.constant 0 : i32
    %dma_start3A_148 = tpu.memref_slice %arg6[%dma_start3A_146, %dma_start3A_147] : memref<1600x64xf32, #tpu.memory_space<vmem>> -> memref<80x64xf32, #tpu.memory_space<vmem>>
    %dma_start3A_149 = arith.constant 1440 : i32
    %dma_start3A_150 = tpu.memref_slice %arg5[%dma_start3A_149] : memref<1600xi32, #tpu.memory_space<vmem>> -> memref<80xi32, #tpu.memory_space<vmem>>
    %dma_start3A_151 = arith.constant 0 : i32
    %dma_start3A_152 = arith.constant 0 : i32
    %dma_start3A_153 = tpu.memref_slice %arg2[%dma_start3A_151, %dma_start3A_152] : memref<100001x64xf32, #tpu.memory_space<hbm>> -> memref<100001x64xf32, #tpu.memory_space<hbm>>
    tpu.enqueue_indirect_dma source(%dma_start3A_153 : memref<100001x64xf32, #tpu.memory_space<hbm>>) target(%dma_start3A_148 : memref<80x64xf32, #tpu.memory_space<vmem>>) offsets(%dma_start3A_150 : memref<80xi32, #tpu.memory_space<vmem>>) semaphore(%arg7 : memref<!tpu.dma_semaphore, #tpu.memory_space<semaphore_mem>>)
    %dma_start3A_154 = arith.constant 1520 : i32
    %dma_start3A_155 = arith.constant 0 : i32
    %dma_start3A_156 = tpu.memref_slice %arg6[%dma_start3A_154, %dma_start3A_155] : memref<1600x64xf32, #tpu.memory_space<vmem>> -> memref<80x64xf32, #tpu.memory_space<vmem>>
    %dma_start3A_157 = arith.constant 1520 : i32
    %dma_start3A_158 = tpu.memref_slice %arg5[%dma_start3A_157] : memref<1600xi32, #tpu.memory_space<vmem>> -> memref<80xi32, #tpu.memory_space<vmem>>
    %dma_start3A_159 = arith.constant 0 : i32
    %dma_start3A_160 = arith.constant 0 : i32
    %dma_start3A_161 = tpu.memref_slice %arg2[%dma_start3A_159, %dma_start3A_160] : memref<100001x64xf32, #tpu.memory_space<hbm>> -> memref<100001x64xf32, #tpu.memory_space<hbm>>
    tpu.enqueue_indirect_dma source(%dma_start3A_161 : memref<100001x64xf32, #tpu.memory_space<hbm>>) target(%dma_start3A_156 : memref<80x64xf32, #tpu.memory_space<vmem>>) offsets(%dma_start3A_158 : memref<80xi32, #tpu.memory_space<vmem>>) semaphore(%arg7 : memref<!tpu.dma_semaphore, #tpu.memory_space<semaphore_mem>>)
    %dma_wait3A = arith.constant 0 : i32
    %dma_wait3A_162 = arith.constant 0 : i32
    %dma_wait3A_163 = tpu.memref_slice %arg6[%dma_wait3A, %dma_wait3A_162] : memref<1600x64xf32, #tpu.memory_space<vmem>> -> memref<80x64xf32, #tpu.memory_space<vmem>>
    %dma_wait3A_164 = arith.constant 0 : i32
    %dma_wait3A_165 = tpu.memref_slice %arg5[%dma_wait3A_164] : memref<1600xi32, #tpu.memory_space<vmem>> -> memref<80xi32, #tpu.memory_space<vmem>>
    %dma_wait3A_166 = arith.constant 0 : i32
    %dma_wait3A_167 = arith.constant 0 : i32
    %dma_wait3A_168 = tpu.memref_slice %arg2[%dma_wait3A_166, %dma_wait3A_167] : memref<100001x64xf32, #tpu.memory_space<hbm>> -> memref<100001x64xf32, #tpu.memory_space<hbm>>
    tpu.wait_indirect_dma semaphore(%arg7 : memref<!tpu.dma_semaphore, #tpu.memory_space<semaphore_mem>>) src(%dma_wait3A_168 : memref<100001x64xf32, #tpu.memory_space<hbm>>) dst(%dma_wait3A_163 : memref<80x64xf32, #tpu.memory_space<vmem>>)
    %dma_wait3A_169 = arith.constant 80 : i32
    %dma_wait3A_170 = arith.constant 0 : i32
    %dma_wait3A_171 = tpu.memref_slice %arg6[%dma_wait3A_169, %dma_wait3A_170] : memref<1600x64xf32, #tpu.memory_space<vmem>> -> memref<80x64xf32, #tpu.memory_space<vmem>>
    %dma_wait3A_172 = arith.constant 80 : i32
    %dma_wait3A_173 = tpu.memref_slice %arg5[%dma_wait3A_172] : memref<1600xi32, #tpu.memory_space<vmem>> -> memref<80xi32, #tpu.memory_space<vmem>>
    %dma_wait3A_174 = arith.constant 0 : i32
    %dma_wait3A_175 = arith.constant 0 : i32
    %dma_wait3A_176 = tpu.memref_slice %arg2[%dma_wait3A_174, %dma_wait3A_175] : memref<100001x64xf32, #tpu.memory_space<hbm>> -> memref<100001x64xf32, #tpu.memory_space<hbm>>
    tpu.wait_indirect_dma semaphore(%arg7 : memref<!tpu.dma_semaphore, #tpu.memory_space<semaphore_mem>>) src(%dma_wait3A_176 : memref<100001x64xf32, #tpu.memory_space<hbm>>) dst(%dma_wait3A_171 : memref<80x64xf32, #tpu.memory_space<vmem>>)
    %dma_wait3A_177 = arith.constant 160 : i32
    %dma_wait3A_178 = arith.constant 0 : i32
    %dma_wait3A_179 = tpu.memref_slice %arg6[%dma_wait3A_177, %dma_wait3A_178] : memref<1600x64xf32, #tpu.memory_space<vmem>> -> memref<80x64xf32, #tpu.memory_space<vmem>>
    %dma_wait3A_180 = arith.constant 160 : i32
    %dma_wait3A_181 = tpu.memref_slice %arg5[%dma_wait3A_180] : memref<1600xi32, #tpu.memory_space<vmem>> -> memref<80xi32, #tpu.memory_space<vmem>>
    %dma_wait3A_182 = arith.constant 0 : i32
    %dma_wait3A_183 = arith.constant 0 : i32
    %dma_wait3A_184 = tpu.memref_slice %arg2[%dma_wait3A_182, %dma_wait3A_183] : memref<100001x64xf32, #tpu.memory_space<hbm>> -> memref<100001x64xf32, #tpu.memory_space<hbm>>
    tpu.wait_indirect_dma semaphore(%arg7 : memref<!tpu.dma_semaphore, #tpu.memory_space<semaphore_mem>>) src(%dma_wait3A_184 : memref<100001x64xf32, #tpu.memory_space<hbm>>) dst(%dma_wait3A_179 : memref<80x64xf32, #tpu.memory_space<vmem>>)
    %dma_wait3A_185 = arith.constant 240 : i32
    %dma_wait3A_186 = arith.constant 0 : i32
    %dma_wait3A_187 = tpu.memref_slice %arg6[%dma_wait3A_185, %dma_wait3A_186] : memref<1600x64xf32, #tpu.memory_space<vmem>> -> memref<80x64xf32, #tpu.memory_space<vmem>>
    %dma_wait3A_188 = arith.constant 240 : i32
    %dma_wait3A_189 = tpu.memref_slice %arg5[%dma_wait3A_188] : memref<1600xi32, #tpu.memory_space<vmem>> -> memref<80xi32, #tpu.memory_space<vmem>>
    %dma_wait3A_190 = arith.constant 0 : i32
    %dma_wait3A_191 = arith.constant 0 : i32
    %dma_wait3A_192 = tpu.memref_slice %arg2[%dma_wait3A_190, %dma_wait3A_191] : memref<100001x64xf32, #tpu.memory_space<hbm>> -> memref<100001x64xf32, #tpu.memory_space<hbm>>
    tpu.wait_indirect_dma semaphore(%arg7 : memref<!tpu.dma_semaphore, #tpu.memory_space<semaphore_mem>>) src(%dma_wait3A_192 : memref<100001x64xf32, #tpu.memory_space<hbm>>) dst(%dma_wait3A_187 : memref<80x64xf32, #tpu.memory_space<vmem>>)
    %dma_wait3A_193 = arith.constant 320 : i32
    %dma_wait3A_194 = arith.constant 0 : i32
    %dma_wait3A_195 = tpu.memref_slice %arg6[%dma_wait3A_193, %dma_wait3A_194] : memref<1600x64xf32, #tpu.memory_space<vmem>> -> memref<80x64xf32, #tpu.memory_space<vmem>>
    %dma_wait3A_196 = arith.constant 320 : i32
    %dma_wait3A_197 = tpu.memref_slice %arg5[%dma_wait3A_196] : memref<1600xi32, #tpu.memory_space<vmem>> -> memref<80xi32, #tpu.memory_space<vmem>>
    %dma_wait3A_198 = arith.constant 0 : i32
    %dma_wait3A_199 = arith.constant 0 : i32
    %dma_wait3A_200 = tpu.memref_slice %arg2[%dma_wait3A_198, %dma_wait3A_199] : memref<100001x64xf32, #tpu.memory_space<hbm>> -> memref<100001x64xf32, #tpu.memory_space<hbm>>
    tpu.wait_indirect_dma semaphore(%arg7 : memref<!tpu.dma_semaphore, #tpu.memory_space<semaphore_mem>>) src(%dma_wait3A_200 : memref<100001x64xf32, #tpu.memory_space<hbm>>) dst(%dma_wait3A_195 : memref<80x64xf32, #tpu.memory_space<vmem>>)
    %dma_wait3A_201 = arith.constant 400 : i32
    %dma_wait3A_202 = arith.constant 0 : i32
    %dma_wait3A_203 = tpu.memref_slice %arg6[%dma_wait3A_201, %dma_wait3A_202] : memref<1600x64xf32, #tpu.memory_space<vmem>> -> memref<80x64xf32, #tpu.memory_space<vmem>>
    %dma_wait3A_204 = arith.constant 400 : i32
    %dma_wait3A_205 = tpu.memref_slice %arg5[%dma_wait3A_204] : memref<1600xi32, #tpu.memory_space<vmem>> -> memref<80xi32, #tpu.memory_space<vmem>>
    %dma_wait3A_206 = arith.constant 0 : i32
    %dma_wait3A_207 = arith.constant 0 : i32
    %dma_wait3A_208 = tpu.memref_slice %arg2[%dma_wait3A_206, %dma_wait3A_207] : memref<100001x64xf32, #tpu.memory_space<hbm>> -> memref<100001x64xf32, #tpu.memory_space<hbm>>
    tpu.wait_indirect_dma semaphore(%arg7 : memref<!tpu.dma_semaphore, #tpu.memory_space<semaphore_mem>>) src(%dma_wait3A_208 : memref<100001x64xf32, #tpu.memory_space<hbm>>) dst(%dma_wait3A_203 : memref<80x64xf32, #tpu.memory_space<vmem>>)
    %dma_wait3A_209 = arith.constant 480 : i32
    %dma_wait3A_210 = arith.constant 0 : i32
    %dma_wait3A_211 = tpu.memref_slice %arg6[%dma_wait3A_209, %dma_wait3A_210] : memref<1600x64xf32, #tpu.memory_space<vmem>> -> memref<80x64xf32, #tpu.memory_space<vmem>>
    %dma_wait3A_212 = arith.constant 480 : i32
    %dma_wait3A_213 = tpu.memref_slice %arg5[%dma_wait3A_212] : memref<1600xi32, #tpu.memory_space<vmem>> -> memref<80xi32, #tpu.memory_space<vmem>>
    %dma_wait3A_214 = arith.constant 0 : i32
    %dma_wait3A_215 = arith.constant 0 : i32
    %dma_wait3A_216 = tpu.memref_slice %arg2[%dma_wait3A_214, %dma_wait3A_215] : memref<100001x64xf32, #tpu.memory_space<hbm>> -> memref<100001x64xf32, #tpu.memory_space<hbm>>
    tpu.wait_indirect_dma semaphore(%arg7 : memref<!tpu.dma_semaphore, #tpu.memory_space<semaphore_mem>>) src(%dma_wait3A_216 : memref<100001x64xf32, #tpu.memory_space<hbm>>) dst(%dma_wait3A_211 : memref<80x64xf32, #tpu.memory_space<vmem>>)
    %dma_wait3A_217 = arith.constant 560 : i32
    %dma_wait3A_218 = arith.constant 0 : i32
    %dma_wait3A_219 = tpu.memref_slice %arg6[%dma_wait3A_217, %dma_wait3A_218] : memref<1600x64xf32, #tpu.memory_space<vmem>> -> memref<80x64xf32, #tpu.memory_space<vmem>>
    %dma_wait3A_220 = arith.constant 560 : i32
    %dma_wait3A_221 = tpu.memref_slice %arg5[%dma_wait3A_220] : memref<1600xi32, #tpu.memory_space<vmem>> -> memref<80xi32, #tpu.memory_space<vmem>>
    %dma_wait3A_222 = arith.constant 0 : i32
    %dma_wait3A_223 = arith.constant 0 : i32
    %dma_wait3A_224 = tpu.memref_slice %arg2[%dma_wait3A_222, %dma_wait3A_223] : memref<100001x64xf32, #tpu.memory_space<hbm>> -> memref<100001x64xf32, #tpu.memory_space<hbm>>
    tpu.wait_indirect_dma semaphore(%arg7 : memref<!tpu.dma_semaphore, #tpu.memory_space<semaphore_mem>>) src(%dma_wait3A_224 : memref<100001x64xf32, #tpu.memory_space<hbm>>) dst(%dma_wait3A_219 : memref<80x64xf32, #tpu.memory_space<vmem>>)
    %dma_wait3A_225 = arith.constant 640 : i32
    %dma_wait3A_226 = arith.constant 0 : i32
    %dma_wait3A_227 = tpu.memref_slice %arg6[%dma_wait3A_225, %dma_wait3A_226] : memref<1600x64xf32, #tpu.memory_space<vmem>> -> memref<80x64xf32, #tpu.memory_space<vmem>>
    %dma_wait3A_228 = arith.constant 640 : i32
    %dma_wait3A_229 = tpu.memref_slice %arg5[%dma_wait3A_228] : memref<1600xi32, #tpu.memory_space<vmem>> -> memref<80xi32, #tpu.memory_space<vmem>>
    %dma_wait3A_230 = arith.constant 0 : i32
    %dma_wait3A_231 = arith.constant 0 : i32
    %dma_wait3A_232 = tpu.memref_slice %arg2[%dma_wait3A_230, %dma_wait3A_231] : memref<100001x64xf32, #tpu.memory_space<hbm>> -> memref<100001x64xf32, #tpu.memory_space<hbm>>
    tpu.wait_indirect_dma semaphore(%arg7 : memref<!tpu.dma_semaphore, #tpu.memory_space<semaphore_mem>>) src(%dma_wait3A_232 : memref<100001x64xf32, #tpu.memory_space<hbm>>) dst(%dma_wait3A_227 : memref<80x64xf32, #tpu.memory_space<vmem>>)
    %dma_wait3A_233 = arith.constant 720 : i32
    %dma_wait3A_234 = arith.constant 0 : i32
    %dma_wait3A_235 = tpu.memref_slice %arg6[%dma_wait3A_233, %dma_wait3A_234] : memref<1600x64xf32, #tpu.memory_space<vmem>> -> memref<80x64xf32, #tpu.memory_space<vmem>>
    %dma_wait3A_236 = arith.constant 720 : i32
    %dma_wait3A_237 = tpu.memref_slice %arg5[%dma_wait3A_236] : memref<1600xi32, #tpu.memory_space<vmem>> -> memref<80xi32, #tpu.memory_space<vmem>>
    %dma_wait3A_238 = arith.constant 0 : i32
    %dma_wait3A_239 = arith.constant 0 : i32
    %dma_wait3A_240 = tpu.memref_slice %arg2[%dma_wait3A_238, %dma_wait3A_239] : memref<100001x64xf32, #tpu.memory_space<hbm>> -> memref<100001x64xf32, #tpu.memory_space<hbm>>
    tpu.wait_indirect_dma semaphore(%arg7 : memref<!tpu.dma_semaphore, #tpu.memory_space<semaphore_mem>>) src(%dma_wait3A_240 : memref<100001x64xf32, #tpu.memory_space<hbm>>) dst(%dma_wait3A_235 : memref<80x64xf32, #tpu.memory_space<vmem>>)
    %dma_wait3A_241 = arith.constant 800 : i32
    %dma_wait3A_242 = arith.constant 0 : i32
    %dma_wait3A_243 = tpu.memref_slice %arg6[%dma_wait3A_241, %dma_wait3A_242] : memref<1600x64xf32, #tpu.memory_space<vmem>> -> memref<80x64xf32, #tpu.memory_space<vmem>>
    %dma_wait3A_244 = arith.constant 800 : i32
    %dma_wait3A_245 = tpu.memref_slice %arg5[%dma_wait3A_244] : memref<1600xi32, #tpu.memory_space<vmem>> -> memref<80xi32, #tpu.memory_space<vmem>>
    %dma_wait3A_246 = arith.constant 0 : i32
    %dma_wait3A_247 = arith.constant 0 : i32
    %dma_wait3A_248 = tpu.memref_slice %arg2[%dma_wait3A_246, %dma_wait3A_247] : memref<100001x64xf32, #tpu.memory_space<hbm>> -> memref<100001x64xf32, #tpu.memory_space<hbm>>
    tpu.wait_indirect_dma semaphore(%arg7 : memref<!tpu.dma_semaphore, #tpu.memory_space<semaphore_mem>>) src(%dma_wait3A_248 : memref<100001x64xf32, #tpu.memory_space<hbm>>) dst(%dma_wait3A_243 : memref<80x64xf32, #tpu.memory_space<vmem>>)
    %dma_wait3A_249 = arith.constant 880 : i32
    %dma_wait3A_250 = arith.constant 0 : i32
    %dma_wait3A_251 = tpu.memref_slice %arg6[%dma_wait3A_249, %dma_wait3A_250] : memref<1600x64xf32, #tpu.memory_space<vmem>> -> memref<80x64xf32, #tpu.memory_space<vmem>>
    %dma_wait3A_252 = arith.constant 880 : i32
    %dma_wait3A_253 = tpu.memref_slice %arg5[%dma_wait3A_252] : memref<1600xi32, #tpu.memory_space<vmem>> -> memref<80xi32, #tpu.memory_space<vmem>>
    %dma_wait3A_254 = arith.constant 0 : i32
    %dma_wait3A_255 = arith.constant 0 : i32
    %dma_wait3A_256 = tpu.memref_slice %arg2[%dma_wait3A_254, %dma_wait3A_255] : memref<100001x64xf32, #tpu.memory_space<hbm>> -> memref<100001x64xf32, #tpu.memory_space<hbm>>
    tpu.wait_indirect_dma semaphore(%arg7 : memref<!tpu.dma_semaphore, #tpu.memory_space<semaphore_mem>>) src(%dma_wait3A_256 : memref<100001x64xf32, #tpu.memory_space<hbm>>) dst(%dma_wait3A_251 : memref<80x64xf32, #tpu.memory_space<vmem>>)
    %dma_wait3A_257 = arith.constant 960 : i32
    %dma_wait3A_258 = arith.constant 0 : i32
    %dma_wait3A_259 = tpu.memref_slice %arg6[%dma_wait3A_257, %dma_wait3A_258] : memref<1600x64xf32, #tpu.memory_space<vmem>> -> memref<80x64xf32, #tpu.memory_space<vmem>>
    %dma_wait3A_260 = arith.constant 960 : i32
    %dma_wait3A_261 = tpu.memref_slice %arg5[%dma_wait3A_260] : memref<1600xi32, #tpu.memory_space<vmem>> -> memref<80xi32, #tpu.memory_space<vmem>>
    %dma_wait3A_262 = arith.constant 0 : i32
    %dma_wait3A_263 = arith.constant 0 : i32
    %dma_wait3A_264 = tpu.memref_slice %arg2[%dma_wait3A_262, %dma_wait3A_263] : memref<100001x64xf32, #tpu.memory_space<hbm>> -> memref<100001x64xf32, #tpu.memory_space<hbm>>
    tpu.wait_indirect_dma semaphore(%arg7 : memref<!tpu.dma_semaphore, #tpu.memory_space<semaphore_mem>>) src(%dma_wait3A_264 : memref<100001x64xf32, #tpu.memory_space<hbm>>) dst(%dma_wait3A_259 : memref<80x64xf32, #tpu.memory_space<vmem>>)
    %dma_wait3A_265 = arith.constant 1040 : i32
    %dma_wait3A_266 = arith.constant 0 : i32
    %dma_wait3A_267 = tpu.memref_slice %arg6[%dma_wait3A_265, %dma_wait3A_266] : memref<1600x64xf32, #tpu.memory_space<vmem>> -> memref<80x64xf32, #tpu.memory_space<vmem>>
    %dma_wait3A_268 = arith.constant 1040 : i32
    %dma_wait3A_269 = tpu.memref_slice %arg5[%dma_wait3A_268] : memref<1600xi32, #tpu.memory_space<vmem>> -> memref<80xi32, #tpu.memory_space<vmem>>
    %dma_wait3A_270 = arith.constant 0 : i32
    %dma_wait3A_271 = arith.constant 0 : i32
    %dma_wait3A_272 = tpu.memref_slice %arg2[%dma_wait3A_270, %dma_wait3A_271] : memref<100001x64xf32, #tpu.memory_space<hbm>> -> memref<100001x64xf32, #tpu.memory_space<hbm>>
    tpu.wait_indirect_dma semaphore(%arg7 : memref<!tpu.dma_semaphore, #tpu.memory_space<semaphore_mem>>) src(%dma_wait3A_272 : memref<100001x64xf32, #tpu.memory_space<hbm>>) dst(%dma_wait3A_267 : memref<80x64xf32, #tpu.memory_space<vmem>>)
    %dma_wait3A_273 = arith.constant 1120 : i32
    %dma_wait3A_274 = arith.constant 0 : i32
    %dma_wait3A_275 = tpu.memref_slice %arg6[%dma_wait3A_273, %dma_wait3A_274] : memref<1600x64xf32, #tpu.memory_space<vmem>> -> memref<80x64xf32, #tpu.memory_space<vmem>>
    %dma_wait3A_276 = arith.constant 1120 : i32
    %dma_wait3A_277 = tpu.memref_slice %arg5[%dma_wait3A_276] : memref<1600xi32, #tpu.memory_space<vmem>> -> memref<80xi32, #tpu.memory_space<vmem>>
    %dma_wait3A_278 = arith.constant 0 : i32
    %dma_wait3A_279 = arith.constant 0 : i32
    %dma_wait3A_280 = tpu.memref_slice %arg2[%dma_wait3A_278, %dma_wait3A_279] : memref<100001x64xf32, #tpu.memory_space<hbm>> -> memref<100001x64xf32, #tpu.memory_space<hbm>>
    tpu.wait_indirect_dma semaphore(%arg7 : memref<!tpu.dma_semaphore, #tpu.memory_space<semaphore_mem>>) src(%dma_wait3A_280 : memref<100001x64xf32, #tpu.memory_space<hbm>>) dst(%dma_wait3A_275 : memref<80x64xf32, #tpu.memory_space<vmem>>)
    %dma_wait3A_281 = arith.constant 1200 : i32
    %dma_wait3A_282 = arith.constant 0 : i32
    %dma_wait3A_283 = tpu.memref_slice %arg6[%dma_wait3A_281, %dma_wait3A_282] : memref<1600x64xf32, #tpu.memory_space<vmem>> -> memref<80x64xf32, #tpu.memory_space<vmem>>
    %dma_wait3A_284 = arith.constant 1200 : i32
    %dma_wait3A_285 = tpu.memref_slice %arg5[%dma_wait3A_284] : memref<1600xi32, #tpu.memory_space<vmem>> -> memref<80xi32, #tpu.memory_space<vmem>>
    %dma_wait3A_286 = arith.constant 0 : i32
    %dma_wait3A_287 = arith.constant 0 : i32
    %dma_wait3A_288 = tpu.memref_slice %arg2[%dma_wait3A_286, %dma_wait3A_287] : memref<100001x64xf32, #tpu.memory_space<hbm>> -> memref<100001x64xf32, #tpu.memory_space<hbm>>
    tpu.wait_indirect_dma semaphore(%arg7 : memref<!tpu.dma_semaphore, #tpu.memory_space<semaphore_mem>>) src(%dma_wait3A_288 : memref<100001x64xf32, #tpu.memory_space<hbm>>) dst(%dma_wait3A_283 : memref<80x64xf32, #tpu.memory_space<vmem>>)
    %dma_wait3A_289 = arith.constant 1280 : i32
    %dma_wait3A_290 = arith.constant 0 : i32
    %dma_wait3A_291 = tpu.memref_slice %arg6[%dma_wait3A_289, %dma_wait3A_290] : memref<1600x64xf32, #tpu.memory_space<vmem>> -> memref<80x64xf32, #tpu.memory_space<vmem>>
    %dma_wait3A_292 = arith.constant 1280 : i32
    %dma_wait3A_293 = tpu.memref_slice %arg5[%dma_wait3A_292] : memref<1600xi32, #tpu.memory_space<vmem>> -> memref<80xi32, #tpu.memory_space<vmem>>
    %dma_wait3A_294 = arith.constant 0 : i32
    %dma_wait3A_295 = arith.constant 0 : i32
    %dma_wait3A_296 = tpu.memref_slice %arg2[%dma_wait3A_294, %dma_wait3A_295] : memref<100001x64xf32, #tpu.memory_space<hbm>> -> memref<100001x64xf32, #tpu.memory_space<hbm>>
    tpu.wait_indirect_dma semaphore(%arg7 : memref<!tpu.dma_semaphore, #tpu.memory_space<semaphore_mem>>) src(%dma_wait3A_296 : memref<100001x64xf32, #tpu.memory_space<hbm>>) dst(%dma_wait3A_291 : memref<80x64xf32, #tpu.memory_space<vmem>>)
    %dma_wait3A_297 = arith.constant 1360 : i32
    %dma_wait3A_298 = arith.constant 0 : i32
    %dma_wait3A_299 = tpu.memref_slice %arg6[%dma_wait3A_297, %dma_wait3A_298] : memref<1600x64xf32, #tpu.memory_space<vmem>> -> memref<80x64xf32, #tpu.memory_space<vmem>>
    %dma_wait3A_300 = arith.constant 1360 : i32
    %dma_wait3A_301 = tpu.memref_slice %arg5[%dma_wait3A_300] : memref<1600xi32, #tpu.memory_space<vmem>> -> memref<80xi32, #tpu.memory_space<vmem>>
    %dma_wait3A_302 = arith.constant 0 : i32
    %dma_wait3A_303 = arith.constant 0 : i32
    %dma_wait3A_304 = tpu.memref_slice %arg2[%dma_wait3A_302, %dma_wait3A_303] : memref<100001x64xf32, #tpu.memory_space<hbm>> -> memref<100001x64xf32, #tpu.memory_space<hbm>>
    tpu.wait_indirect_dma semaphore(%arg7 : memref<!tpu.dma_semaphore, #tpu.memory_space<semaphore_mem>>) src(%dma_wait3A_304 : memref<100001x64xf32, #tpu.memory_space<hbm>>) dst(%dma_wait3A_299 : memref<80x64xf32, #tpu.memory_space<vmem>>)
    %dma_wait3A_305 = arith.constant 1440 : i32
    %dma_wait3A_306 = arith.constant 0 : i32
    %dma_wait3A_307 = tpu.memref_slice %arg6[%dma_wait3A_305, %dma_wait3A_306] : memref<1600x64xf32, #tpu.memory_space<vmem>> -> memref<80x64xf32, #tpu.memory_space<vmem>>
    %dma_wait3A_308 = arith.constant 1440 : i32
    %dma_wait3A_309 = tpu.memref_slice %arg5[%dma_wait3A_308] : memref<1600xi32, #tpu.memory_space<vmem>> -> memref<80xi32, #tpu.memory_space<vmem>>
    %dma_wait3A_310 = arith.constant 0 : i32
    %dma_wait3A_311 = arith.constant 0 : i32
    %dma_wait3A_312 = tpu.memref_slice %arg2[%dma_wait3A_310, %dma_wait3A_311] : memref<100001x64xf32, #tpu.memory_space<hbm>> -> memref<100001x64xf32, #tpu.memory_space<hbm>>
    tpu.wait_indirect_dma semaphore(%arg7 : memref<!tpu.dma_semaphore, #tpu.memory_space<semaphore_mem>>) src(%dma_wait3A_312 : memref<100001x64xf32, #tpu.memory_space<hbm>>) dst(%dma_wait3A_307 : memref<80x64xf32, #tpu.memory_space<vmem>>)
    %dma_wait3A_313 = arith.constant 1520 : i32
    %dma_wait3A_314 = arith.constant 0 : i32
    %dma_wait3A_315 = tpu.memref_slice %arg6[%dma_wait3A_313, %dma_wait3A_314] : memref<1600x64xf32, #tpu.memory_space<vmem>> -> memref<80x64xf32, #tpu.memory_space<vmem>>
    %dma_wait3A_316 = arith.constant 1520 : i32
    %dma_wait3A_317 = tpu.memref_slice %arg5[%dma_wait3A_316] : memref<1600xi32, #tpu.memory_space<vmem>> -> memref<80xi32, #tpu.memory_space<vmem>>
    %dma_wait3A_318 = arith.constant 0 : i32
    %dma_wait3A_319 = arith.constant 0 : i32
    %dma_wait3A_320 = tpu.memref_slice %arg2[%dma_wait3A_318, %dma_wait3A_319] : memref<100001x64xf32, #tpu.memory_space<hbm>> -> memref<100001x64xf32, #tpu.memory_space<hbm>>
    tpu.wait_indirect_dma semaphore(%arg7 : memref<!tpu.dma_semaphore, #tpu.memory_space<semaphore_mem>>) src(%dma_wait3A_320 : memref<100001x64xf32, #tpu.memory_space<hbm>>) dst(%dma_wait3A_315 : memref<80x64xf32, #tpu.memory_space<vmem>>)
    "tpu.region"() ({
      %run_scoped3A = tpu.sem_alloc : memref<!tpu.dma_semaphore, #tpu.memory_space<semaphore_mem>>
      %dma_start3A_321 = arith.constant 0 : i32
      %dma_start3A_322 = tpu.memref_slice %arg4[%mul3A_2, %dma_start3A_321] : memref<51200x64xf32, #tpu.memory_space<hbm>> -> memref<1600x64xf32, #tpu.memory_space<hbm>>
      %dma_start3A_323 = arith.constant 0 : i32
      %dma_start3A_324 = tpu.memref_slice %arg4[%mul3A_2, %dma_start3A_323] : memref<51200x64xf32, #tpu.memory_space<hbm>> -> memref<1600x64xf32, #tpu.memory_space<hbm>>
      tpu.enqueue_dma source(%arg6 : memref<1600x64xf32, #tpu.memory_space<vmem>>) target(%dma_start3A_324 : memref<1600x64xf32, #tpu.memory_space<hbm>>) target_semaphore(%run_scoped3A : memref<!tpu.dma_semaphore, #tpu.memory_space<semaphore_mem>>)
      %dma_wait3A_325 = arith.constant 0 : i32
      %dma_wait3A_326 = tpu.memref_slice %arg4[%mul3A_2, %dma_wait3A_325] : memref<51200x64xf32, #tpu.memory_space<hbm>> -> memref<1600x64xf32, #tpu.memory_space<hbm>>
      %dma_wait3A_327 = arith.constant 0 : i32
      %dma_wait3A_328 = tpu.memref_slice %arg4[%mul3A_2, %dma_wait3A_327] : memref<51200x64xf32, #tpu.memory_space<hbm>> -> memref<1600x64xf32, #tpu.memory_space<hbm>>
      tpu.wait_dma2 semaphore(%run_scoped3A : memref<!tpu.dma_semaphore, #tpu.memory_space<semaphore_mem>>) src(%arg6 : memref<1600x64xf32, #tpu.memory_space<vmem>>) dst(%dma_wait3A_328 : memref<1600x64xf32, #tpu.memory_space<hbm>>)
      tpu.yield
    }) : () -> ()
    return
  }
}

module attributes {stable_mosaic.version = 14 : i64} {
  func.func @body(%arg0: i32, %arg1: memref<1024x64xf32, #tpu.memory_space<vmem>>, %arg2: memref<2048x64xf32, #tpu.memory_space<vmem>>, %arg3: memref<1x1xf32, #tpu.memory_space<vmem>>, %arg4: memref<1024x2048xf32, #tpu.memory_space<vmem>>) attributes {dimension_semantics = [#tpu.dimension_semantics<arbitrary>], iteration_bounds = array<i64: 49>, scalar_prefetch = 0 : i64, scratch_operands = 0 : i64, tpu.core_type = #tpu.core_type<tc>, window_params = [{pipeline_mode = #tpu.pipeline_mode<synchronous>, transform_indices = @transform_0, window_bounds = array<i64: 1024, 64>}, {transform_indices = @transform_1, window_bounds = array<i64: 2048, 64>}, {pipeline_mode = #tpu.pipeline_mode<synchronous>, transform_indices = @transform_2, window_bounds = array<i64: 1, 1>}, {transform_indices = @transform_3, window_bounds = array<i64: 1024, 2048>}]} {
    %get3A = arith.constant 0 : index
    %get3A_0 = arith.constant 0 : index
    %get3A_1 = vector.load %arg1[%get3A, %get3A_0] : memref<1024x64xf32, #tpu.memory_space<vmem>>, vector<1024x64xf32>
    %get3A_2 = arith.constant 0 : index
    %get3A_3 = arith.constant 0 : index
    %get3A_4 = vector.load %arg2[%get3A_2, %get3A_3] : memref<2048x64xf32, #tpu.memory_space<vmem>>, vector<2048x64xf32>
    %dot_general3A = arith.constant dense<0.000000e+00> : vector<1024x2048xf32>
    %dot_general3A_5 = tpu.matmul %get3A_1, %get3A_4, %dot_general3A {dimension_numbers = #tpu.dot_dimension_numbers<[1], [1], [0], [0], [0, 0, 1, 0], [], []>, transpose_lhs_hint = false} : vector<1024x64xf32>, vector<2048x64xf32>, vector<1024x2048xf32> -> vector<1024x2048xf32>
    %get3A_6 = arith.constant 0 : index
    %get3A_7 = arith.constant 0 : index
    %get3A_8 = vector.load %arg3[%get3A_6, %get3A_7] : memref<1x1xf32, #tpu.memory_space<vmem>>, vector<1x1xf32>
    %add3A = vector.broadcast %get3A_8 : vector<1x1xf32> to vector<1024x2048xf32>
    %add3A_9 = arith.addf %dot_general3A_5, %add3A : vector<1024x2048xf32>
    %swap3A = arith.constant 0 : index
    %swap3A_10 = arith.constant 0 : index
    %swap3A_11 = vector.load %arg4[%swap3A, %swap3A_10] : memref<1024x2048xf32, #tpu.memory_space<vmem>>, vector<1024x2048xf32>
    tpu.vector_store %arg4[%swap3A, %swap3A_10], %add3A_9 {strides = array<i32>} : memref<1024x2048xf32, #tpu.memory_space<vmem>>, vector<1024x2048xf32>,
    return
  }
  func.func @transform_0(%arg0: i32) -> (i32, i32) {
    %c0_i32 = arith.constant 0 : i32
    %c0_i32_0 = arith.constant 0 : i32
    %c0_i32_1 = arith.constant 0 : i32
    return %c0_i32, %c0_i32_0 : i32, i32
  }
  func.func @transform_1(%arg0: i32) -> (i32, i32) {
    %c0_i32 = arith.constant 0 : i32
    %c0_i32_0 = arith.constant 0 : i32
    return %arg0, %c0_i32 : i32, i32
  }
  func.func @transform_2(%arg0: i32) -> (i32, i32) {
    %c0_i32 = arith.constant 0 : i32
    %c0_i32_0 = arith.constant 0 : i32
    %c0_i32_1 = arith.constant 0 : i32
    return %c0_i32, %c0_i32_0 : i32, i32
  }
  func.func @transform_3(%arg0: i32) -> (i32, i32) {
    %c0_i32 = arith.constant 0 : i32
    %c0_i32_0 = arith.constant 0 : i32
    return %c0_i32, %arg0 : i32, i32
  }
}

module attributes {stable_mosaic.version = 14 : i64} {
  func.func @body(%arg0: i32, %arg1: memref<1x8x400x64xf32, #tpu.memory_space<vmem>>, %arg2: memref<1x8x8x50xf32, #tpu.memory_space<vmem>>, %arg3: memref<1x8x400x1xf32, #tpu.memory_space<vmem>>, %arg4: memref<1x8x1x400xf32, #tpu.memory_space<vmem>>, %arg5: memref<2x64x64xf32, #tpu.memory_space<vmem>>, %arg6: memref<6x64xf32, #tpu.memory_space<vmem>>, %arg7: memref<64x64xf32, #tpu.memory_space<vmem>>, %arg8: memref<128x64xf32, #tpu.memory_space<vmem>>, %arg9: memref<64x64xf32, #tpu.memory_space<vmem>>, %arg10: memref<1x64xf32, #tpu.memory_space<vmem>>, %arg11: memref<64x64xf32, #tpu.memory_space<vmem>>, %arg12: memref<1x64xf32, #tpu.memory_space<vmem>>, %arg13: memref<64x1xf32, #tpu.memory_space<vmem>>, %arg14: memref<128x64xf32, #tpu.memory_space<vmem>>, %arg15: memref<1x64xf32, #tpu.memory_space<vmem>>, %arg16: memref<400x400xf32, #tpu.memory_space<vmem>>, %arg17: memref<8x400xf32, #tpu.memory_space<vmem>>, %arg18: memref<8x400xf32, #tpu.memory_space<vmem>>, %arg19: memref<1x8x8x64xf32, #tpu.memory_space<vmem>>) attributes {dimension_semantics = [#tpu.dimension_semantics<arbitrary>], iteration_bounds = array<i64: 16>, scalar_prefetch = 0 : i64, scratch_operands = 0 : i64, tpu.core_type = #tpu.core_type<tc>, window_params = [{transform_indices = @transform_0, window_bounds = array<i64: 1, 8, 400, 64>}, {transform_indices = @transform_1, window_bounds = array<i64: 1, 8, 8, 50>}, {transform_indices = @transform_2, window_bounds = array<i64: 1, 8, 400, 1>}, {transform_indices = @transform_3, window_bounds = array<i64: 1, 8, 1, 400>}, {pipeline_mode = #tpu.pipeline_mode<synchronous>, transform_indices = @transform_4, window_bounds = array<i64: 2, 64, 64>}, {pipeline_mode = #tpu.pipeline_mode<synchronous>, transform_indices = @transform_5, window_bounds = array<i64: 6, 64>}, {pipeline_mode = #tpu.pipeline_mode<synchronous>, transform_indices = @transform_6, window_bounds = array<i64: 64, 64>}, {pipeline_mode = #tpu.pipeline_mode<synchronous>, transform_indices = @transform_7, window_bounds = array<i64: 128, 64>}, {pipeline_mode = #tpu.pipeline_mode<synchronous>, transform_indices = @transform_8, window_bounds = array<i64: 64, 64>}, {pipeline_mode = #tpu.pipeline_mode<synchronous>, transform_indices = @transform_9, window_bounds = array<i64: 1, 64>}, {pipeline_mode = #tpu.pipeline_mode<synchronous>, transform_indices = @transform_10, window_bounds = array<i64: 64, 64>}, {pipeline_mode = #tpu.pipeline_mode<synchronous>, transform_indices = @transform_11, window_bounds = array<i64: 1, 64>}, {pipeline_mode = #tpu.pipeline_mode<synchronous>, transform_indices = @transform_12, window_bounds = array<i64: 64, 1>}, {pipeline_mode = #tpu.pipeline_mode<synchronous>, transform_indices = @transform_13, window_bounds = array<i64: 128, 64>}, {pipeline_mode = #tpu.pipeline_mode<synchronous>, transform_indices = @transform_14, window_bounds = array<i64: 1, 64>}, {pipeline_mode = #tpu.pipeline_mode<synchronous>, transform_indices = @transform_15, window_bounds = array<i64: 400, 400>}, {pipeline_mode = #tpu.pipeline_mode<synchronous>, transform_indices = @transform_16, window_bounds = array<i64: 8, 400>}, {pipeline_mode = #tpu.pipeline_mode<synchronous>, transform_indices = @transform_17, window_bounds = array<i64: 8, 400>}, {transform_indices = @transform_18, window_bounds = array<i64: 1, 8, 8, 64>}]} {
    %broadcast_in_dim3A = arith.constant 1.000000e+00 : f32
    %broadcast_in_dim3A_0 = vector.broadcast %broadcast_in_dim3A : f32 to vector<400x1xf32>
    %get3A = arith.constant 0 : index
    %get3A_1 = arith.constant 0 : index
    %get3A_2 = vector.load %arg16[%get3A, %get3A_1] : memref<400x400xf32, #tpu.memory_space<vmem>>, vector<400x400xf32>
    %get3A_3 = arith.constant 0 : index
    %get3A_4 = arith.constant 0 : index
    %get3A_5 = vector.load %arg17[%get3A_3, %get3A_4] : memref<8x400xf32, #tpu.memory_space<vmem>>, vector<8x400xf32>
    %get3A_6 = arith.constant 0 : index
    %get3A_7 = arith.constant 0 : index
    %get3A_8 = vector.load %arg18[%get3A_6, %get3A_7] : memref<8x400xf32, #tpu.memory_space<vmem>>, vector<8x400xf32>
    %get3A_9 = arith.constant 0 : index
    %get3A_10 = arith.constant 0 : index
    %get3A_11 = arith.constant 0 : index
    %get3A_12 = arith.constant 0 : index
    %get3A_13 = vector.load %arg1[%get3A_9, %get3A_10, %get3A_11, %get3A_12] : memref<1x8x400x64xf32, #tpu.memory_space<vmem>>, vector<1x1x400x64xf32>
    %get3A_14 = vector.shape_cast %get3A_13 : vector<1x1x400x64xf32> to vector<400x64xf32>
    %get3A_15 = arith.constant 0 : index
    %get3A_16 = arith.constant 0 : index
    %get3A_17 = arith.constant 0 : index
    %get3A_18 = arith.constant 0 : index
    %get3A_19 = vector.load %arg2[%get3A_15, %get3A_16, %get3A_17, %get3A_18] : memref<1x8x8x50xf32, #tpu.memory_space<vmem>>, vector<1x1x8x50xf32>
    %get3A_20 = vector.shape_cast %get3A_19 : vector<1x1x8x50xf32> to vector<8x50xf32>
    %get3A_21 = arith.constant 0 : index
    %get3A_22 = arith.constant 0 : index
    %get3A_23 = arith.constant 0 : index
    %get3A_24 = arith.constant 0 : index
    %get3A_25 = vector.load %arg3[%get3A_21, %get3A_22, %get3A_23, %get3A_24] : memref<1x8x400x1xf32, #tpu.memory_space<vmem>>, vector<1x1x400x1xf32>
    %get3A_26 = vector.shape_cast %get3A_25 : vector<1x1x400x1xf32> to vector<400x1xf32>
    %get3A_27 = arith.constant 0 : index
    %get3A_28 = arith.constant 0 : index
    %get3A_29 = arith.constant 0 : index
    %get3A_30 = arith.constant 0 : index
    %get3A_31 = vector.load %arg4[%get3A_27, %get3A_28, %get3A_29, %get3A_30] : memref<1x8x1x400xf32, #tpu.memory_space<vmem>>, vector<1x1x1x400xf32>
    %get3A_32 = vector.shape_cast %get3A_31 : vector<1x1x1x400xf32> to vector<1x400xf32>
    %reduce_sum3A = arith.constant dense<0.000000e+00> : vector<8xf32>
    %reduce_sum3A_33 = vector.multi_reduction <add>, %get3A_20, %reduce_sum3A [1] : vector<8x50xf32> to vector<8xf32>
    %broadcast_in_dim3A_34 = vector.shape_cast %reduce_sum3A_33 : vector<8xf32> to vector<8x1xf32>
    %get3A_35 = arith.constant 0 : index
    %get3A_36 = arith.constant 0 : index
    %get3A_37 = arith.constant 0 : index
    %get3A_38 = vector.load %arg5[%get3A_35, %get3A_36, %get3A_37] : memref<2x64x64xf32, #tpu.memory_space<vmem>>, vector<1x64x64xf32>
    %get3A_39 = vector.shape_cast %get3A_38 : vector<1x64x64xf32> to vector<64x64xf32>
    %get3A_40 = arith.constant 0 : index
    %get3A_41 = arith.constant 0 : index
    %get3A_42 = vector.load %arg6[%get3A_40, %get3A_41] : memref<6x64xf32, #tpu.memory_space<vmem>>, vector<1x64xf32>
    %get3A_43 = arith.constant 1 : index
    %get3A_44 = arith.constant 0 : index
    %get3A_45 = vector.load %arg6[%get3A_43, %get3A_44] : memref<6x64xf32, #tpu.memory_space<vmem>>, vector<1x64xf32>
    %dot_general3A = arith.constant dense<0.000000e+00> : vector<400x64xf32>
    %dot_general3A_46 = tpu.matmul %get3A_14, %get3A_39, %dot_general3A {dimension_numbers = #tpu.dot_dimension_numbers<[1], [0], [0], [1], [0, 0, 1, 1], [], []>, transpose_lhs_hint = false} : vector<400x64xf32>, vector<64x64xf32>, vector<400x64xf32> -> vector<400x64xf32>
    %dot_general3A_47 = arith.constant dense<0.000000e+00> : vector<400x1xf32>
    %dot_general3A_48 = tpu.matmul %get3A_14, %get3A_42, %dot_general3A_47 {dimension_numbers = #tpu.dot_dimension_numbers<[1], [1], [0], [0], [0, 0, 1, 0], [], []>, transpose_lhs_hint = false} : vector<400x64xf32>, vector<1x64xf32>, vector<400x1xf32> -> vector<400x1xf32>
    %dot_general3A_49 = arith.constant dense<0.000000e+00> : vector<1x400xf32>
    %dot_general3A_50 = tpu.matmul %get3A_45, %get3A_14, %dot_general3A_49 {dimension_numbers = #tpu.dot_dimension_numbers<[1], [1], [0], [0], [0, 0, 1, 0], [], []>, transpose_lhs_hint = false} : vector<1x64xf32>, vector<400x64xf32>, vector<1x400xf32> -> vector<1x400xf32>
    %gt3A = arith.constant 0.000000e+00 : f32
    %gt3A_51 = vector.broadcast %gt3A : f32 to vector<1x400xf32>
    %gt3A_52 = arith.cmpf ogt, %get3A_32, %gt3A_51 : vector<1x400xf32>
    %jit3A = arith.constant -1.000000e+30 : f32
    %broadcast_in_dim3A_53 = vector.broadcast %jit3A : f32 to vector<1x400xf32>
    %select_n3A = arith.select %gt3A_52, %dot_general3A_50, %broadcast_in_dim3A_53 : vector<1x400xi1>, vector<1x400xf32>
    %add3A = vector.broadcast %dot_general3A_48 : vector<400x1xf32> to vector<400x400xf32>
    %add3A_54 = vector.broadcast %select_n3A : vector<1x400xf32> to vector<400x400xf32>
    %add3A_55 = arith.addf %add3A, %add3A_54 : vector<400x400xf32>
    %mul3A = arith.constant 2.000000e-01 : f32
    %mul3A_56 = vector.broadcast %mul3A : f32 to vector<400x400xf32>
    %mul3A_57 = arith.mulf %mul3A_56, %add3A_55 : vector<400x400xf32>
    %max3A = arith.maximumf %add3A_55, %mul3A_57 : vector<400x400xf32>
    %exp23A = math.exp2 %max3A : vector<400x400xf32>
    %mul3A_58 = arith.mulf %exp23A, %get3A_2 : vector<400x400xf32>
    %concatenate3A = tpu.concatenate %dot_general3A_46, %broadcast_in_dim3A_0 in 1 : vector<400x64xf32>, vector<400x1xf32> -> vector<400x65xf32>
    %dot_general3A_59 = arith.constant dense<0.000000e+00> : vector<400x65xf32>
    %dot_general3A_60 = tpu.matmul %mul3A_58, %concatenate3A, %dot_general3A_59 {dimension_numbers = #tpu.dot_dimension_numbers<[1], [0], [0], [1], [0, 0, 1, 1], [], []>, transpose_lhs_hint = false} : vector<400x400xf32>, vector<400x65xf32>, vector<400x65xf32> -> vector<400x65xf32>
    %slice3A = vector.extract_strided_slice %dot_general3A_60 {offsets = [0, 0], sizes = [400, 64], strides = [1, 1]} : vector<400x65xf32> to vector<400x64xf32>
    %slice3A_61 = vector.extract_strided_slice %dot_general3A_60 {offsets = [0, 64], sizes = [400, 1], strides = [1, 1]} : vector<400x65xf32> to vector<400x1xf32>
    %div3A = arith.constant 1.000000e+00 : f32
    %div3A_62 = vector.broadcast %div3A : f32 to vector<400x1xf32>
    %div3A_63 = arith.divf %div3A_62, %slice3A_61 : vector<400x1xf32>
    %mul3A_64 = vector.broadcast %div3A_63 : vector<400x1xf32> to vector<400x64xf32>
    %mul3A_65 = arith.mulf %slice3A, %mul3A_64 : vector<400x64xf32>
    %gt3A_66 = arith.constant 0.000000e+00 : f32
    %gt3A_67 = vector.broadcast %gt3A_66 : f32 to vector<400x64xf32>
    %gt3A_68 = arith.cmpf ogt, %mul3A_65, %gt3A_67 : vector<400x64xf32>
    %min3A = arith.constant 0.000000e+00 : f32
    %min3A_69 = vector.broadcast %min3A : f32 to vector<400x64xf32>
    %min3A_70 = arith.minimumf %mul3A_65, %min3A_69 : vector<400x64xf32>
    %exp3A = math.exp %min3A_70 : vector<400x64xf32>
    %sub3A = arith.constant 1.000000e+00 : f32
    %sub3A_71 = vector.broadcast %sub3A : f32 to vector<400x64xf32>
    %sub3A_72 = arith.subf %exp3A, %sub3A_71 : vector<400x64xf32>
    %select_n3A_73 = arith.select %gt3A_68, %mul3A_65, %sub3A_72 : vector<400x64xi1>, vector<400x64xf32>
    %get3A_74 = arith.constant 1 : index
    %get3A_75 = arith.constant 0 : index
    %get3A_76 = arith.constant 0 : index
    %get3A_77 = vector.load %arg5[%get3A_74, %get3A_75, %get3A_76] : memref<2x64x64xf32, #tpu.memory_space<vmem>>, vector<1x64x64xf32>
    %get3A_78 = vector.shape_cast %get3A_77 : vector<1x64x64xf32> to vector<64x64xf32>
    %get3A_79 = arith.constant 2 : index
    %get3A_80 = arith.constant 0 : index
    %get3A_81 = vector.load %arg6[%get3A_79, %get3A_80] : memref<6x64xf32, #tpu.memory_space<vmem>>, vector<1x64xf32>
    %get3A_82 = arith.constant 3 : index
    %get3A_83 = arith.constant 0 : index
    %get3A_84 = vector.load %arg6[%get3A_82, %get3A_83] : memref<6x64xf32, #tpu.memory_space<vmem>>, vector<1x64xf32>
    %dot_general3A_85 = arith.constant dense<0.000000e+00> : vector<400x64xf32>
    %dot_general3A_86 = tpu.matmul %get3A_14, %get3A_78, %dot_general3A_85 {dimension_numbers = #tpu.dot_dimension_numbers<[1], [0], [0], [1], [0, 0, 1, 1], [], []>, transpose_lhs_hint = false} : vector<400x64xf32>, vector<64x64xf32>, vector<400x64xf32> -> vector<400x64xf32>
    %dot_general3A_87 = arith.constant dense<0.000000e+00> : vector<400x1xf32>
    %dot_general3A_88 = tpu.matmul %get3A_14, %get3A_81, %dot_general3A_87 {dimension_numbers = #tpu.dot_dimension_numbers<[1], [1], [0], [0], [0, 0, 1, 0], [], []>, transpose_lhs_hint = false} : vector<400x64xf32>, vector<1x64xf32>, vector<400x1xf32> -> vector<400x1xf32>
    %dot_general3A_89 = arith.constant dense<0.000000e+00> : vector<1x400xf32>
    %dot_general3A_90 = tpu.matmul %get3A_84, %get3A_14, %dot_general3A_89 {dimension_numbers = #tpu.dot_dimension_numbers<[1], [1], [0], [0], [0, 0, 1, 0], [], []>, transpose_lhs_hint = false} : vector<1x64xf32>, vector<400x64xf32>, vector<1x400xf32> -> vector<1x400xf32>
    %gt3A_91 = arith.constant 0.000000e+00 : f32
    %gt3A_92 = vector.broadcast %gt3A_91 : f32 to vector<1x400xf32>
    %gt3A_93 = arith.cmpf ogt, %get3A_32, %gt3A_92 : vector<1x400xf32>
    %jit3A_94 = arith.constant -1.000000e+30 : f32
    %broadcast_in_dim3A_95 = vector.broadcast %jit3A_94 : f32 to vector<1x400xf32>
    %select_n3A_96 = arith.select %gt3A_93, %dot_general3A_90, %broadcast_in_dim3A_95 : vector<1x400xi1>, vector<1x400xf32>
    %add3A_97 = vector.broadcast %dot_general3A_88 : vector<400x1xf32> to vector<400x400xf32>
    %add3A_98 = vector.broadcast %select_n3A_96 : vector<1x400xf32> to vector<400x400xf32>
    %add3A_99 = arith.addf %add3A_97, %add3A_98 : vector<400x400xf32>
    %mul3A_100 = arith.constant 2.000000e-01 : f32
    %mul3A_101 = vector.broadcast %mul3A_100 : f32 to vector<400x400xf32>
    %mul3A_102 = arith.mulf %mul3A_101, %add3A_99 : vector<400x400xf32>
    %max3A_103 = arith.maximumf %add3A_99, %mul3A_102 : vector<400x400xf32>
    %exp23A_104 = math.exp2 %max3A_103 : vector<400x400xf32>
    %mul3A_105 = arith.mulf %exp23A_104, %get3A_2 : vector<400x400xf32>
    %concatenate3A_106 = tpu.concatenate %dot_general3A_86, %broadcast_in_dim3A_0 in 1 : vector<400x64xf32>, vector<400x1xf32> -> vector<400x65xf32>
    %dot_general3A_107 = arith.constant dense<0.000000e+00> : vector<400x65xf32>
    %dot_general3A_108 = tpu.matmul %mul3A_105, %concatenate3A_106, %dot_general3A_107 {dimension_numbers = #tpu.dot_dimension_numbers<[1], [0], [0], [1], [0, 0, 1, 1], [], []>, transpose_lhs_hint = false} : vector<400x400xf32>, vector<400x65xf32>, vector<400x65xf32> -> vector<400x65xf32>
    %slice3A_109 = vector.extract_strided_slice %dot_general3A_108 {offsets = [0, 0], sizes = [400, 64], strides = [1, 1]} : vector<400x65xf32> to vector<400x64xf32>
    %slice3A_110 = vector.extract_strided_slice %dot_general3A_108 {offsets = [0, 64], sizes = [400, 1], strides = [1, 1]} : vector<400x65xf32> to vector<400x1xf32>
    %div3A_111 = arith.constant 1.000000e+00 : f32
    %div3A_112 = vector.broadcast %div3A_111 : f32 to vector<400x1xf32>
    %div3A_113 = arith.divf %div3A_112, %slice3A_110 : vector<400x1xf32>
    %mul3A_114 = vector.broadcast %div3A_113 : vector<400x1xf32> to vector<400x64xf32>
    %mul3A_115 = arith.mulf %slice3A_109, %mul3A_114 : vector<400x64xf32>
    %gt3A_116 = arith.constant 0.000000e+00 : f32
    %gt3A_117 = vector.broadcast %gt3A_116 : f32 to vector<400x64xf32>
    %gt3A_118 = arith.cmpf ogt, %mul3A_115, %gt3A_117 : vector<400x64xf32>
    %min3A_119 = arith.constant 0.000000e+00 : f32
    %min3A_120 = vector.broadcast %min3A_119 : f32 to vector<400x64xf32>
    %min3A_121 = arith.minimumf %mul3A_115, %min3A_120 : vector<400x64xf32>
    %exp3A_122 = math.exp %min3A_121 : vector<400x64xf32>
    %sub3A_123 = arith.constant 1.000000e+00 : f32
    %sub3A_124 = vector.broadcast %sub3A_123 : f32 to vector<400x64xf32>
    %sub3A_125 = arith.subf %exp3A_122, %sub3A_124 : vector<400x64xf32>
    %select_n3A_126 = arith.select %gt3A_118, %mul3A_115, %sub3A_125 : vector<400x64xi1>, vector<400x64xf32>
    %concatenate3A_127 = tpu.concatenate %select_n3A_73, %select_n3A_126 in 1 : vector<400x64xf32>, vector<400x64xf32> -> vector<400x128xf32>
    %get3A_128 = arith.constant 0 : index
    %get3A_129 = arith.constant 0 : index
    %get3A_130 = vector.load %arg8[%get3A_128, %get3A_129] : memref<128x64xf32, #tpu.memory_space<vmem>>, vector<128x64xf32>
    %dot_general3A_131 = arith.constant dense<0.000000e+00> : vector<400x64xf32>
    %dot_general3A_132 = tpu.matmul %concatenate3A_127, %get3A_130, %dot_general3A_131 {dimension_numbers = #tpu.dot_dimension_numbers<[1], [0], [0], [1], [0, 0, 1, 1], [], []>, transpose_lhs_hint = false} : vector<400x128xf32>, vector<128x64xf32>, vector<400x64xf32> -> vector<400x64xf32>
    %gt3A_133 = arith.constant 0.000000e+00 : f32
    %gt3A_134 = vector.broadcast %gt3A_133 : f32 to vector<400x64xf32>
    %gt3A_135 = arith.cmpf ogt, %dot_general3A_132, %gt3A_134 : vector<400x64xf32>
    %min3A_136 = arith.constant 0.000000e+00 : f32
    %min3A_137 = vector.broadcast %min3A_136 : f32 to vector<400x64xf32>
    %min3A_138 = arith.minimumf %dot_general3A_132, %min3A_137 : vector<400x64xf32>
    %exp3A_139 = math.exp %min3A_138 : vector<400x64xf32>
    %sub3A_140 = arith.constant 1.000000e+00 : f32
    %sub3A_141 = vector.broadcast %sub3A_140 : f32 to vector<400x64xf32>
    %sub3A_142 = arith.subf %exp3A_139, %sub3A_141 : vector<400x64xf32>
    %select_n3A_143 = arith.select %gt3A_135, %dot_general3A_132, %sub3A_142 : vector<400x64xi1>, vector<400x64xf32>
    %get3A_144 = arith.constant 0 : index
    %get3A_145 = arith.constant 0 : index
    %get3A_146 = vector.load %arg7[%get3A_144, %get3A_145] : memref<64x64xf32, #tpu.memory_space<vmem>>, vector<64x64xf32>
    %get3A_147 = arith.constant 4 : index
    %get3A_148 = arith.constant 0 : index
    %get3A_149 = vector.load %arg6[%get3A_147, %get3A_148] : memref<6x64xf32, #tpu.memory_space<vmem>>, vector<1x64xf32>
    %get3A_150 = arith.constant 5 : index
    %get3A_151 = arith.constant 0 : index
    %get3A_152 = vector.load %arg6[%get3A_150, %get3A_151] : memref<6x64xf32, #tpu.memory_space<vmem>>, vector<1x64xf32>
    %dot_general3A_153 = arith.constant dense<0.000000e+00> : vector<400x64xf32>
    %dot_general3A_154 = tpu.matmul %select_n3A_143, %get3A_146, %dot_general3A_153 {dimension_numbers = #tpu.dot_dimension_numbers<[1], [0], [0], [1], [0, 0, 1, 1], [], []>, transpose_lhs_hint = false} : vector<400x64xf32>, vector<64x64xf32>, vector<400x64xf32> -> vector<400x64xf32>
    %dot_general3A_155 = arith.constant dense<0.000000e+00> : vector<400x1xf32>
    %dot_general3A_156 = tpu.matmul %select_n3A_143, %get3A_149, %dot_general3A_155 {dimension_numbers = #tpu.dot_dimension_numbers<[1], [1], [0], [0], [0, 0, 1, 0], [], []>, transpose_lhs_hint = false} : vector<400x64xf32>, vector<1x64xf32>, vector<400x1xf32> -> vector<400x1xf32>
    %dot_general3A_157 = arith.constant dense<0.000000e+00> : vector<1x400xf32>
    %dot_general3A_158 = tpu.matmul %get3A_152, %select_n3A_143, %dot_general3A_157 {dimension_numbers = #tpu.dot_dimension_numbers<[1], [1], [0], [0], [0, 0, 1, 0], [], []>, transpose_lhs_hint = false} : vector<1x64xf32>, vector<400x64xf32>, vector<1x400xf32> -> vector<1x400xf32>
    %gt3A_159 = arith.constant 0.000000e+00 : f32
    %gt3A_160 = vector.broadcast %gt3A_159 : f32 to vector<1x400xf32>
    %gt3A_161 = arith.cmpf ogt, %get3A_32, %gt3A_160 : vector<1x400xf32>
    %jit3A_162 = arith.constant -1.000000e+30 : f32
    %broadcast_in_dim3A_163 = vector.broadcast %jit3A_162 : f32 to vector<1x400xf32>
    %select_n3A_164 = arith.select %gt3A_161, %dot_general3A_158, %broadcast_in_dim3A_163 : vector<1x400xi1>, vector<1x400xf32>
    %add3A_165 = vector.broadcast %dot_general3A_156 : vector<400x1xf32> to vector<400x400xf32>
    %add3A_166 = vector.broadcast %select_n3A_164 : vector<1x400xf32> to vector<400x400xf32>
    %add3A_167 = arith.addf %add3A_165, %add3A_166 : vector<400x400xf32>
    %mul3A_168 = arith.constant 2.000000e-01 : f32
    %mul3A_169 = vector.broadcast %mul3A_168 : f32 to vector<400x400xf32>
    %mul3A_170 = arith.mulf %mul3A_169, %add3A_167 : vector<400x400xf32>
    %max3A_171 = arith.maximumf %add3A_167, %mul3A_170 : vector<400x400xf32>
    %exp23A_172 = math.exp2 %max3A_171 : vector<400x400xf32>
    %mul3A_173 = arith.mulf %exp23A_172, %get3A_2 : vector<400x400xf32>
    %concatenate3A_174 = tpu.concatenate %dot_general3A_154, %broadcast_in_dim3A_0 in 1 : vector<400x64xf32>, vector<400x1xf32> -> vector<400x65xf32>
    %dot_general3A_175 = arith.constant dense<0.000000e+00> : vector<400x65xf32>
    %dot_general3A_176 = tpu.matmul %mul3A_173, %concatenate3A_174, %dot_general3A_175 {dimension_numbers = #tpu.dot_dimension_numbers<[1], [0], [0], [1], [0, 0, 1, 1], [], []>, transpose_lhs_hint = false} : vector<400x400xf32>, vector<400x65xf32>, vector<400x65xf32> -> vector<400x65xf32>
    %slice3A_177 = vector.extract_strided_slice %dot_general3A_176 {offsets = [0, 0], sizes = [400, 64], strides = [1, 1]} : vector<400x65xf32> to vector<400x64xf32>
    %slice3A_178 = vector.extract_strided_slice %dot_general3A_176 {offsets = [0, 64], sizes = [400, 1], strides = [1, 1]} : vector<400x65xf32> to vector<400x1xf32>
    %div3A_179 = arith.constant 1.000000e+00 : f32
    %div3A_180 = vector.broadcast %div3A_179 : f32 to vector<400x1xf32>
    %div3A_181 = arith.divf %div3A_180, %slice3A_178 : vector<400x1xf32>
    %mul3A_182 = vector.broadcast %div3A_181 : vector<400x1xf32> to vector<400x64xf32>
    %mul3A_183 = arith.mulf %slice3A_177, %mul3A_182 : vector<400x64xf32>
    %sub3A_184 = arith.constant 1.000000e+00 : f32
    %sub3A_185 = vector.broadcast %sub3A_184 : f32 to vector<8x1xf32>
    %sub3A_186 = arith.subf %broadcast_in_dim3A_34, %sub3A_185 : vector<8x1xf32>
    %eq3A = vector.broadcast %sub3A_186 : vector<8x1xf32> to vector<8x400xf32>
    %eq3A_187 = arith.cmpf oeq, %get3A_8, %eq3A : vector<8x400xf32>
    %convert_element_type3A = arith.extui %eq3A_187 : vector<8x400xi1> to vector<8x400xi32>
    %convert_element_type3A_188 = arith.sitofp %convert_element_type3A : vector<8x400xi32> to vector<8x400xf32>
    %dot_general3A_189 = arith.constant dense<0.000000e+00> : vector<8x64xf32>
    %dot_general3A_190 = tpu.matmul %convert_element_type3A_188, %mul3A_183, %dot_general3A_189 {dimension_numbers = #tpu.dot_dimension_numbers<[1], [0], [0], [1], [0, 0, 1, 1], [], []>, transpose_lhs_hint = false} : vector<8x400xf32>, vector<400x64xf32>, vector<8x64xf32> -> vector<8x64xf32>
    %get3A_191 = arith.constant 0 : index
    %get3A_192 = arith.constant 0 : index
    %get3A_193 = vector.load %arg9[%get3A_191, %get3A_192] : memref<64x64xf32, #tpu.memory_space<vmem>>, vector<64x64xf32>
    %dot_general3A_194 = arith.constant dense<0.000000e+00> : vector<8x64xf32>
    %dot_general3A_195 = tpu.matmul %dot_general3A_190, %get3A_193, %dot_general3A_194 {dimension_numbers = #tpu.dot_dimension_numbers<[1], [0], [0], [1], [0, 0, 1, 1], [], []>, transpose_lhs_hint = false} : vector<8x64xf32>, vector<64x64xf32>, vector<8x64xf32> -> vector<8x64xf32>
    %get3A_196 = arith.constant 0 : index
    %get3A_197 = arith.constant 0 : index
    %get3A_198 = vector.load %arg10[%get3A_196, %get3A_197] : memref<1x64xf32, #tpu.memory_space<vmem>>, vector<1x64xf32>
    %add3A_199 = vector.broadcast %get3A_198 : vector<1x64xf32> to vector<8x64xf32>
    %add3A_200 = arith.addf %dot_general3A_195, %add3A_199 : vector<8x64xf32>
    %dot_general3A_201 = arith.constant dense<0.000000e+00> : vector<400x64xf32>
    %dot_general3A_202 = tpu.matmul %get3A_5, %add3A_200, %dot_general3A_201 {dimension_numbers = #tpu.dot_dimension_numbers<[0], [0], [1], [1], [0, 1, 1, 1], [], []>, transpose_lhs_hint = false} : vector<8x400xf32>, vector<8x64xf32>, vector<400x64xf32> -> vector<400x64xf32>
    %get3A_203 = arith.constant 0 : index
    %get3A_204 = arith.constant 0 : index
    %get3A_205 = vector.load %arg11[%get3A_203, %get3A_204] : memref<64x64xf32, #tpu.memory_space<vmem>>, vector<64x64xf32>
    %dot_general3A_206 = arith.constant dense<0.000000e+00> : vector<400x64xf32>
    %dot_general3A_207 = tpu.matmul %mul3A_183, %get3A_205, %dot_general3A_206 {dimension_numbers = #tpu.dot_dimension_numbers<[1], [0], [0], [1], [0, 0, 1, 1], [], []>, transpose_lhs_hint = false} : vector<400x64xf32>, vector<64x64xf32>, vector<400x64xf32> -> vector<400x64xf32>
    %get3A_208 = arith.constant 0 : index
    %get3A_209 = arith.constant 0 : index
    %get3A_210 = vector.load %arg12[%get3A_208, %get3A_209] : memref<1x64xf32, #tpu.memory_space<vmem>>, vector<1x64xf32>
    %add3A_211 = vector.broadcast %get3A_210 : vector<1x64xf32> to vector<400x64xf32>
    %add3A_212 = arith.addf %dot_general3A_207, %add3A_211 : vector<400x64xf32>
    %add3A_213 = arith.addf %dot_general3A_202, %add3A_212 : vector<400x64xf32>
    %neg3A = arith.constant 0.000000e+00 : f32
    %neg3A_214 = vector.broadcast %neg3A : f32 to vector<400x64xf32>
    %neg3A_215 = arith.subf %neg3A_214, %add3A_213 : vector<400x64xf32>
    %exp3A_216 = math.exp %neg3A_215 : vector<400x64xf32>
    %add3A_217 = arith.constant 1.000000e+00 : f32
    %add3A_218 = vector.broadcast %add3A_217 : f32 to vector<400x64xf32>
    %add3A_219 = arith.addf %add3A_218, %exp3A_216 : vector<400x64xf32>
    %div3A_220 = arith.constant 1.000000e+00 : f32
    %div3A_221 = vector.broadcast %div3A_220 : f32 to vector<400x64xf32>
    %div3A_222 = arith.divf %div3A_221, %add3A_219 : vector<400x64xf32>
    %get3A_223 = arith.constant 0 : index
    %get3A_224 = arith.constant 0 : index
    %get3A_225 = vector.load %arg13[%get3A_223, %get3A_224] : memref<64x1xf32, #tpu.memory_space<vmem>>, vector<64x1xf32>
    %dot_general3A_226 = arith.constant dense<0.000000e+00> : vector<400x1xf32>
    %dot_general3A_227 = tpu.matmul %div3A_222, %get3A_225, %dot_general3A_226 {dimension_numbers = #tpu.dot_dimension_numbers<[1], [0], [0], [1], [0, 0, 1, 1], [], []>, transpose_lhs_hint = false} : vector<400x64xf32>, vector<64x1xf32>, vector<400x1xf32> -> vector<400x1xf32>
    %mul3A_228 = vector.broadcast %dot_general3A_227 : vector<400x1xf32> to vector<400x64xf32>
    %mul3A_229 = arith.mulf %mul3A_228, %mul3A_183 : vector<400x64xf32>
    %mul3A_230 = vector.broadcast %get3A_26 : vector<400x1xf32> to vector<400x64xf32>
    %mul3A_231 = arith.mulf %mul3A_229, %mul3A_230 : vector<400x64xf32>
    %dot_general3A_232 = arith.constant dense<0.000000e+00> : vector<8x64xf32>
    %dot_general3A_233 = tpu.matmul %get3A_5, %mul3A_231, %dot_general3A_232 {dimension_numbers = #tpu.dot_dimension_numbers<[1], [0], [0], [1], [0, 0, 1, 1], [], []>, transpose_lhs_hint = false} : vector<8x400xf32>, vector<400x64xf32>, vector<8x64xf32> -> vector<8x64xf32>
    %concatenate3A_234 = tpu.concatenate %dot_general3A_233, %dot_general3A_190 in 1 : vector<8x64xf32>, vector<8x64xf32> -> vector<8x128xf32>
    %get3A_235 = arith.constant 0 : index
    %get3A_236 = arith.constant 0 : index
    %get3A_237 = vector.load %arg14[%get3A_235, %get3A_236] : memref<128x64xf32, #tpu.memory_space<vmem>>, vector<128x64xf32>
    %dot_general3A_238 = arith.constant dense<0.000000e+00> : vector<8x64xf32>
    %dot_general3A_239 = tpu.matmul %concatenate3A_234, %get3A_237, %dot_general3A_238 {dimension_numbers = #tpu.dot_dimension_numbers<[1], [0], [0], [1], [0, 0, 1, 1], [], []>, transpose_lhs_hint = false} : vector<8x128xf32>, vector<128x64xf32>, vector<8x64xf32> -> vector<8x64xf32>
    %get3A_240 = arith.constant 0 : index
    %get3A_241 = arith.constant 0 : index
    %get3A_242 = vector.load %arg15[%get3A_240, %get3A_241] : memref<1x64xf32, #tpu.memory_space<vmem>>, vector<1x64xf32>
    %add3A_243 = vector.broadcast %get3A_242 : vector<1x64xf32> to vector<8x64xf32>
    %add3A_244 = arith.addf %dot_general3A_239, %add3A_243 : vector<8x64xf32>
    %swap3A = arith.constant 0 : index
    %swap3A_245 = arith.constant 0 : index
    %swap3A_246 = arith.constant 0 : index
    %swap3A_247 = arith.constant 0 : index
    %swap3A_248 = vector.load %arg19[%swap3A, %swap3A_245, %swap3A_246, %swap3A_247] : memref<1x8x8x64xf32, #tpu.memory_space<vmem>>, vector<1x1x8x64xf32>
    %swap3A_249 = vector.shape_cast %swap3A_248 : vector<1x1x8x64xf32> to vector<8x64xf32>
    %swap3A_250 = vector.shape_cast %add3A_244 : vector<8x64xf32> to vector<1x1x8x64xf32>
    tpu.vector_store %arg19[%swap3A, %swap3A_245, %swap3A_246, %swap3A_247], %swap3A_250 {strides = array<i32>} : memref<1x8x8x64xf32, #tpu.memory_space<vmem>>, vector<1x1x8x64xf32>,
    %get3A_251 = arith.constant 0 : index
    %get3A_252 = arith.constant 1 : index
    %get3A_253 = arith.constant 0 : index
    %get3A_254 = arith.constant 0 : index
    %get3A_255 = vector.load %arg1[%get3A_251, %get3A_252, %get3A_253, %get3A_254] : memref<1x8x400x64xf32, #tpu.memory_space<vmem>>, vector<1x1x400x64xf32>
    %get3A_256 = vector.shape_cast %get3A_255 : vector<1x1x400x64xf32> to vector<400x64xf32>
    %get3A_257 = arith.constant 0 : index
    %get3A_258 = arith.constant 1 : index
    %get3A_259 = arith.constant 0 : index
    %get3A_260 = arith.constant 0 : index
    %get3A_261 = vector.load %arg2[%get3A_257, %get3A_258, %get3A_259, %get3A_260] : memref<1x8x8x50xf32, #tpu.memory_space<vmem>>, vector<1x1x8x50xf32>
    %get3A_262 = vector.shape_cast %get3A_261 : vector<1x1x8x50xf32> to vector<8x50xf32>
    %get3A_263 = arith.constant 0 : index
    %get3A_264 = arith.constant 1 : index
    %get3A_265 = arith.constant 0 : index
    %get3A_266 = arith.constant 0 : index
    %get3A_267 = vector.load %arg3[%get3A_263, %get3A_264, %get3A_265, %get3A_266] : memref<1x8x400x1xf32, #tpu.memory_space<vmem>>, vector<1x1x400x1xf32>
    %get3A_268 = vector.shape_cast %get3A_267 : vector<1x1x400x1xf32> to vector<400x1xf32>
    %get3A_269 = arith.constant 0 : index
    %get3A_270 = arith.constant 1 : index
    %get3A_271 = arith.constant 0 : index
    %get3A_272 = arith.constant 0 : index
    %get3A_273 = vector.load %arg4[%get3A_269, %get3A_270, %get3A_271, %get3A_272] : memref<1x8x1x400xf32, #tpu.memory_space<vmem>>, vector<1x1x1x400xf32>
    %get3A_274 = vector.shape_cast %get3A_273 : vector<1x1x1x400xf32> to vector<1x400xf32>
    %reduce_sum3A_275 = arith.constant dense<0.000000e+00> : vector<8xf32>
    %reduce_sum3A_276 = vector.multi_reduction <add>, %get3A_262, %reduce_sum3A_275 [1] : vector<8x50xf32> to vector<8xf32>
    %broadcast_in_dim3A_277 = vector.shape_cast %reduce_sum3A_276 : vector<8xf32> to vector<8x1xf32>
    %get3A_278 = arith.constant 0 : index
    %get3A_279 = arith.constant 0 : index
    %get3A_280 = arith.constant 0 : index
    %get3A_281 = vector.load %arg5[%get3A_278, %get3A_279, %get3A_280] : memref<2x64x64xf32, #tpu.memory_space<vmem>>, vector<1x64x64xf32>
    %get3A_282 = vector.shape_cast %get3A_281 : vector<1x64x64xf32> to vector<64x64xf32>
    %get3A_283 = arith.constant 0 : index
    %get3A_284 = arith.constant 0 : index
    %get3A_285 = vector.load %arg6[%get3A_283, %get3A_284] : memref<6x64xf32, #tpu.memory_space<vmem>>, vector<1x64xf32>
    %get3A_286 = arith.constant 1 : index
    %get3A_287 = arith.constant 0 : index
    %get3A_288 = vector.load %arg6[%get3A_286, %get3A_287] : memref<6x64xf32, #tpu.memory_space<vmem>>, vector<1x64xf32>
    %dot_general3A_289 = arith.constant dense<0.000000e+00> : vector<400x64xf32>
    %dot_general3A_290 = tpu.matmul %get3A_256, %get3A_282, %dot_general3A_289 {dimension_numbers = #tpu.dot_dimension_numbers<[1], [0], [0], [1], [0, 0, 1, 1], [], []>, transpose_lhs_hint = false} : vector<400x64xf32>, vector<64x64xf32>, vector<400x64xf32> -> vector<400x64xf32>
    %dot_general3A_291 = arith.constant dense<0.000000e+00> : vector<400x1xf32>
    %dot_general3A_292 = tpu.matmul %get3A_256, %get3A_285, %dot_general3A_291 {dimension_numbers = #tpu.dot_dimension_numbers<[1], [1], [0], [0], [0, 0, 1, 0], [], []>, transpose_lhs_hint = false} : vector<400x64xf32>, vector<1x64xf32>, vector<400x1xf32> -> vector<400x1xf32>
    %dot_general3A_293 = arith.constant dense<0.000000e+00> : vector<1x400xf32>
    %dot_general3A_294 = tpu.matmul %get3A_288, %get3A_256, %dot_general3A_293 {dimension_numbers = #tpu.dot_dimension_numbers<[1], [1], [0], [0], [0, 0, 1, 0], [], []>, transpose_lhs_hint = false} : vector<1x64xf32>, vector<400x64xf32>, vector<1x400xf32> -> vector<1x400xf32>
    %gt3A_295 = arith.constant 0.000000e+00 : f32
    %gt3A_296 = vector.broadcast %gt3A_295 : f32 to vector<1x400xf32>
    %gt3A_297 = arith.cmpf ogt, %get3A_274, %gt3A_296 : vector<1x400xf32>
    %jit3A_298 = arith.constant -1.000000e+30 : f32
    %broadcast_in_dim3A_299 = vector.broadcast %jit3A_298 : f32 to vector<1x400xf32>
    %select_n3A_300 = arith.select %gt3A_297, %dot_general3A_294, %broadcast_in_dim3A_299 : vector<1x400xi1>, vector<1x400xf32>
    %add3A_301 = vector.broadcast %dot_general3A_292 : vector<400x1xf32> to vector<400x400xf32>
    %add3A_302 = vector.broadcast %select_n3A_300 : vector<1x400xf32> to vector<400x400xf32>
    %add3A_303 = arith.addf %add3A_301, %add3A_302 : vector<400x400xf32>
    %mul3A_304 = arith.constant 2.000000e-01 : f32
    %mul3A_305 = vector.broadcast %mul3A_304 : f32 to vector<400x400xf32>
    %mul3A_306 = arith.mulf %mul3A_305, %add3A_303 : vector<400x400xf32>
    %max3A_307 = arith.maximumf %add3A_303, %mul3A_306 : vector<400x400xf32>
    %exp23A_308 = math.exp2 %max3A_307 : vector<400x400xf32>
    %mul3A_309 = arith.mulf %exp23A_308, %get3A_2 : vector<400x400xf32>
    %concatenate3A_310 = tpu.concatenate %dot_general3A_290, %broadcast_in_dim3A_0 in 1 : vector<400x64xf32>, vector<400x1xf32> -> vector<400x65xf32>
    %dot_general3A_311 = arith.constant dense<0.000000e+00> : vector<400x65xf32>
    %dot_general3A_312 = tpu.matmul %mul3A_309, %concatenate3A_310, %dot_general3A_311 {dimension_numbers = #tpu.dot_dimension_numbers<[1], [0], [0], [1], [0, 0, 1, 1], [], []>, transpose_lhs_hint = false} : vector<400x400xf32>, vector<400x65xf32>, vector<400x65xf32> -> vector<400x65xf32>
    %slice3A_313 = vector.extract_strided_slice %dot_general3A_312 {offsets = [0, 0], sizes = [400, 64], strides = [1, 1]} : vector<400x65xf32> to vector<400x64xf32>
    %slice3A_314 = vector.extract_strided_slice %dot_general3A_312 {offsets = [0, 64], sizes = [400, 1], strides = [1, 1]} : vector<400x65xf32> to vector<400x1xf32>
    %div3A_315 = arith.constant 1.000000e+00 : f32
    %div3A_316 = vector.broadcast %div3A_315 : f32 to vector<400x1xf32>
    %div3A_317 = arith.divf %div3A_316, %slice3A_314 : vector<400x1xf32>
    %mul3A_318 = vector.broadcast %div3A_317 : vector<400x1xf32> to vector<400x64xf32>
    %mul3A_319 = arith.mulf %slice3A_313, %mul3A_318 : vector<400x64xf32>
    %gt3A_320 = arith.constant 0.000000e+00 : f32
    %gt3A_321 = vector.broadcast %gt3A_320 : f32 to vector<400x64xf32>
    %gt3A_322 = arith.cmpf ogt, %mul3A_319, %gt3A_321 : vector<400x64xf32>
    %min3A_323 = arith.constant 0.000000e+00 : f32
    %min3A_324 = vector.broadcast %min3A_323 : f32 to vector<400x64xf32>
    %min3A_325 = arith.minimumf %mul3A_319, %min3A_324 : vector<400x64xf32>
    %exp3A_326 = math.exp %min3A_325 : vector<400x64xf32>
    %sub3A_327 = arith.constant 1.000000e+00 : f32
    %sub3A_328 = vector.broadcast %sub3A_327 : f32 to vector<400x64xf32>
    %sub3A_329 = arith.subf %exp3A_326, %sub3A_328 : vector<400x64xf32>
    %select_n3A_330 = arith.select %gt3A_322, %mul3A_319, %sub3A_329 : vector<400x64xi1>, vector<400x64xf32>
    %get3A_331 = arith.constant 1 : index
    %get3A_332 = arith.constant 0 : index
    %get3A_333 = arith.constant 0 : index
    %get3A_334 = vector.load %arg5[%get3A_331, %get3A_332, %get3A_333] : memref<2x64x64xf32, #tpu.memory_space<vmem>>, vector<1x64x64xf32>
    %get3A_335 = vector.shape_cast %get3A_334 : vector<1x64x64xf32> to vector<64x64xf32>
    %get3A_336 = arith.constant 2 : index
    %get3A_337 = arith.constant 0 : index
    %get3A_338 = vector.load %arg6[%get3A_336, %get3A_337] : memref<6x64xf32, #tpu.memory_space<vmem>>, vector<1x64xf32>
    %get3A_339 = arith.constant 3 : index
    %get3A_340 = arith.constant 0 : index
    %get3A_341 = vector.load %arg6[%get3A_339, %get3A_340] : memref<6x64xf32, #tpu.memory_space<vmem>>, vector<1x64xf32>
    %dot_general3A_342 = arith.constant dense<0.000000e+00> : vector<400x64xf32>
    %dot_general3A_343 = tpu.matmul %get3A_256, %get3A_335, %dot_general3A_342 {dimension_numbers = #tpu.dot_dimension_numbers<[1], [0], [0], [1], [0, 0, 1, 1], [], []>, transpose_lhs_hint = false} : vector<400x64xf32>, vector<64x64xf32>, vector<400x64xf32> -> vector<400x64xf32>
    %dot_general3A_344 = arith.constant dense<0.000000e+00> : vector<400x1xf32>
    %dot_general3A_345 = tpu.matmul %get3A_256, %get3A_338, %dot_general3A_344 {dimension_numbers = #tpu.dot_dimension_numbers<[1], [1], [0], [0], [0, 0, 1, 0], [], []>, transpose_lhs_hint = false} : vector<400x64xf32>, vector<1x64xf32>, vector<400x1xf32> -> vector<400x1xf32>
    %dot_general3A_346 = arith.constant dense<0.000000e+00> : vector<1x400xf32>
    %dot_general3A_347 = tpu.matmul %get3A_341, %get3A_256, %dot_general3A_346 {dimension_numbers = #tpu.dot_dimension_numbers<[1], [1], [0], [0], [0, 0, 1, 0], [], []>, transpose_lhs_hint = false} : vector<1x64xf32>, vector<400x64xf32>, vector<1x400xf32> -> vector<1x400xf32>
    %gt3A_348 = arith.constant 0.000000e+00 : f32
    %gt3A_349 = vector.broadcast %gt3A_348 : f32 to vector<1x400xf32>
    %gt3A_350 = arith.cmpf ogt, %get3A_274, %gt3A_349 : vector<1x400xf32>
    %jit3A_351 = arith.constant -1.000000e+30 : f32
    %broadcast_in_dim3A_352 = vector.broadcast %jit3A_351 : f32 to vector<1x400xf32>
    %select_n3A_353 = arith.select %gt3A_350, %dot_general3A_347, %broadcast_in_dim3A_352 : vector<1x400xi1>, vector<1x400xf32>
    %add3A_354 = vector.broadcast %dot_general3A_345 : vector<400x1xf32> to vector<400x400xf32>
    %add3A_355 = vector.broadcast %select_n3A_353 : vector<1x400xf32> to vector<400x400xf32>
    %add3A_356 = arith.addf %add3A_354, %add3A_355 : vector<400x400xf32>
    %mul3A_357 = arith.constant 2.000000e-01 : f32
    %mul3A_358 = vector.broadcast %mul3A_357 : f32 to vector<400x400xf32>
    %mul3A_359 = arith.mulf %mul3A_358, %add3A_356 : vector<400x400xf32>
    %max3A_360 = arith.maximumf %add3A_356, %mul3A_359 : vector<400x400xf32>
    %exp23A_361 = math.exp2 %max3A_360 : vector<400x400xf32>
    %mul3A_362 = arith.mulf %exp23A_361, %get3A_2 : vector<400x400xf32>
    %concatenate3A_363 = tpu.concatenate %dot_general3A_343, %broadcast_in_dim3A_0 in 1 : vector<400x64xf32>, vector<400x1xf32> -> vector<400x65xf32>
    %dot_general3A_364 = arith.constant dense<0.000000e+00> : vector<400x65xf32>
    %dot_general3A_365 = tpu.matmul %mul3A_362, %concatenate3A_363, %dot_general3A_364 {dimension_numbers = #tpu.dot_dimension_numbers<[1], [0], [0], [1], [0, 0, 1, 1], [], []>, transpose_lhs_hint = false} : vector<400x400xf32>, vector<400x65xf32>, vector<400x65xf32> -> vector<400x65xf32>
    %slice3A_366 = vector.extract_strided_slice %dot_general3A_365 {offsets = [0, 0], sizes = [400, 64], strides = [1, 1]} : vector<400x65xf32> to vector<400x64xf32>
    %slice3A_367 = vector.extract_strided_slice %dot_general3A_365 {offsets = [0, 64], sizes = [400, 1], strides = [1, 1]} : vector<400x65xf32> to vector<400x1xf32>
    %div3A_368 = arith.constant 1.000000e+00 : f32
    %div3A_369 = vector.broadcast %div3A_368 : f32 to vector<400x1xf32>
    %div3A_370 = arith.divf %div3A_369, %slice3A_367 : vector<400x1xf32>
    %mul3A_371 = vector.broadcast %div3A_370 : vector<400x1xf32> to vector<400x64xf32>
    %mul3A_372 = arith.mulf %slice3A_366, %mul3A_371 : vector<400x64xf32>
    %gt3A_373 = arith.constant 0.000000e+00 : f32
    %gt3A_374 = vector.broadcast %gt3A_373 : f32 to vector<400x64xf32>
    %gt3A_375 = arith.cmpf ogt, %mul3A_372, %gt3A_374 : vector<400x64xf32>
    %min3A_376 = arith.constant 0.000000e+00 : f32
    %min3A_377 = vector.broadcast %min3A_376 : f32 to vector<400x64xf32>
    %min3A_378 = arith.minimumf %mul3A_372, %min3A_377 : vector<400x64xf32>
    %exp3A_379 = math.exp %min3A_378 : vector<400x64xf32>
    %sub3A_380 = arith.constant 1.000000e+00 : f32
    %sub3A_381 = vector.broadcast %sub3A_380 : f32 to vector<400x64xf32>
    %sub3A_382 = arith.subf %exp3A_379, %sub3A_381 : vector<400x64xf32>
    %select_n3A_383 = arith.select %gt3A_375, %mul3A_372, %sub3A_382 : vector<400x64xi1>, vector<400x64xf32>
    %concatenate3A_384 = tpu.concatenate %select_n3A_330, %select_n3A_383 in 1 : vector<400x64xf32>, vector<400x64xf32> -> vector<400x128xf32>
    %get3A_385 = arith.constant 0 : index
    %get3A_386 = arith.constant 0 : index
    %get3A_387 = vector.load %arg8[%get3A_385, %get3A_386] : memref<128x64xf32, #tpu.memory_space<vmem>>, vector<128x64xf32>
    %dot_general3A_388 = arith.constant dense<0.000000e+00> : vector<400x64xf32>
    %dot_general3A_389 = tpu.matmul %concatenate3A_384, %get3A_387, %dot_general3A_388 {dimension_numbers = #tpu.dot_dimension_numbers<[1], [0], [0], [1], [0, 0, 1, 1], [], []>, transpose_lhs_hint = false} : vector<400x128xf32>, vector<128x64xf32>, vector<400x64xf32> -> vector<400x64xf32>
    %gt3A_390 = arith.constant 0.000000e+00 : f32
    %gt3A_391 = vector.broadcast %gt3A_390 : f32 to vector<400x64xf32>
    %gt3A_392 = arith.cmpf ogt, %dot_general3A_389, %gt3A_391 : vector<400x64xf32>
    %min3A_393 = arith.constant 0.000000e+00 : f32
    %min3A_394 = vector.broadcast %min3A_393 : f32 to vector<400x64xf32>
    %min3A_395 = arith.minimumf %dot_general3A_389, %min3A_394 : vector<400x64xf32>
    %exp3A_396 = math.exp %min3A_395 : vector<400x64xf32>
    %sub3A_397 = arith.constant 1.000000e+00 : f32
    %sub3A_398 = vector.broadcast %sub3A_397 : f32 to vector<400x64xf32>
    %sub3A_399 = arith.subf %exp3A_396, %sub3A_398 : vector<400x64xf32>
    %select_n3A_400 = arith.select %gt3A_392, %dot_general3A_389, %sub3A_399 : vector<400x64xi1>, vector<400x64xf32>
    %get3A_401 = arith.constant 0 : index
    %get3A_402 = arith.constant 0 : index
    %get3A_403 = vector.load %arg7[%get3A_401, %get3A_402] : memref<64x64xf32, #tpu.memory_space<vmem>>, vector<64x64xf32>
    %get3A_404 = arith.constant 4 : index
    %get3A_405 = arith.constant 0 : index
    %get3A_406 = vector.load %arg6[%get3A_404, %get3A_405] : memref<6x64xf32, #tpu.memory_space<vmem>>, vector<1x64xf32>
    %get3A_407 = arith.constant 5 : index
    %get3A_408 = arith.constant 0 : index
    %get3A_409 = vector.load %arg6[%get3A_407, %get3A_408] : memref<6x64xf32, #tpu.memory_space<vmem>>, vector<1x64xf32>
    %dot_general3A_410 = arith.constant dense<0.000000e+00> : vector<400x64xf32>
    %dot_general3A_411 = tpu.matmul %select_n3A_400, %get3A_403, %dot_general3A_410 {dimension_numbers = #tpu.dot_dimension_numbers<[1], [0], [0], [1], [0, 0, 1, 1], [], []>, transpose_lhs_hint = false} : vector<400x64xf32>, vector<64x64xf32>, vector<400x64xf32> -> vector<400x64xf32>
    %dot_general3A_412 = arith.constant dense<0.000000e+00> : vector<400x1xf32>
    %dot_general3A_413 = tpu.matmul %select_n3A_400, %get3A_406, %dot_general3A_412 {dimension_numbers = #tpu.dot_dimension_numbers<[1], [1], [0], [0], [0, 0, 1, 0], [], []>, transpose_lhs_hint = false} : vector<400x64xf32>, vector<1x64xf32>, vector<400x1xf32> -> vector<400x1xf32>
    %dot_general3A_414 = arith.constant dense<0.000000e+00> : vector<1x400xf32>
    %dot_general3A_415 = tpu.matmul %get3A_409, %select_n3A_400, %dot_general3A_414 {dimension_numbers = #tpu.dot_dimension_numbers<[1], [1], [0], [0], [0, 0, 1, 0], [], []>, transpose_lhs_hint = false} : vector<1x64xf32>, vector<400x64xf32>, vector<1x400xf32> -> vector<1x400xf32>
    %gt3A_416 = arith.constant 0.000000e+00 : f32
    %gt3A_417 = vector.broadcast %gt3A_416 : f32 to vector<1x400xf32>
    %gt3A_418 = arith.cmpf ogt, %get3A_274, %gt3A_417 : vector<1x400xf32>
    %jit3A_419 = arith.constant -1.000000e+30 : f32
    %broadcast_in_dim3A_420 = vector.broadcast %jit3A_419 : f32 to vector<1x400xf32>
    %select_n3A_421 = arith.select %gt3A_418, %dot_general3A_415, %broadcast_in_dim3A_420 : vector<1x400xi1>, vector<1x400xf32>
    %add3A_422 = vector.broadcast %dot_general3A_413 : vector<400x1xf32> to vector<400x400xf32>
    %add3A_423 = vector.broadcast %select_n3A_421 : vector<1x400xf32> to vector<400x400xf32>
    %add3A_424 = arith.addf %add3A_422, %add3A_423 : vector<400x400xf32>
    %mul3A_425 = arith.constant 2.000000e-01 : f32
    %mul3A_426 = vector.broadcast %mul3A_425 : f32 to vector<400x400xf32>
    %mul3A_427 = arith.mulf %mul3A_426, %add3A_424 : vector<400x400xf32>
    %max3A_428 = arith.maximumf %add3A_424, %mul3A_427 : vector<400x400xf32>
    %exp23A_429 = math.exp2 %max3A_428 : vector<400x400xf32>
    %mul3A_430 = arith.mulf %exp23A_429, %get3A_2 : vector<400x400xf32>
    %concatenate3A_431 = tpu.concatenate %dot_general3A_411, %broadcast_in_dim3A_0 in 1 : vector<400x64xf32>, vector<400x1xf32> -> vector<400x65xf32>
    %dot_general3A_432 = arith.constant dense<0.000000e+00> : vector<400x65xf32>
    %dot_general3A_433 = tpu.matmul %mul3A_430, %concatenate3A_431, %dot_general3A_432 {dimension_numbers = #tpu.dot_dimension_numbers<[1], [0], [0], [1], [0, 0, 1, 1], [], []>, transpose_lhs_hint = false} : vector<400x400xf32>, vector<400x65xf32>, vector<400x65xf32> -> vector<400x65xf32>
    %slice3A_434 = vector.extract_strided_slice %dot_general3A_433 {offsets = [0, 0], sizes = [400, 64], strides = [1, 1]} : vector<400x65xf32> to vector<400x64xf32>
    %slice3A_435 = vector.extract_strided_slice %dot_general3A_433 {offsets = [0, 64], sizes = [400, 1], strides = [1, 1]} : vector<400x65xf32> to vector<400x1xf32>
    %div3A_436 = arith.constant 1.000000e+00 : f32
    %div3A_437 = vector.broadcast %div3A_436 : f32 to vector<400x1xf32>
    %div3A_438 = arith.divf %div3A_437, %slice3A_435 : vector<400x1xf32>
    %mul3A_439 = vector.broadcast %div3A_438 : vector<400x1xf32> to vector<400x64xf32>
    %mul3A_440 = arith.mulf %slice3A_434, %mul3A_439 : vector<400x64xf32>
    %sub3A_441 = arith.constant 1.000000e+00 : f32
    %sub3A_442 = vector.broadcast %sub3A_441 : f32 to vector<8x1xf32>
    %sub3A_443 = arith.subf %broadcast_in_dim3A_277, %sub3A_442 : vector<8x1xf32>
    %eq3A_444 = vector.broadcast %sub3A_443 : vector<8x1xf32> to vector<8x400xf32>
    %eq3A_445 = arith.cmpf oeq, %get3A_8, %eq3A_444 : vector<8x400xf32>
    %convert_element_type3A_446 = arith.extui %eq3A_445 : vector<8x400xi1> to vector<8x400xi32>
    %convert_element_type3A_447 = arith.sitofp %convert_element_type3A_446 : vector<8x400xi32> to vector<8x400xf32>
    %dot_general3A_448 = arith.constant dense<0.000000e+00> : vector<8x64xf32>
    %dot_general3A_449 = tpu.matmul %convert_element_type3A_447, %mul3A_440, %dot_general3A_448 {dimension_numbers = #tpu.dot_dimension_numbers<[1], [0], [0], [1], [0, 0, 1, 1], [], []>, transpose_lhs_hint = false} : vector<8x400xf32>, vector<400x64xf32>, vector<8x64xf32> -> vector<8x64xf32>
    %get3A_450 = arith.constant 0 : index
    %get3A_451 = arith.constant 0 : index
    %get3A_452 = vector.load %arg9[%get3A_450, %get3A_451] : memref<64x64xf32, #tpu.memory_space<vmem>>, vector<64x64xf32>
    %dot_general3A_453 = arith.constant dense<0.000000e+00> : vector<8x64xf32>
    %dot_general3A_454 = tpu.matmul %dot_general3A_449, %get3A_452, %dot_general3A_453 {dimension_numbers = #tpu.dot_dimension_numbers<[1], [0], [0], [1], [0, 0, 1, 1], [], []>, transpose_lhs_hint = false} : vector<8x64xf32>, vector<64x64xf32>, vector<8x64xf32> -> vector<8x64xf32>
    %get3A_455 = arith.constant 0 : index
    %get3A_456 = arith.constant 0 : index
    %get3A_457 = vector.load %arg10[%get3A_455, %get3A_456] : memref<1x64xf32, #tpu.memory_space<vmem>>, vector<1x64xf32>
    %add3A_458 = vector.broadcast %get3A_457 : vector<1x64xf32> to vector<8x64xf32>
    %add3A_459 = arith.addf %dot_general3A_454, %add3A_458 : vector<8x64xf32>
    %dot_general3A_460 = arith.constant dense<0.000000e+00> : vector<400x64xf32>
    %dot_general3A_461 = tpu.matmul %get3A_5, %add3A_459, %dot_general3A_460 {dimension_numbers = #tpu.dot_dimension_numbers<[0], [0], [1], [1], [0, 1, 1, 1], [], []>, transpose_lhs_hint = false} : vector<8x400xf32>, vector<8x64xf32>, vector<400x64xf32> -> vector<400x64xf32>
    %get3A_462 = arith.constant 0 : index
    %get3A_463 = arith.constant 0 : index
    %get3A_464 = vector.load %arg11[%get3A_462, %get3A_463] : memref<64x64xf32, #tpu.memory_space<vmem>>, vector<64x64xf32>
    %dot_general3A_465 = arith.constant dense<0.000000e+00> : vector<400x64xf32>
    %dot_general3A_466 = tpu.matmul %mul3A_440, %get3A_464, %dot_general3A_465 {dimension_numbers = #tpu.dot_dimension_numbers<[1], [0], [0], [1], [0, 0, 1, 1], [], []>, transpose_lhs_hint = false} : vector<400x64xf32>, vector<64x64xf32>, vector<400x64xf32> -> vector<400x64xf32>
    %get3A_467 = arith.constant 0 : index
    %get3A_468 = arith.constant 0 : index
    %get3A_469 = vector.load %arg12[%get3A_467, %get3A_468] : memref<1x64xf32, #tpu.memory_space<vmem>>, vector<1x64xf32>
    %add3A_470 = vector.broadcast %get3A_469 : vector<1x64xf32> to vector<400x64xf32>
    %add3A_471 = arith.addf %dot_general3A_466, %add3A_470 : vector<400x64xf32>
    %add3A_472 = arith.addf %dot_general3A_461, %add3A_471 : vector<400x64xf32>
    %neg3A_473 = arith.constant 0.000000e+00 : f32
    %neg3A_474 = vector.broadcast %neg3A_473 : f32 to vector<400x64xf32>
    %neg3A_475 = arith.subf %neg3A_474, %add3A_472 : vector<400x64xf32>
    %exp3A_476 = math.exp %neg3A_475 : vector<400x64xf32>
    %add3A_477 = arith.constant 1.000000e+00 : f32
    %add3A_478 = vector.broadcast %add3A_477 : f32 to vector<400x64xf32>
    %add3A_479 = arith.addf %add3A_478, %exp3A_476 : vector<400x64xf32>
    %div3A_480 = arith.constant 1.000000e+00 : f32
    %div3A_481 = vector.broadcast %div3A_480 : f32 to vector<400x64xf32>
    %div3A_482 = arith.divf %div3A_481, %add3A_479 : vector<400x64xf32>
    %get3A_483 = arith.constant 0 : index
    %get3A_484 = arith.constant 0 : index
    %get3A_485 = vector.load %arg13[%get3A_483, %get3A_484] : memref<64x1xf32, #tpu.memory_space<vmem>>, vector<64x1xf32>
    %dot_general3A_486 = arith.constant dense<0.000000e+00> : vector<400x1xf32>
    %dot_general3A_487 = tpu.matmul %div3A_482, %get3A_485, %dot_general3A_486 {dimension_numbers = #tpu.dot_dimension_numbers<[1], [0], [0], [1], [0, 0, 1, 1], [], []>, transpose_lhs_hint = false} : vector<400x64xf32>, vector<64x1xf32>, vector<400x1xf32> -> vector<400x1xf32>
    %mul3A_488 = vector.broadcast %dot_general3A_487 : vector<400x1xf32> to vector<400x64xf32>
    %mul3A_489 = arith.mulf %mul3A_488, %mul3A_440 : vector<400x64xf32>
    %mul3A_490 = vector.broadcast %get3A_268 : vector<400x1xf32> to vector<400x64xf32>
    %mul3A_491 = arith.mulf %mul3A_489, %mul3A_490 : vector<400x64xf32>
    %dot_general3A_492 = arith.constant dense<0.000000e+00> : vector<8x64xf32>
    %dot_general3A_493 = tpu.matmul %get3A_5, %mul3A_491, %dot_general3A_492 {dimension_numbers = #tpu.dot_dimension_numbers<[1], [0], [0], [1], [0, 0, 1, 1], [], []>, transpose_lhs_hint = false} : vector<8x400xf32>, vector<400x64xf32>, vector<8x64xf32> -> vector<8x64xf32>
    %concatenate3A_494 = tpu.concatenate %dot_general3A_493, %dot_general3A_449 in 1 : vector<8x64xf32>, vector<8x64xf32> -> vector<8x128xf32>
    %get3A_495 = arith.constant 0 : index
    %get3A_496 = arith.constant 0 : index
    %get3A_497 = vector.load %arg14[%get3A_495, %get3A_496] : memref<128x64xf32, #tpu.memory_space<vmem>>, vector<128x64xf32>
    %dot_general3A_498 = arith.constant dense<0.000000e+00> : vector<8x64xf32>
    %dot_general3A_499 = tpu.matmul %concatenate3A_494, %get3A_497, %dot_general3A_498 {dimension_numbers = #tpu.dot_dimension_numbers<[1], [0], [0], [1], [0, 0, 1, 1], [], []>, transpose_lhs_hint = false} : vector<8x128xf32>, vector<128x64xf32>, vector<8x64xf32> -> vector<8x64xf32>
    %get3A_500 = arith.constant 0 : index
    %get3A_501 = arith.constant 0 : index
    %get3A_502 = vector.load %arg15[%get3A_500, %get3A_501] : memref<1x64xf32, #tpu.memory_space<vmem>>, vector<1x64xf32>
    %add3A_503 = vector.broadcast %get3A_502 : vector<1x64xf32> to vector<8x64xf32>
    %add3A_504 = arith.addf %dot_general3A_499, %add3A_503 : vector<8x64xf32>
    %swap3A_505 = arith.constant 0 : index
    %swap3A_506 = arith.constant 1 : index
    %swap3A_507 = arith.constant 0 : index
    %swap3A_508 = arith.constant 0 : index
    %swap3A_509 = vector.load %arg19[%swap3A_505, %swap3A_506, %swap3A_507, %swap3A_508] : memref<1x8x8x64xf32, #tpu.memory_space<vmem>>, vector<1x1x8x64xf32>
    %swap3A_510 = vector.shape_cast %swap3A_509 : vector<1x1x8x64xf32> to vector<8x64xf32>
    %swap3A_511 = vector.shape_cast %add3A_504 : vector<8x64xf32> to vector<1x1x8x64xf32>
    tpu.vector_store %arg19[%swap3A_505, %swap3A_506, %swap3A_507, %swap3A_508], %swap3A_511 {strides = array<i32>} : memref<1x8x8x64xf32, #tpu.memory_space<vmem>>, vector<1x1x8x64xf32>,
    %get3A_512 = arith.constant 0 : index
    %get3A_513 = arith.constant 2 : index
    %get3A_514 = arith.constant 0 : index
    %get3A_515 = arith.constant 0 : index
    %get3A_516 = vector.load %arg1[%get3A_512, %get3A_513, %get3A_514, %get3A_515] : memref<1x8x400x64xf32, #tpu.memory_space<vmem>>, vector<1x1x400x64xf32>
    %get3A_517 = vector.shape_cast %get3A_516 : vector<1x1x400x64xf32> to vector<400x64xf32>
    %get3A_518 = arith.constant 0 : index
    %get3A_519 = arith.constant 2 : index
    %get3A_520 = arith.constant 0 : index
    %get3A_521 = arith.constant 0 : index
    %get3A_522 = vector.load %arg2[%get3A_518, %get3A_519, %get3A_520, %get3A_521] : memref<1x8x8x50xf32, #tpu.memory_space<vmem>>, vector<1x1x8x50xf32>
    %get3A_523 = vector.shape_cast %get3A_522 : vector<1x1x8x50xf32> to vector<8x50xf32>
    %get3A_524 = arith.constant 0 : index
    %get3A_525 = arith.constant 2 : index
    %get3A_526 = arith.constant 0 : index
    %get3A_527 = arith.constant 0 : index
    %get3A_528 = vector.load %arg3[%get3A_524, %get3A_525, %get3A_526, %get3A_527] : memref<1x8x400x1xf32, #tpu.memory_space<vmem>>, vector<1x1x400x1xf32>
    %get3A_529 = vector.shape_cast %get3A_528 : vector<1x1x400x1xf32> to vector<400x1xf32>
    %get3A_530 = arith.constant 0 : index
    %get3A_531 = arith.constant 2 : index
    %get3A_532 = arith.constant 0 : index
    %get3A_533 = arith.constant 0 : index
    %get3A_534 = vector.load %arg4[%get3A_530, %get3A_531, %get3A_532, %get3A_533] : memref<1x8x1x400xf32, #tpu.memory_space<vmem>>, vector<1x1x1x400xf32>
    %get3A_535 = vector.shape_cast %get3A_534 : vector<1x1x1x400xf32> to vector<1x400xf32>
    %reduce_sum3A_536 = arith.constant dense<0.000000e+00> : vector<8xf32>
    %reduce_sum3A_537 = vector.multi_reduction <add>, %get3A_523, %reduce_sum3A_536 [1] : vector<8x50xf32> to vector<8xf32>
    %broadcast_in_dim3A_538 = vector.shape_cast %reduce_sum3A_537 : vector<8xf32> to vector<8x1xf32>
    %get3A_539 = arith.constant 0 : index
    %get3A_540 = arith.constant 0 : index
    %get3A_541 = arith.constant 0 : index
    %get3A_542 = vector.load %arg5[%get3A_539, %get3A_540, %get3A_541] : memref<2x64x64xf32, #tpu.memory_space<vmem>>, vector<1x64x64xf32>
    %get3A_543 = vector.shape_cast %get3A_542 : vector<1x64x64xf32> to vector<64x64xf32>
    %get3A_544 = arith.constant 0 : index
    %get3A_545 = arith.constant 0 : index
    %get3A_546 = vector.load %arg6[%get3A_544, %get3A_545] : memref<6x64xf32, #tpu.memory_space<vmem>>, vector<1x64xf32>
    %get3A_547 = arith.constant 1 : index
    %get3A_548 = arith.constant 0 : index
    %get3A_549 = vector.load %arg6[%get3A_547, %get3A_548] : memref<6x64xf32, #tpu.memory_space<vmem>>, vector<1x64xf32>
    %dot_general3A_550 = arith.constant dense<0.000000e+00> : vector<400x64xf32>
    %dot_general3A_551 = tpu.matmul %get3A_517, %get3A_543, %dot_general3A_550 {dimension_numbers = #tpu.dot_dimension_numbers<[1], [0], [0], [1], [0, 0, 1, 1], [], []>, transpose_lhs_hint = false} : vector<400x64xf32>, vector<64x64xf32>, vector<400x64xf32> -> vector<400x64xf32>
    %dot_general3A_552 = arith.constant dense<0.000000e+00> : vector<400x1xf32>
    %dot_general3A_553 = tpu.matmul %get3A_517, %get3A_546, %dot_general3A_552 {dimension_numbers = #tpu.dot_dimension_numbers<[1], [1], [0], [0], [0, 0, 1, 0], [], []>, transpose_lhs_hint = false} : vector<400x64xf32>, vector<1x64xf32>, vector<400x1xf32> -> vector<400x1xf32>
    %dot_general3A_554 = arith.constant dense<0.000000e+00> : vector<1x400xf32>
    %dot_general3A_555 = tpu.matmul %get3A_549, %get3A_517, %dot_general3A_554 {dimension_numbers = #tpu.dot_dimension_numbers<[1], [1], [0], [0], [0, 0, 1, 0], [], []>, transpose_lhs_hint = false} : vector<1x64xf32>, vector<400x64xf32>, vector<1x400xf32> -> vector<1x400xf32>
    %gt3A_556 = arith.constant 0.000000e+00 : f32
    %gt3A_557 = vector.broadcast %gt3A_556 : f32 to vector<1x400xf32>
    %gt3A_558 = arith.cmpf ogt, %get3A_535, %gt3A_557 : vector<1x400xf32>
    %jit3A_559 = arith.constant -1.000000e+30 : f32
    %broadcast_in_dim3A_560 = vector.broadcast %jit3A_559 : f32 to vector<1x400xf32>
    %select_n3A_561 = arith.select %gt3A_558, %dot_general3A_555, %broadcast_in_dim3A_560 : vector<1x400xi1>, vector<1x400xf32>
    %add3A_562 = vector.broadcast %dot_general3A_553 : vector<400x1xf32> to vector<400x400xf32>
    %add3A_563 = vector.broadcast %select_n3A_561 : vector<1x400xf32> to vector<400x400xf32>
    %add3A_564 = arith.addf %add3A_562, %add3A_563 : vector<400x400xf32>
    %mul3A_565 = arith.constant 2.000000e-01 : f32
    %mul3A_566 = vector.broadcast %mul3A_565 : f32 to vector<400x400xf32>
    %mul3A_567 = arith.mulf %mul3A_566, %add3A_564 : vector<400x400xf32>
    %max3A_568 = arith.maximumf %add3A_564, %mul3A_567 : vector<400x400xf32>
    %exp23A_569 = math.exp2 %max3A_568 : vector<400x400xf32>
    %mul3A_570 = arith.mulf %exp23A_569, %get3A_2 : vector<400x400xf32>
    %concatenate3A_571 = tpu.concatenate %dot_general3A_551, %broadcast_in_dim3A_0 in 1 : vector<400x64xf32>, vector<400x1xf32> -> vector<400x65xf32>
    %dot_general3A_572 = arith.constant dense<0.000000e+00> : vector<400x65xf32>
    %dot_general3A_573 = tpu.matmul %mul3A_570, %concatenate3A_571, %dot_general3A_572 {dimension_numbers = #tpu.dot_dimension_numbers<[1], [0], [0], [1], [0, 0, 1, 1], [], []>, transpose_lhs_hint = false} : vector<400x400xf32>, vector<400x65xf32>, vector<400x65xf32> -> vector<400x65xf32>
    %slice3A_574 = vector.extract_strided_slice %dot_general3A_573 {offsets = [0, 0], sizes = [400, 64], strides = [1, 1]} : vector<400x65xf32> to vector<400x64xf32>
    %slice3A_575 = vector.extract_strided_slice %dot_general3A_573 {offsets = [0, 64], sizes = [400, 1], strides = [1, 1]} : vector<400x65xf32> to vector<400x1xf32>
    %div3A_576 = arith.constant 1.000000e+00 : f32
    %div3A_577 = vector.broadcast %div3A_576 : f32 to vector<400x1xf32>
    %div3A_578 = arith.divf %div3A_577, %slice3A_575 : vector<400x1xf32>
    %mul3A_579 = vector.broadcast %div3A_578 : vector<400x1xf32> to vector<400x64xf32>
    %mul3A_580 = arith.mulf %slice3A_574, %mul3A_579 : vector<400x64xf32>
    %gt3A_581 = arith.constant 0.000000e+00 : f32
    %gt3A_582 = vector.broadcast %gt3A_581 : f32 to vector<400x64xf32>
    %gt3A_583 = arith.cmpf ogt, %mul3A_580, %gt3A_582 : vector<400x64xf32>
    %min3A_584 = arith.constant 0.000000e+00 : f32
    %min3A_585 = vector.broadcast %min3A_584 : f32 to vector<400x64xf32>
    %min3A_586 = arith.minimumf %mul3A_580, %min3A_585 : vector<400x64xf32>
    %exp3A_587 = math.exp %min3A_586 : vector<400x64xf32>
    %sub3A_588 = arith.constant 1.000000e+00 : f32
    %sub3A_589 = vector.broadcast %sub3A_588 : f32 to vector<400x64xf32>
    %sub3A_590 = arith.subf %exp3A_587, %sub3A_589 : vector<400x64xf32>
    %select_n3A_591 = arith.select %gt3A_583, %mul3A_580, %sub3A_590 : vector<400x64xi1>, vector<400x64xf32>
    %get3A_592 = arith.constant 1 : index
    %get3A_593 = arith.constant 0 : index
    %get3A_594 = arith.constant 0 : index
    %get3A_595 = vector.load %arg5[%get3A_592, %get3A_593, %get3A_594] : memref<2x64x64xf32, #tpu.memory_space<vmem>>, vector<1x64x64xf32>
    %get3A_596 = vector.shape_cast %get3A_595 : vector<1x64x64xf32> to vector<64x64xf32>
    %get3A_597 = arith.constant 2 : index
    %get3A_598 = arith.constant 0 : index
    %get3A_599 = vector.load %arg6[%get3A_597, %get3A_598] : memref<6x64xf32, #tpu.memory_space<vmem>>, vector<1x64xf32>
    %get3A_600 = arith.constant 3 : index
    %get3A_601 = arith.constant 0 : index
    %get3A_602 = vector.load %arg6[%get3A_600, %get3A_601] : memref<6x64xf32, #tpu.memory_space<vmem>>, vector<1x64xf32>
    %dot_general3A_603 = arith.constant dense<0.000000e+00> : vector<400x64xf32>
    %dot_general3A_604 = tpu.matmul %get3A_517, %get3A_596, %dot_general3A_603 {dimension_numbers = #tpu.dot_dimension_numbers<[1], [0], [0], [1], [0, 0, 1, 1], [], []>, transpose_lhs_hint = false} : vector<400x64xf32>, vector<64x64xf32>, vector<400x64xf32> -> vector<400x64xf32>
    %dot_general3A_605 = arith.constant dense<0.000000e+00> : vector<400x1xf32>
    %dot_general3A_606 = tpu.matmul %get3A_517, %get3A_599, %dot_general3A_605 {dimension_numbers = #tpu.dot_dimension_numbers<[1], [1], [0], [0], [0, 0, 1, 0], [], []>, transpose_lhs_hint = false} : vector<400x64xf32>, vector<1x64xf32>, vector<400x1xf32> -> vector<400x1xf32>
    %dot_general3A_607 = arith.constant dense<0.000000e+00> : vector<1x400xf32>
    %dot_general3A_608 = tpu.matmul %get3A_602, %get3A_517, %dot_general3A_607 {dimension_numbers = #tpu.dot_dimension_numbers<[1], [1], [0], [0], [0, 0, 1, 0], [], []>, transpose_lhs_hint = false} : vector<1x64xf32>, vector<400x64xf32>, vector<1x400xf32> -> vector<1x400xf32>
    %gt3A_609 = arith.constant 0.000000e+00 : f32
    %gt3A_610 = vector.broadcast %gt3A_609 : f32 to vector<1x400xf32>
    %gt3A_611 = arith.cmpf ogt, %get3A_535, %gt3A_610 : vector<1x400xf32>
    %jit3A_612 = arith.constant -1.000000e+30 : f32
    %broadcast_in_dim3A_613 = vector.broadcast %jit3A_612 : f32 to vector<1x400xf32>
    %select_n3A_614 = arith.select %gt3A_611, %dot_general3A_608, %broadcast_in_dim3A_613 : vector<1x400xi1>, vector<1x400xf32>
    %add3A_615 = vector.broadcast %dot_general3A_606 : vector<400x1xf32> to vector<400x400xf32>
    %add3A_616 = vector.broadcast %select_n3A_614 : vector<1x400xf32> to vector<400x400xf32>
    %add3A_617 = arith.addf %add3A_615, %add3A_616 : vector<400x400xf32>
    %mul3A_618 = arith.constant 2.000000e-01 : f32
    %mul3A_619 = vector.broadcast %mul3A_618 : f32 to vector<400x400xf32>
    %mul3A_620 = arith.mulf %mul3A_619, %add3A_617 : vector<400x400xf32>
    %max3A_621 = arith.maximumf %add3A_617, %mul3A_620 : vector<400x400xf32>
    %exp23A_622 = math.exp2 %max3A_621 : vector<400x400xf32>
    %mul3A_623 = arith.mulf %exp23A_622, %get3A_2 : vector<400x400xf32>
    %concatenate3A_624 = tpu.concatenate %dot_general3A_604, %broadcast_in_dim3A_0 in 1 : vector<400x64xf32>, vector<400x1xf32> -> vector<400x65xf32>
    %dot_general3A_625 = arith.constant dense<0.000000e+00> : vector<400x65xf32>
    %dot_general3A_626 = tpu.matmul %mul3A_623, %concatenate3A_624, %dot_general3A_625 {dimension_numbers = #tpu.dot_dimension_numbers<[1], [0], [0], [1], [0, 0, 1, 1], [], []>, transpose_lhs_hint = false} : vector<400x400xf32>, vector<400x65xf32>, vector<400x65xf32> -> vector<400x65xf32>
    %slice3A_627 = vector.extract_strided_slice %dot_general3A_626 {offsets = [0, 0], sizes = [400, 64], strides = [1, 1]} : vector<400x65xf32> to vector<400x64xf32>
    %slice3A_628 = vector.extract_strided_slice %dot_general3A_626 {offsets = [0, 64], sizes = [400, 1], strides = [1, 1]} : vector<400x65xf32> to vector<400x1xf32>
    %div3A_629 = arith.constant 1.000000e+00 : f32
    %div3A_630 = vector.broadcast %div3A_629 : f32 to vector<400x1xf32>
    %div3A_631 = arith.divf %div3A_630, %slice3A_628 : vector<400x1xf32>
    %mul3A_632 = vector.broadcast %div3A_631 : vector<400x1xf32> to vector<400x64xf32>
    %mul3A_633 = arith.mulf %slice3A_627, %mul3A_632 : vector<400x64xf32>
    %gt3A_634 = arith.constant 0.000000e+00 : f32
    %gt3A_635 = vector.broadcast %gt3A_634 : f32 to vector<400x64xf32>
    %gt3A_636 = arith.cmpf ogt, %mul3A_633, %gt3A_635 : vector<400x64xf32>
    %min3A_637 = arith.constant 0.000000e+00 : f32
    %min3A_638 = vector.broadcast %min3A_637 : f32 to vector<400x64xf32>
    %min3A_639 = arith.minimumf %mul3A_633, %min3A_638 : vector<400x64xf32>
    %exp3A_640 = math.exp %min3A_639 : vector<400x64xf32>
    %sub3A_641 = arith.constant 1.000000e+00 : f32
    %sub3A_642 = vector.broadcast %sub3A_641 : f32 to vector<400x64xf32>
    %sub3A_643 = arith.subf %exp3A_640, %sub3A_642 : vector<400x64xf32>
    %select_n3A_644 = arith.select %gt3A_636, %mul3A_633, %sub3A_643 : vector<400x64xi1>, vector<400x64xf32>
    %concatenate3A_645 = tpu.concatenate %select_n3A_591, %select_n3A_644 in 1 : vector<400x64xf32>, vector<400x64xf32> -> vector<400x128xf32>
    %get3A_646 = arith.constant 0 : index
    %get3A_647 = arith.constant 0 : index
    %get3A_648 = vector.load %arg8[%get3A_646, %get3A_647] : memref<128x64xf32, #tpu.memory_space<vmem>>, vector<128x64xf32>
    %dot_general3A_649 = arith.constant dense<0.000000e+00> : vector<400x64xf32>
    %dot_general3A_650 = tpu.matmul %concatenate3A_645, %get3A_648, %dot_general3A_649 {dimension_numbers = #tpu.dot_dimension_numbers<[1], [0], [0], [1], [0, 0, 1, 1], [], []>, transpose_lhs_hint = false} : vector<400x128xf32>, vector<128x64xf32>, vector<400x64xf32> -> vector<400x64xf32>
    %gt3A_651 = arith.constant 0.000000e+00 : f32
    %gt3A_652 = vector.broadcast %gt3A_651 : f32 to vector<400x64xf32>
    %gt3A_653 = arith.cmpf ogt, %dot_general3A_650, %gt3A_652 : vector<400x64xf32>
    %min3A_654 = arith.constant 0.000000e+00 : f32
    %min3A_655 = vector.broadcast %min3A_654 : f32 to vector<400x64xf32>
    %min3A_656 = arith.minimumf %dot_general3A_650, %min3A_655 : vector<400x64xf32>
    %exp3A_657 = math.exp %min3A_656 : vector<400x64xf32>
    %sub3A_658 = arith.constant 1.000000e+00 : f32
    %sub3A_659 = vector.broadcast %sub3A_658 : f32 to vector<400x64xf32>
    %sub3A_660 = arith.subf %exp3A_657, %sub3A_659 : vector<400x64xf32>
    %select_n3A_661 = arith.select %gt3A_653, %dot_general3A_650, %sub3A_660 : vector<400x64xi1>, vector<400x64xf32>
    %get3A_662 = arith.constant 0 : index
    %get3A_663 = arith.constant 0 : index
    %get3A_664 = vector.load %arg7[%get3A_662, %get3A_663] : memref<64x64xf32, #tpu.memory_space<vmem>>, vector<64x64xf32>
    %get3A_665 = arith.constant 4 : index
    %get3A_666 = arith.constant 0 : index
    %get3A_667 = vector.load %arg6[%get3A_665, %get3A_666] : memref<6x64xf32, #tpu.memory_space<vmem>>, vector<1x64xf32>
    %get3A_668 = arith.constant 5 : index
    %get3A_669 = arith.constant 0 : index
    %get3A_670 = vector.load %arg6[%get3A_668, %get3A_669] : memref<6x64xf32, #tpu.memory_space<vmem>>, vector<1x64xf32>
    %dot_general3A_671 = arith.constant dense<0.000000e+00> : vector<400x64xf32>
    %dot_general3A_672 = tpu.matmul %select_n3A_661, %get3A_664, %dot_general3A_671 {dimension_numbers = #tpu.dot_dimension_numbers<[1], [0], [0], [1], [0, 0, 1, 1], [], []>, transpose_lhs_hint = false} : vector<400x64xf32>, vector<64x64xf32>, vector<400x64xf32> -> vector<400x64xf32>
    %dot_general3A_673 = arith.constant dense<0.000000e+00> : vector<400x1xf32>
    %dot_general3A_674 = tpu.matmul %select_n3A_661, %get3A_667, %dot_general3A_673 {dimension_numbers = #tpu.dot_dimension_numbers<[1], [1], [0], [0], [0, 0, 1, 0], [], []>, transpose_lhs_hint = false} : vector<400x64xf32>, vector<1x64xf32>, vector<400x1xf32> -> vector<400x1xf32>
    %dot_general3A_675 = arith.constant dense<0.000000e+00> : vector<1x400xf32>
    %dot_general3A_676 = tpu.matmul %get3A_670, %select_n3A_661, %dot_general3A_675 {dimension_numbers = #tpu.dot_dimension_numbers<[1], [1], [0], [0], [0, 0, 1, 0], [], []>, transpose_lhs_hint = false} : vector<1x64xf32>, vector<400x64xf32>, vector<1x400xf32> -> vector<1x400xf32>
    %gt3A_677 = arith.constant 0.000000e+00 : f32
    %gt3A_678 = vector.broadcast %gt3A_677 : f32 to vector<1x400xf32>
    %gt3A_679 = arith.cmpf ogt, %get3A_535, %gt3A_678 : vector<1x400xf32>
    %jit3A_680 = arith.constant -1.000000e+30 : f32
    %broadcast_in_dim3A_681 = vector.broadcast %jit3A_680 : f32 to vector<1x400xf32>
    %select_n3A_682 = arith.select %gt3A_679, %dot_general3A_676, %broadcast_in_dim3A_681 : vector<1x400xi1>, vector<1x400xf32>
    %add3A_683 = vector.broadcast %dot_general3A_674 : vector<400x1xf32> to vector<400x400xf32>
    %add3A_684 = vector.broadcast %select_n3A_682 : vector<1x400xf32> to vector<400x400xf32>
    %add3A_685 = arith.addf %add3A_683, %add3A_684 : vector<400x400xf32>
    %mul3A_686 = arith.constant 2.000000e-01 : f32
    %mul3A_687 = vector.broadcast %mul3A_686 : f32 to vector<400x400xf32>
    %mul3A_688 = arith.mulf %mul3A_687, %add3A_685 : vector<400x400xf32>
    %max3A_689 = arith.maximumf %add3A_685, %mul3A_688 : vector<400x400xf32>
    %exp23A_690 = math.exp2 %max3A_689 : vector<400x400xf32>
    %mul3A_691 = arith.mulf %exp23A_690, %get3A_2 : vector<400x400xf32>
    %concatenate3A_692 = tpu.concatenate %dot_general3A_672, %broadcast_in_dim3A_0 in 1 : vector<400x64xf32>, vector<400x1xf32> -> vector<400x65xf32>
    %dot_general3A_693 = arith.constant dense<0.000000e+00> : vector<400x65xf32>
    %dot_general3A_694 = tpu.matmul %mul3A_691, %concatenate3A_692, %dot_general3A_693 {dimension_numbers = #tpu.dot_dimension_numbers<[1], [0], [0], [1], [0, 0, 1, 1], [], []>, transpose_lhs_hint = false} : vector<400x400xf32>, vector<400x65xf32>, vector<400x65xf32> -> vector<400x65xf32>
    %slice3A_695 = vector.extract_strided_slice %dot_general3A_694 {offsets = [0, 0], sizes = [400, 64], strides = [1, 1]} : vector<400x65xf32> to vector<400x64xf32>
    %slice3A_696 = vector.extract_strided_slice %dot_general3A_694 {offsets = [0, 64], sizes = [400, 1], strides = [1, 1]} : vector<400x65xf32> to vector<400x1xf32>
    %div3A_697 = arith.constant 1.000000e+00 : f32
    %div3A_698 = vector.broadcast %div3A_697 : f32 to vector<400x1xf32>
    %div3A_699 = arith.divf %div3A_698, %slice3A_696 : vector<400x1xf32>
    %mul3A_700 = vector.broadcast %div3A_699 : vector<400x1xf32> to vector<400x64xf32>
    %mul3A_701 = arith.mulf %slice3A_695, %mul3A_700 : vector<400x64xf32>
    %sub3A_702 = arith.constant 1.000000e+00 : f32
    %sub3A_703 = vector.broadcast %sub3A_702 : f32 to vector<8x1xf32>
    %sub3A_704 = arith.subf %broadcast_in_dim3A_538, %sub3A_703 : vector<8x1xf32>
    %eq3A_705 = vector.broadcast %sub3A_704 : vector<8x1xf32> to vector<8x400xf32>
    %eq3A_706 = arith.cmpf oeq, %get3A_8, %eq3A_705 : vector<8x400xf32>
    %convert_element_type3A_707 = arith.extui %eq3A_706 : vector<8x400xi1> to vector<8x400xi32>
    %convert_element_type3A_708 = arith.sitofp %convert_element_type3A_707 : vector<8x400xi32> to vector<8x400xf32>
    %dot_general3A_709 = arith.constant dense<0.000000e+00> : vector<8x64xf32>
    %dot_general3A_710 = tpu.matmul %convert_element_type3A_708, %mul3A_701, %dot_general3A_709 {dimension_numbers = #tpu.dot_dimension_numbers<[1], [0], [0], [1], [0, 0, 1, 1], [], []>, transpose_lhs_hint = false} : vector<8x400xf32>, vector<400x64xf32>, vector<8x64xf32> -> vector<8x64xf32>
    %get3A_711 = arith.constant 0 : index
    %get3A_712 = arith.constant 0 : index
    %get3A_713 = vector.load %arg9[%get3A_711, %get3A_712] : memref<64x64xf32, #tpu.memory_space<vmem>>, vector<64x64xf32>
    %dot_general3A_714 = arith.constant dense<0.000000e+00> : vector<8x64xf32>
    %dot_general3A_715 = tpu.matmul %dot_general3A_710, %get3A_713, %dot_general3A_714 {dimension_numbers = #tpu.dot_dimension_numbers<[1], [0], [0], [1], [0, 0, 1, 1], [], []>, transpose_lhs_hint = false} : vector<8x64xf32>, vector<64x64xf32>, vector<8x64xf32> -> vector<8x64xf32>
    %get3A_716 = arith.constant 0 : index
    %get3A_717 = arith.constant 0 : index
    %get3A_718 = vector.load %arg10[%get3A_716, %get3A_717] : memref<1x64xf32, #tpu.memory_space<vmem>>, vector<1x64xf32>
    %add3A_719 = vector.broadcast %get3A_718 : vector<1x64xf32> to vector<8x64xf32>
    %add3A_720 = arith.addf %dot_general3A_715, %add3A_719 : vector<8x64xf32>
    %dot_general3A_721 = arith.constant dense<0.000000e+00> : vector<400x64xf32>
    %dot_general3A_722 = tpu.matmul %get3A_5, %add3A_720, %dot_general3A_721 {dimension_numbers = #tpu.dot_dimension_numbers<[0], [0], [1], [1], [0, 1, 1, 1], [], []>, transpose_lhs_hint = false} : vector<8x400xf32>, vector<8x64xf32>, vector<400x64xf32> -> vector<400x64xf32>
    %get3A_723 = arith.constant 0 : index
    %get3A_724 = arith.constant 0 : index
    %get3A_725 = vector.load %arg11[%get3A_723, %get3A_724] : memref<64x64xf32, #tpu.memory_space<vmem>>, vector<64x64xf32>
    %dot_general3A_726 = arith.constant dense<0.000000e+00> : vector<400x64xf32>
    %dot_general3A_727 = tpu.matmul %mul3A_701, %get3A_725, %dot_general3A_726 {dimension_numbers = #tpu.dot_dimension_numbers<[1], [0], [0], [1], [0, 0, 1, 1], [], []>, transpose_lhs_hint = false} : vector<400x64xf32>, vector<64x64xf32>, vector<400x64xf32> -> vector<400x64xf32>
    %get3A_728 = arith.constant 0 : index
    %get3A_729 = arith.constant 0 : index
    %get3A_730 = vector.load %arg12[%get3A_728, %get3A_729] : memref<1x64xf32, #tpu.memory_space<vmem>>, vector<1x64xf32>
    %add3A_731 = vector.broadcast %get3A_730 : vector<1x64xf32> to vector<400x64xf32>
    %add3A_732 = arith.addf %dot_general3A_727, %add3A_731 : vector<400x64xf32>
    %add3A_733 = arith.addf %dot_general3A_722, %add3A_732 : vector<400x64xf32>
    %neg3A_734 = arith.constant 0.000000e+00 : f32
    %neg3A_735 = vector.broadcast %neg3A_734 : f32 to vector<400x64xf32>
    %neg3A_736 = arith.subf %neg3A_735, %add3A_733 : vector<400x64xf32>
    %exp3A_737 = math.exp %neg3A_736 : vector<400x64xf32>
    %add3A_738 = arith.constant 1.000000e+00 : f32
    %add3A_739 = vector.broadcast %add3A_738 : f32 to vector<400x64xf32>
    %add3A_740 = arith.addf %add3A_739, %exp3A_737 : vector<400x64xf32>
    %div3A_741 = arith.constant 1.000000e+00 : f32
    %div3A_742 = vector.broadcast %div3A_741 : f32 to vector<400x64xf32>
    %div3A_743 = arith.divf %div3A_742, %add3A_740 : vector<400x64xf32>
    %get3A_744 = arith.constant 0 : index
    %get3A_745 = arith.constant 0 : index
    %get3A_746 = vector.load %arg13[%get3A_744, %get3A_745] : memref<64x1xf32, #tpu.memory_space<vmem>>, vector<64x1xf32>
    %dot_general3A_747 = arith.constant dense<0.000000e+00> : vector<400x1xf32>
    %dot_general3A_748 = tpu.matmul %div3A_743, %get3A_746, %dot_general3A_747 {dimension_numbers = #tpu.dot_dimension_numbers<[1], [0], [0], [1], [0, 0, 1, 1], [], []>, transpose_lhs_hint = false} : vector<400x64xf32>, vector<64x1xf32>, vector<400x1xf32> -> vector<400x1xf32>
    %mul3A_749 = vector.broadcast %dot_general3A_748 : vector<400x1xf32> to vector<400x64xf32>
    %mul3A_750 = arith.mulf %mul3A_749, %mul3A_701 : vector<400x64xf32>
    %mul3A_751 = vector.broadcast %get3A_529 : vector<400x1xf32> to vector<400x64xf32>
    %mul3A_752 = arith.mulf %mul3A_750, %mul3A_751 : vector<400x64xf32>
    %dot_general3A_753 = arith.constant dense<0.000000e+00> : vector<8x64xf32>
    %dot_general3A_754 = tpu.matmul %get3A_5, %mul3A_752, %dot_general3A_753 {dimension_numbers = #tpu.dot_dimension_numbers<[1], [0], [0], [1], [0, 0, 1, 1], [], []>, transpose_lhs_hint = false} : vector<8x400xf32>, vector<400x64xf32>, vector<8x64xf32> -> vector<8x64xf32>
    %concatenate3A_755 = tpu.concatenate %dot_general3A_754, %dot_general3A_710 in 1 : vector<8x64xf32>, vector<8x64xf32> -> vector<8x128xf32>
    %get3A_756 = arith.constant 0 : index
    %get3A_757 = arith.constant 0 : index
    %get3A_758 = vector.load %arg14[%get3A_756, %get3A_757] : memref<128x64xf32, #tpu.memory_space<vmem>>, vector<128x64xf32>
    %dot_general3A_759 = arith.constant dense<0.000000e+00> : vector<8x64xf32>
    %dot_general3A_760 = tpu.matmul %concatenate3A_755, %get3A_758, %dot_general3A_759 {dimension_numbers = #tpu.dot_dimension_numbers<[1], [0], [0], [1], [0, 0, 1, 1], [], []>, transpose_lhs_hint = false} : vector<8x128xf32>, vector<128x64xf32>, vector<8x64xf32> -> vector<8x64xf32>
    %get3A_761 = arith.constant 0 : index
    %get3A_762 = arith.constant 0 : index
    %get3A_763 = vector.load %arg15[%get3A_761, %get3A_762] : memref<1x64xf32, #tpu.memory_space<vmem>>, vector<1x64xf32>
    %add3A_764 = vector.broadcast %get3A_763 : vector<1x64xf32> to vector<8x64xf32>
    %add3A_765 = arith.addf %dot_general3A_760, %add3A_764 : vector<8x64xf32>
    %swap3A_766 = arith.constant 0 : index
    %swap3A_767 = arith.constant 2 : index
    %swap3A_768 = arith.constant 0 : index
    %swap3A_769 = arith.constant 0 : index
    %swap3A_770 = vector.load %arg19[%swap3A_766, %swap3A_767, %swap3A_768, %swap3A_769] : memref<1x8x8x64xf32, #tpu.memory_space<vmem>>, vector<1x1x8x64xf32>
    %swap3A_771 = vector.shape_cast %swap3A_770 : vector<1x1x8x64xf32> to vector<8x64xf32>
    %swap3A_772 = vector.shape_cast %add3A_765 : vector<8x64xf32> to vector<1x1x8x64xf32>
    tpu.vector_store %arg19[%swap3A_766, %swap3A_767, %swap3A_768, %swap3A_769], %swap3A_772 {strides = array<i32>} : memref<1x8x8x64xf32, #tpu.memory_space<vmem>>, vector<1x1x8x64xf32>,
    %get3A_773 = arith.constant 0 : index
    %get3A_774 = arith.constant 3 : index
    %get3A_775 = arith.constant 0 : index
    %get3A_776 = arith.constant 0 : index
    %get3A_777 = vector.load %arg1[%get3A_773, %get3A_774, %get3A_775, %get3A_776] : memref<1x8x400x64xf32, #tpu.memory_space<vmem>>, vector<1x1x400x64xf32>
    %get3A_778 = vector.shape_cast %get3A_777 : vector<1x1x400x64xf32> to vector<400x64xf32>
    %get3A_779 = arith.constant 0 : index
    %get3A_780 = arith.constant 3 : index
    %get3A_781 = arith.constant 0 : index
    %get3A_782 = arith.constant 0 : index
    %get3A_783 = vector.load %arg2[%get3A_779, %get3A_780, %get3A_781, %get3A_782] : memref<1x8x8x50xf32, #tpu.memory_space<vmem>>, vector<1x1x8x50xf32>
    %get3A_784 = vector.shape_cast %get3A_783 : vector<1x1x8x50xf32> to vector<8x50xf32>
    %get3A_785 = arith.constant 0 : index
    %get3A_786 = arith.constant 3 : index
    %get3A_787 = arith.constant 0 : index
    %get3A_788 = arith.constant 0 : index
    %get3A_789 = vector.load %arg3[%get3A_785, %get3A_786, %get3A_787, %get3A_788] : memref<1x8x400x1xf32, #tpu.memory_space<vmem>>, vector<1x1x400x1xf32>
    %get3A_790 = vector.shape_cast %get3A_789 : vector<1x1x400x1xf32> to vector<400x1xf32>
    %get3A_791 = arith.constant 0 : index
    %get3A_792 = arith.constant 3 : index
    %get3A_793 = arith.constant 0 : index
    %get3A_794 = arith.constant 0 : index
    %get3A_795 = vector.load %arg4[%get3A_791, %get3A_792, %get3A_793, %get3A_794] : memref<1x8x1x400xf32, #tpu.memory_space<vmem>>, vector<1x1x1x400xf32>
    %get3A_796 = vector.shape_cast %get3A_795 : vector<1x1x1x400xf32> to vector<1x400xf32>
    %reduce_sum3A_797 = arith.constant dense<0.000000e+00> : vector<8xf32>
    %reduce_sum3A_798 = vector.multi_reduction <add>, %get3A_784, %reduce_sum3A_797 [1] : vector<8x50xf32> to vector<8xf32>
    %broadcast_in_dim3A_799 = vector.shape_cast %reduce_sum3A_798 : vector<8xf32> to vector<8x1xf32>
    %get3A_800 = arith.constant 0 : index
    %get3A_801 = arith.constant 0 : index
    %get3A_802 = arith.constant 0 : index
    %get3A_803 = vector.load %arg5[%get3A_800, %get3A_801, %get3A_802] : memref<2x64x64xf32, #tpu.memory_space<vmem>>, vector<1x64x64xf32>
    %get3A_804 = vector.shape_cast %get3A_803 : vector<1x64x64xf32> to vector<64x64xf32>
    %get3A_805 = arith.constant 0 : index
    %get3A_806 = arith.constant 0 : index
    %get3A_807 = vector.load %arg6[%get3A_805, %get3A_806] : memref<6x64xf32, #tpu.memory_space<vmem>>, vector<1x64xf32>
    %get3A_808 = arith.constant 1 : index
    %get3A_809 = arith.constant 0 : index
    %get3A_810 = vector.load %arg6[%get3A_808, %get3A_809] : memref<6x64xf32, #tpu.memory_space<vmem>>, vector<1x64xf32>
    %dot_general3A_811 = arith.constant dense<0.000000e+00> : vector<400x64xf32>
    %dot_general3A_812 = tpu.matmul %get3A_778, %get3A_804, %dot_general3A_811 {dimension_numbers = #tpu.dot_dimension_numbers<[1], [0], [0], [1], [0, 0, 1, 1], [], []>, transpose_lhs_hint = false} : vector<400x64xf32>, vector<64x64xf32>, vector<400x64xf32> -> vector<400x64xf32>
    %dot_general3A_813 = arith.constant dense<0.000000e+00> : vector<400x1xf32>
    %dot_general3A_814 = tpu.matmul %get3A_778, %get3A_807, %dot_general3A_813 {dimension_numbers = #tpu.dot_dimension_numbers<[1], [1], [0], [0], [0, 0, 1, 0], [], []>, transpose_lhs_hint = false} : vector<400x64xf32>, vector<1x64xf32>, vector<400x1xf32> -> vector<400x1xf32>
    %dot_general3A_815 = arith.constant dense<0.000000e+00> : vector<1x400xf32>
    %dot_general3A_816 = tpu.matmul %get3A_810, %get3A_778, %dot_general3A_815 {dimension_numbers = #tpu.dot_dimension_numbers<[1], [1], [0], [0], [0, 0, 1, 0], [], []>, transpose_lhs_hint = false} : vector<1x64xf32>, vector<400x64xf32>, vector<1x400xf32> -> vector<1x400xf32>
    %gt3A_817 = arith.constant 0.000000e+00 : f32
    %gt3A_818 = vector.broadcast %gt3A_817 : f32 to vector<1x400xf32>
    %gt3A_819 = arith.cmpf ogt, %get3A_796, %gt3A_818 : vector<1x400xf32>
    %jit3A_820 = arith.constant -1.000000e+30 : f32
    %broadcast_in_dim3A_821 = vector.broadcast %jit3A_820 : f32 to vector<1x400xf32>
    %select_n3A_822 = arith.select %gt3A_819, %dot_general3A_816, %broadcast_in_dim3A_821 : vector<1x400xi1>, vector<1x400xf32>
    %add3A_823 = vector.broadcast %dot_general3A_814 : vector<400x1xf32> to vector<400x400xf32>
    %add3A_824 = vector.broadcast %select_n3A_822 : vector<1x400xf32> to vector<400x400xf32>
    %add3A_825 = arith.addf %add3A_823, %add3A_824 : vector<400x400xf32>
    %mul3A_826 = arith.constant 2.000000e-01 : f32
    %mul3A_827 = vector.broadcast %mul3A_826 : f32 to vector<400x400xf32>
    %mul3A_828 = arith.mulf %mul3A_827, %add3A_825 : vector<400x400xf32>
    %max3A_829 = arith.maximumf %add3A_825, %mul3A_828 : vector<400x400xf32>
    %exp23A_830 = math.exp2 %max3A_829 : vector<400x400xf32>
    %mul3A_831 = arith.mulf %exp23A_830, %get3A_2 : vector<400x400xf32>
    %concatenate3A_832 = tpu.concatenate %dot_general3A_812, %broadcast_in_dim3A_0 in 1 : vector<400x64xf32>, vector<400x1xf32> -> vector<400x65xf32>
    %dot_general3A_833 = arith.constant dense<0.000000e+00> : vector<400x65xf32>
    %dot_general3A_834 = tpu.matmul %mul3A_831, %concatenate3A_832, %dot_general3A_833 {dimension_numbers = #tpu.dot_dimension_numbers<[1], [0], [0], [1], [0, 0, 1, 1], [], []>, transpose_lhs_hint = false} : vector<400x400xf32>, vector<400x65xf32>, vector<400x65xf32> -> vector<400x65xf32>
    %slice3A_835 = vector.extract_strided_slice %dot_general3A_834 {offsets = [0, 0], sizes = [400, 64], strides = [1, 1]} : vector<400x65xf32> to vector<400x64xf32>
    %slice3A_836 = vector.extract_strided_slice %dot_general3A_834 {offsets = [0, 64], sizes = [400, 1], strides = [1, 1]} : vector<400x65xf32> to vector<400x1xf32>
    %div3A_837 = arith.constant 1.000000e+00 : f32
    %div3A_838 = vector.broadcast %div3A_837 : f32 to vector<400x1xf32>
    %div3A_839 = arith.divf %div3A_838, %slice3A_836 : vector<400x1xf32>
    %mul3A_840 = vector.broadcast %div3A_839 : vector<400x1xf32> to vector<400x64xf32>
    %mul3A_841 = arith.mulf %slice3A_835, %mul3A_840 : vector<400x64xf32>
    %gt3A_842 = arith.constant 0.000000e+00 : f32
    %gt3A_843 = vector.broadcast %gt3A_842 : f32 to vector<400x64xf32>
    %gt3A_844 = arith.cmpf ogt, %mul3A_841, %gt3A_843 : vector<400x64xf32>
    %min3A_845 = arith.constant 0.000000e+00 : f32
    %min3A_846 = vector.broadcast %min3A_845 : f32 to vector<400x64xf32>
    %min3A_847 = arith.minimumf %mul3A_841, %min3A_846 : vector<400x64xf32>
    %exp3A_848 = math.exp %min3A_847 : vector<400x64xf32>
    %sub3A_849 = arith.constant 1.000000e+00 : f32
    %sub3A_850 = vector.broadcast %sub3A_849 : f32 to vector<400x64xf32>
    %sub3A_851 = arith.subf %exp3A_848, %sub3A_850 : vector<400x64xf32>
    %select_n3A_852 = arith.select %gt3A_844, %mul3A_841, %sub3A_851 : vector<400x64xi1>, vector<400x64xf32>
    %get3A_853 = arith.constant 1 : index
    %get3A_854 = arith.constant 0 : index
    %get3A_855 = arith.constant 0 : index
    %get3A_856 = vector.load %arg5[%get3A_853, %get3A_854, %get3A_855] : memref<2x64x64xf32, #tpu.memory_space<vmem>>, vector<1x64x64xf32>
    %get3A_857 = vector.shape_cast %get3A_856 : vector<1x64x64xf32> to vector<64x64xf32>
    %get3A_858 = arith.constant 2 : index
    %get3A_859 = arith.constant 0 : index
    %get3A_860 = vector.load %arg6[%get3A_858, %get3A_859] : memref<6x64xf32, #tpu.memory_space<vmem>>, vector<1x64xf32>
    %get3A_861 = arith.constant 3 : index
    %get3A_862 = arith.constant 0 : index
    %get3A_863 = vector.load %arg6[%get3A_861, %get3A_862] : memref<6x64xf32, #tpu.memory_space<vmem>>, vector<1x64xf32>
    %dot_general3A_864 = arith.constant dense<0.000000e+00> : vector<400x64xf32>
    %dot_general3A_865 = tpu.matmul %get3A_778, %get3A_857, %dot_general3A_864 {dimension_numbers = #tpu.dot_dimension_numbers<[1], [0], [0], [1], [0, 0, 1, 1], [], []>, transpose_lhs_hint = false} : vector<400x64xf32>, vector<64x64xf32>, vector<400x64xf32> -> vector<400x64xf32>
    %dot_general3A_866 = arith.constant dense<0.000000e+00> : vector<400x1xf32>
    %dot_general3A_867 = tpu.matmul %get3A_778, %get3A_860, %dot_general3A_866 {dimension_numbers = #tpu.dot_dimension_numbers<[1], [1], [0], [0], [0, 0, 1, 0], [], []>, transpose_lhs_hint = false} : vector<400x64xf32>, vector<1x64xf32>, vector<400x1xf32> -> vector<400x1xf32>
    %dot_general3A_868 = arith.constant dense<0.000000e+00> : vector<1x400xf32>
    %dot_general3A_869 = tpu.matmul %get3A_863, %get3A_778, %dot_general3A_868 {dimension_numbers = #tpu.dot_dimension_numbers<[1], [1], [0], [0], [0, 0, 1, 0], [], []>, transpose_lhs_hint = false} : vector<1x64xf32>, vector<400x64xf32>, vector<1x400xf32> -> vector<1x400xf32>
    %gt3A_870 = arith.constant 0.000000e+00 : f32
    %gt3A_871 = vector.broadcast %gt3A_870 : f32 to vector<1x400xf32>
    %gt3A_872 = arith.cmpf ogt, %get3A_796, %gt3A_871 : vector<1x400xf32>
    %jit3A_873 = arith.constant -1.000000e+30 : f32
    %broadcast_in_dim3A_874 = vector.broadcast %jit3A_873 : f32 to vector<1x400xf32>
    %select_n3A_875 = arith.select %gt3A_872, %dot_general3A_869, %broadcast_in_dim3A_874 : vector<1x400xi1>, vector<1x400xf32>
    %add3A_876 = vector.broadcast %dot_general3A_867 : vector<400x1xf32> to vector<400x400xf32>
    %add3A_877 = vector.broadcast %select_n3A_875 : vector<1x400xf32> to vector<400x400xf32>
    %add3A_878 = arith.addf %add3A_876, %add3A_877 : vector<400x400xf32>
    %mul3A_879 = arith.constant 2.000000e-01 : f32
    %mul3A_880 = vector.broadcast %mul3A_879 : f32 to vector<400x400xf32>
    %mul3A_881 = arith.mulf %mul3A_880, %add3A_878 : vector<400x400xf32>
    %max3A_882 = arith.maximumf %add3A_878, %mul3A_881 : vector<400x400xf32>
    %exp23A_883 = math.exp2 %max3A_882 : vector<400x400xf32>
    %mul3A_884 = arith.mulf %exp23A_883, %get3A_2 : vector<400x400xf32>
    %concatenate3A_885 = tpu.concatenate %dot_general3A_865, %broadcast_in_dim3A_0 in 1 : vector<400x64xf32>, vector<400x1xf32> -> vector<400x65xf32>
    %dot_general3A_886 = arith.constant dense<0.000000e+00> : vector<400x65xf32>
    %dot_general3A_887 = tpu.matmul %mul3A_884, %concatenate3A_885, %dot_general3A_886 {dimension_numbers = #tpu.dot_dimension_numbers<[1], [0], [0], [1], [0, 0, 1, 1], [], []>, transpose_lhs_hint = false} : vector<400x400xf32>, vector<400x65xf32>, vector<400x65xf32> -> vector<400x65xf32>
    %slice3A_888 = vector.extract_strided_slice %dot_general3A_887 {offsets = [0, 0], sizes = [400, 64], strides = [1, 1]} : vector<400x65xf32> to vector<400x64xf32>
    %slice3A_889 = vector.extract_strided_slice %dot_general3A_887 {offsets = [0, 64], sizes = [400, 1], strides = [1, 1]} : vector<400x65xf32> to vector<400x1xf32>
    %div3A_890 = arith.constant 1.000000e+00 : f32
    %div3A_891 = vector.broadcast %div3A_890 : f32 to vector<400x1xf32>
    %div3A_892 = arith.divf %div3A_891, %slice3A_889 : vector<400x1xf32>
    %mul3A_893 = vector.broadcast %div3A_892 : vector<400x1xf32> to vector<400x64xf32>
    %mul3A_894 = arith.mulf %slice3A_888, %mul3A_893 : vector<400x64xf32>
    %gt3A_895 = arith.constant 0.000000e+00 : f32
    %gt3A_896 = vector.broadcast %gt3A_895 : f32 to vector<400x64xf32>
    %gt3A_897 = arith.cmpf ogt, %mul3A_894, %gt3A_896 : vector<400x64xf32>
    %min3A_898 = arith.constant 0.000000e+00 : f32
    %min3A_899 = vector.broadcast %min3A_898 : f32 to vector<400x64xf32>
    %min3A_900 = arith.minimumf %mul3A_894, %min3A_899 : vector<400x64xf32>
    %exp3A_901 = math.exp %min3A_900 : vector<400x64xf32>
    %sub3A_902 = arith.constant 1.000000e+00 : f32
    %sub3A_903 = vector.broadcast %sub3A_902 : f32 to vector<400x64xf32>
    %sub3A_904 = arith.subf %exp3A_901, %sub3A_903 : vector<400x64xf32>
    %select_n3A_905 = arith.select %gt3A_897, %mul3A_894, %sub3A_904 : vector<400x64xi1>, vector<400x64xf32>
    %concatenate3A_906 = tpu.concatenate %select_n3A_852, %select_n3A_905 in 1 : vector<400x64xf32>, vector<400x64xf32> -> vector<400x128xf32>
    %get3A_907 = arith.constant 0 : index
    %get3A_908 = arith.constant 0 : index
    %get3A_909 = vector.load %arg8[%get3A_907, %get3A_908] : memref<128x64xf32, #tpu.memory_space<vmem>>, vector<128x64xf32>
    %dot_general3A_910 = arith.constant dense<0.000000e+00> : vector<400x64xf32>
    %dot_general3A_911 = tpu.matmul %concatenate3A_906, %get3A_909, %dot_general3A_910 {dimension_numbers = #tpu.dot_dimension_numbers<[1], [0], [0], [1], [0, 0, 1, 1], [], []>, transpose_lhs_hint = false} : vector<400x128xf32>, vector<128x64xf32>, vector<400x64xf32> -> vector<400x64xf32>
    %gt3A_912 = arith.constant 0.000000e+00 : f32
    %gt3A_913 = vector.broadcast %gt3A_912 : f32 to vector<400x64xf32>
    %gt3A_914 = arith.cmpf ogt, %dot_general3A_911, %gt3A_913 : vector<400x64xf32>
    %min3A_915 = arith.constant 0.000000e+00 : f32
    %min3A_916 = vector.broadcast %min3A_915 : f32 to vector<400x64xf32>
    %min3A_917 = arith.minimumf %dot_general3A_911, %min3A_916 : vector<400x64xf32>
    %exp3A_918 = math.exp %min3A_917 : vector<400x64xf32>
    %sub3A_919 = arith.constant 1.000000e+00 : f32
    %sub3A_920 = vector.broadcast %sub3A_919 : f32 to vector<400x64xf32>
    %sub3A_921 = arith.subf %exp3A_918, %sub3A_920 : vector<400x64xf32>
    %select_n3A_922 = arith.select %gt3A_914, %dot_general3A_911, %sub3A_921 : vector<400x64xi1>, vector<400x64xf32>
    %get3A_923 = arith.constant 0 : index
    %get3A_924 = arith.constant 0 : index
    %get3A_925 = vector.load %arg7[%get3A_923, %get3A_924] : memref<64x64xf32, #tpu.memory_space<vmem>>, vector<64x64xf32>
    %get3A_926 = arith.constant 4 : index
    %get3A_927 = arith.constant 0 : index
    %get3A_928 = vector.load %arg6[%get3A_926, %get3A_927] : memref<6x64xf32, #tpu.memory_space<vmem>>, vector<1x64xf32>
    %get3A_929 = arith.constant 5 : index
    %get3A_930 = arith.constant 0 : index
    %get3A_931 = vector.load %arg6[%get3A_929, %get3A_930] : memref<6x64xf32, #tpu.memory_space<vmem>>, vector<1x64xf32>
    %dot_general3A_932 = arith.constant dense<0.000000e+00> : vector<400x64xf32>
    %dot_general3A_933 = tpu.matmul %select_n3A_922, %get3A_925, %dot_general3A_932 {dimension_numbers = #tpu.dot_dimension_numbers<[1], [0], [0], [1], [0, 0, 1, 1], [], []>, transpose_lhs_hint = false} : vector<400x64xf32>, vector<64x64xf32>, vector<400x64xf32> -> vector<400x64xf32>
    %dot_general3A_934 = arith.constant dense<0.000000e+00> : vector<400x1xf32>
    %dot_general3A_935 = tpu.matmul %select_n3A_922, %get3A_928, %dot_general3A_934 {dimension_numbers = #tpu.dot_dimension_numbers<[1], [1], [0], [0], [0, 0, 1, 0], [], []>, transpose_lhs_hint = false} : vector<400x64xf32>, vector<1x64xf32>, vector<400x1xf32> -> vector<400x1xf32>
    %dot_general3A_936 = arith.constant dense<0.000000e+00> : vector<1x400xf32>
    %dot_general3A_937 = tpu.matmul %get3A_931, %select_n3A_922, %dot_general3A_936 {dimension_numbers = #tpu.dot_dimension_numbers<[1], [1], [0], [0], [0, 0, 1, 0], [], []>, transpose_lhs_hint = false} : vector<1x64xf32>, vector<400x64xf32>, vector<1x400xf32> -> vector<1x400xf32>
    %gt3A_938 = arith.constant 0.000000e+00 : f32
    %gt3A_939 = vector.broadcast %gt3A_938 : f32 to vector<1x400xf32>
    %gt3A_940 = arith.cmpf ogt, %get3A_796, %gt3A_939 : vector<1x400xf32>
    %jit3A_941 = arith.constant -1.000000e+30 : f32
    %broadcast_in_dim3A_942 = vector.broadcast %jit3A_941 : f32 to vector<1x400xf32>
    %select_n3A_943 = arith.select %gt3A_940, %dot_general3A_937, %broadcast_in_dim3A_942 : vector<1x400xi1>, vector<1x400xf32>
    %add3A_944 = vector.broadcast %dot_general3A_935 : vector<400x1xf32> to vector<400x400xf32>
    %add3A_945 = vector.broadcast %select_n3A_943 : vector<1x400xf32> to vector<400x400xf32>
    %add3A_946 = arith.addf %add3A_944, %add3A_945 : vector<400x400xf32>
    %mul3A_947 = arith.constant 2.000000e-01 : f32
    %mul3A_948 = vector.broadcast %mul3A_947 : f32 to vector<400x400xf32>
    %mul3A_949 = arith.mulf %mul3A_948, %add3A_946 : vector<400x400xf32>
    %max3A_950 = arith.maximumf %add3A_946, %mul3A_949 : vector<400x400xf32>
    %exp23A_951 = math.exp2 %max3A_950 : vector<400x400xf32>
    %mul3A_952 = arith.mulf %exp23A_951, %get3A_2 : vector<400x400xf32>
    %concatenate3A_953 = tpu.concatenate %dot_general3A_933, %broadcast_in_dim3A_0 in 1 : vector<400x64xf32>, vector<400x1xf32> -> vector<400x65xf32>
    %dot_general3A_954 = arith.constant dense<0.000000e+00> : vector<400x65xf32>
    %dot_general3A_955 = tpu.matmul %mul3A_952, %concatenate3A_953, %dot_general3A_954 {dimension_numbers = #tpu.dot_dimension_numbers<[1], [0], [0], [1], [0, 0, 1, 1], [], []>, transpose_lhs_hint = false} : vector<400x400xf32>, vector<400x65xf32>, vector<400x65xf32> -> vector<400x65xf32>
    %slice3A_956 = vector.extract_strided_slice %dot_general3A_955 {offsets = [0, 0], sizes = [400, 64], strides = [1, 1]} : vector<400x65xf32> to vector<400x64xf32>
    %slice3A_957 = vector.extract_strided_slice %dot_general3A_955 {offsets = [0, 64], sizes = [400, 1], strides = [1, 1]} : vector<400x65xf32> to vector<400x1xf32>
    %div3A_958 = arith.constant 1.000000e+00 : f32
    %div3A_959 = vector.broadcast %div3A_958 : f32 to vector<400x1xf32>
    %div3A_960 = arith.divf %div3A_959, %slice3A_957 : vector<400x1xf32>
    %mul3A_961 = vector.broadcast %div3A_960 : vector<400x1xf32> to vector<400x64xf32>
    %mul3A_962 = arith.mulf %slice3A_956, %mul3A_961 : vector<400x64xf32>
    %sub3A_963 = arith.constant 1.000000e+00 : f32
    %sub3A_964 = vector.broadcast %sub3A_963 : f32 to vector<8x1xf32>
    %sub3A_965 = arith.subf %broadcast_in_dim3A_799, %sub3A_964 : vector<8x1xf32>
    %eq3A_966 = vector.broadcast %sub3A_965 : vector<8x1xf32> to vector<8x400xf32>
    %eq3A_967 = arith.cmpf oeq, %get3A_8, %eq3A_966 : vector<8x400xf32>
    %convert_element_type3A_968 = arith.extui %eq3A_967 : vector<8x400xi1> to vector<8x400xi32>
    %convert_element_type3A_969 = arith.sitofp %convert_element_type3A_968 : vector<8x400xi32> to vector<8x400xf32>
    %dot_general3A_970 = arith.constant dense<0.000000e+00> : vector<8x64xf32>
    %dot_general3A_971 = tpu.matmul %convert_element_type3A_969, %mul3A_962, %dot_general3A_970 {dimension_numbers = #tpu.dot_dimension_numbers<[1], [0], [0], [1], [0, 0, 1, 1], [], []>, transpose_lhs_hint = false} : vector<8x400xf32>, vector<400x64xf32>, vector<8x64xf32> -> vector<8x64xf32>
    %get3A_972 = arith.constant 0 : index
    %get3A_973 = arith.constant 0 : index
    %get3A_974 = vector.load %arg9[%get3A_972, %get3A_973] : memref<64x64xf32, #tpu.memory_space<vmem>>, vector<64x64xf32>
    %dot_general3A_975 = arith.constant dense<0.000000e+00> : vector<8x64xf32>
    %dot_general3A_976 = tpu.matmul %dot_general3A_971, %get3A_974, %dot_general3A_975 {dimension_numbers = #tpu.dot_dimension_numbers<[1], [0], [0], [1], [0, 0, 1, 1], [], []>, transpose_lhs_hint = false} : vector<8x64xf32>, vector<64x64xf32>, vector<8x64xf32> -> vector<8x64xf32>
    %get3A_977 = arith.constant 0 : index
    %get3A_978 = arith.constant 0 : index
    %get3A_979 = vector.load %arg10[%get3A_977, %get3A_978] : memref<1x64xf32, #tpu.memory_space<vmem>>, vector<1x64xf32>
    %add3A_980 = vector.broadcast %get3A_979 : vector<1x64xf32> to vector<8x64xf32>
    %add3A_981 = arith.addf %dot_general3A_976, %add3A_980 : vector<8x64xf32>
    %dot_general3A_982 = arith.constant dense<0.000000e+00> : vector<400x64xf32>
    %dot_general3A_983 = tpu.matmul %get3A_5, %add3A_981, %dot_general3A_982 {dimension_numbers = #tpu.dot_dimension_numbers<[0], [0], [1], [1], [0, 1, 1, 1], [], []>, transpose_lhs_hint = false} : vector<8x400xf32>, vector<8x64xf32>, vector<400x64xf32> -> vector<400x64xf32>
    %get3A_984 = arith.constant 0 : index
    %get3A_985 = arith.constant 0 : index
    %get3A_986 = vector.load %arg11[%get3A_984, %get3A_985] : memref<64x64xf32, #tpu.memory_space<vmem>>, vector<64x64xf32>
    %dot_general3A_987 = arith.constant dense<0.000000e+00> : vector<400x64xf32>
    %dot_general3A_988 = tpu.matmul %mul3A_962, %get3A_986, %dot_general3A_987 {dimension_numbers = #tpu.dot_dimension_numbers<[1], [0], [0], [1], [0, 0, 1, 1], [], []>, transpose_lhs_hint = false} : vector<400x64xf32>, vector<64x64xf32>, vector<400x64xf32> -> vector<400x64xf32>
    %get3A_989 = arith.constant 0 : index
    %get3A_990 = arith.constant 0 : index
    %get3A_991 = vector.load %arg12[%get3A_989, %get3A_990] : memref<1x64xf32, #tpu.memory_space<vmem>>, vector<1x64xf32>
    %add3A_992 = vector.broadcast %get3A_991 : vector<1x64xf32> to vector<400x64xf32>
    %add3A_993 = arith.addf %dot_general3A_988, %add3A_992 : vector<400x64xf32>
    %add3A_994 = arith.addf %dot_general3A_983, %add3A_993 : vector<400x64xf32>
    %neg3A_995 = arith.constant 0.000000e+00 : f32
    %neg3A_996 = vector.broadcast %neg3A_995 : f32 to vector<400x64xf32>
    %neg3A_997 = arith.subf %neg3A_996, %add3A_994 : vector<400x64xf32>
    %exp3A_998 = math.exp %neg3A_997 : vector<400x64xf32>
    %add3A_999 = arith.constant 1.000000e+00 : f32
    %add3A_1000 = vector.broadcast %add3A_999 : f32 to vector<400x64xf32>
    %add3A_1001 = arith.addf %add3A_1000, %exp3A_998 : vector<400x64xf32>
    %div3A_1002 = arith.constant 1.000000e+00 : f32
    %div3A_1003 = vector.broadcast %div3A_1002 : f32 to vector<400x64xf32>
    %div3A_1004 = arith.divf %div3A_1003, %add3A_1001 : vector<400x64xf32>
    %get3A_1005 = arith.constant 0 : index
    %get3A_1006 = arith.constant 0 : index
    %get3A_1007 = vector.load %arg13[%get3A_1005, %get3A_1006] : memref<64x1xf32, #tpu.memory_space<vmem>>, vector<64x1xf32>
    %dot_general3A_1008 = arith.constant dense<0.000000e+00> : vector<400x1xf32>
    %dot_general3A_1009 = tpu.matmul %div3A_1004, %get3A_1007, %dot_general3A_1008 {dimension_numbers = #tpu.dot_dimension_numbers<[1], [0], [0], [1], [0, 0, 1, 1], [], []>, transpose_lhs_hint = false} : vector<400x64xf32>, vector<64x1xf32>, vector<400x1xf32> -> vector<400x1xf32>
    %mul3A_1010 = vector.broadcast %dot_general3A_1009 : vector<400x1xf32> to vector<400x64xf32>
    %mul3A_1011 = arith.mulf %mul3A_1010, %mul3A_962 : vector<400x64xf32>
    %mul3A_1012 = vector.broadcast %get3A_790 : vector<400x1xf32> to vector<400x64xf32>
    %mul3A_1013 = arith.mulf %mul3A_1011, %mul3A_1012 : vector<400x64xf32>
    %dot_general3A_1014 = arith.constant dense<0.000000e+00> : vector<8x64xf32>
    %dot_general3A_1015 = tpu.matmul %get3A_5, %mul3A_1013, %dot_general3A_1014 {dimension_numbers = #tpu.dot_dimension_numbers<[1], [0], [0], [1], [0, 0, 1, 1], [], []>, transpose_lhs_hint = false} : vector<8x400xf32>, vector<400x64xf32>, vector<8x64xf32> -> vector<8x64xf32>
    %concatenate3A_1016 = tpu.concatenate %dot_general3A_1015, %dot_general3A_971 in 1 : vector<8x64xf32>, vector<8x64xf32> -> vector<8x128xf32>
    %get3A_1017 = arith.constant 0 : index
    %get3A_1018 = arith.constant 0 : index
    %get3A_1019 = vector.load %arg14[%get3A_1017, %get3A_1018] : memref<128x64xf32, #tpu.memory_space<vmem>>, vector<128x64xf32>
    %dot_general3A_1020 = arith.constant dense<0.000000e+00> : vector<8x64xf32>
    %dot_general3A_1021 = tpu.matmul %concatenate3A_1016, %get3A_1019, %dot_general3A_1020 {dimension_numbers = #tpu.dot_dimension_numbers<[1], [0], [0], [1], [0, 0, 1, 1], [], []>, transpose_lhs_hint = false} : vector<8x128xf32>, vector<128x64xf32>, vector<8x64xf32> -> vector<8x64xf32>
    %get3A_1022 = arith.constant 0 : index
    %get3A_1023 = arith.constant 0 : index
    %get3A_1024 = vector.load %arg15[%get3A_1022, %get3A_1023] : memref<1x64xf32, #tpu.memory_space<vmem>>, vector<1x64xf32>
    %add3A_1025 = vector.broadcast %get3A_1024 : vector<1x64xf32> to vector<8x64xf32>
    %add3A_1026 = arith.addf %dot_general3A_1021, %add3A_1025 : vector<8x64xf32>
    %swap3A_1027 = arith.constant 0 : index
    %swap3A_1028 = arith.constant 3 : index
    %swap3A_1029 = arith.constant 0 : index
    %swap3A_1030 = arith.constant 0 : index
    %swap3A_1031 = vector.load %arg19[%swap3A_1027, %swap3A_1028, %swap3A_1029, %swap3A_1030] : memref<1x8x8x64xf32, #tpu.memory_space<vmem>>, vector<1x1x8x64xf32>
    %swap3A_1032 = vector.shape_cast %swap3A_1031 : vector<1x1x8x64xf32> to vector<8x64xf32>
    %swap3A_1033 = vector.shape_cast %add3A_1026 : vector<8x64xf32> to vector<1x1x8x64xf32>
    tpu.vector_store %arg19[%swap3A_1027, %swap3A_1028, %swap3A_1029, %swap3A_1030], %swap3A_1033 {strides = array<i32>} : memref<1x8x8x64xf32, #tpu.memory_space<vmem>>, vector<1x1x8x64xf32>,
    %get3A_1034 = arith.constant 0 : index
    %get3A_1035 = arith.constant 4 : index
    %get3A_1036 = arith.constant 0 : index
    %get3A_1037 = arith.constant 0 : index
    %get3A_1038 = vector.load %arg1[%get3A_1034, %get3A_1035, %get3A_1036, %get3A_1037] : memref<1x8x400x64xf32, #tpu.memory_space<vmem>>, vector<1x1x400x64xf32>
    %get3A_1039 = vector.shape_cast %get3A_1038 : vector<1x1x400x64xf32> to vector<400x64xf32>
    %get3A_1040 = arith.constant 0 : index
    %get3A_1041 = arith.constant 4 : index
    %get3A_1042 = arith.constant 0 : index
    %get3A_1043 = arith.constant 0 : index
    %get3A_1044 = vector.load %arg2[%get3A_1040, %get3A_1041, %get3A_1042, %get3A_1043] : memref<1x8x8x50xf32, #tpu.memory_space<vmem>>, vector<1x1x8x50xf32>
    %get3A_1045 = vector.shape_cast %get3A_1044 : vector<1x1x8x50xf32> to vector<8x50xf32>
    %get3A_1046 = arith.constant 0 : index
    %get3A_1047 = arith.constant 4 : index
    %get3A_1048 = arith.constant 0 : index
    %get3A_1049 = arith.constant 0 : index
    %get3A_1050 = vector.load %arg3[%get3A_1046, %get3A_1047, %get3A_1048, %get3A_1049] : memref<1x8x400x1xf32, #tpu.memory_space<vmem>>, vector<1x1x400x1xf32>
    %get3A_1051 = vector.shape_cast %get3A_1050 : vector<1x1x400x1xf32> to vector<400x1xf32>
    %get3A_1052 = arith.constant 0 : index
    %get3A_1053 = arith.constant 4 : index
    %get3A_1054 = arith.constant 0 : index
    %get3A_1055 = arith.constant 0 : index
    %get3A_1056 = vector.load %arg4[%get3A_1052, %get3A_1053, %get3A_1054, %get3A_1055] : memref<1x8x1x400xf32, #tpu.memory_space<vmem>>, vector<1x1x1x400xf32>
    %get3A_1057 = vector.shape_cast %get3A_1056 : vector<1x1x1x400xf32> to vector<1x400xf32>
    %reduce_sum3A_1058 = arith.constant dense<0.000000e+00> : vector<8xf32>
    %reduce_sum3A_1059 = vector.multi_reduction <add>, %get3A_1045, %reduce_sum3A_1058 [1] : vector<8x50xf32> to vector<8xf32>
    %broadcast_in_dim3A_1060 = vector.shape_cast %reduce_sum3A_1059 : vector<8xf32> to vector<8x1xf32>
    %get3A_1061 = arith.constant 0 : index
    %get3A_1062 = arith.constant 0 : index
    %get3A_1063 = arith.constant 0 : index
    %get3A_1064 = vector.load %arg5[%get3A_1061, %get3A_1062, %get3A_1063] : memref<2x64x64xf32, #tpu.memory_space<vmem>>, vector<1x64x64xf32>
    %get3A_1065 = vector.shape_cast %get3A_1064 : vector<1x64x64xf32> to vector<64x64xf32>
    %get3A_1066 = arith.constant 0 : index
    %get3A_1067 = arith.constant 0 : index
    %get3A_1068 = vector.load %arg6[%get3A_1066, %get3A_1067] : memref<6x64xf32, #tpu.memory_space<vmem>>, vector<1x64xf32>
    %get3A_1069 = arith.constant 1 : index
    %get3A_1070 = arith.constant 0 : index
    %get3A_1071 = vector.load %arg6[%get3A_1069, %get3A_1070] : memref<6x64xf32, #tpu.memory_space<vmem>>, vector<1x64xf32>
    %dot_general3A_1072 = arith.constant dense<0.000000e+00> : vector<400x64xf32>
    %dot_general3A_1073 = tpu.matmul %get3A_1039, %get3A_1065, %dot_general3A_1072 {dimension_numbers = #tpu.dot_dimension_numbers<[1], [0], [0], [1], [0, 0, 1, 1], [], []>, transpose_lhs_hint = false} : vector<400x64xf32>, vector<64x64xf32>, vector<400x64xf32> -> vector<400x64xf32>
    %dot_general3A_1074 = arith.constant dense<0.000000e+00> : vector<400x1xf32>
    %dot_general3A_1075 = tpu.matmul %get3A_1039, %get3A_1068, %dot_general3A_1074 {dimension_numbers = #tpu.dot_dimension_numbers<[1], [1], [0], [0], [0, 0, 1, 0], [], []>, transpose_lhs_hint = false} : vector<400x64xf32>, vector<1x64xf32>, vector<400x1xf32> -> vector<400x1xf32>
    %dot_general3A_1076 = arith.constant dense<0.000000e+00> : vector<1x400xf32>
    %dot_general3A_1077 = tpu.matmul %get3A_1071, %get3A_1039, %dot_general3A_1076 {dimension_numbers = #tpu.dot_dimension_numbers<[1], [1], [0], [0], [0, 0, 1, 0], [], []>, transpose_lhs_hint = false} : vector<1x64xf32>, vector<400x64xf32>, vector<1x400xf32> -> vector<1x400xf32>
    %gt3A_1078 = arith.constant 0.000000e+00 : f32
    %gt3A_1079 = vector.broadcast %gt3A_1078 : f32 to vector<1x400xf32>
    %gt3A_1080 = arith.cmpf ogt, %get3A_1057, %gt3A_1079 : vector<1x400xf32>
    %jit3A_1081 = arith.constant -1.000000e+30 : f32
    %broadcast_in_dim3A_1082 = vector.broadcast %jit3A_1081 : f32 to vector<1x400xf32>
    %select_n3A_1083 = arith.select %gt3A_1080, %dot_general3A_1077, %broadcast_in_dim3A_1082 : vector<1x400xi1>, vector<1x400xf32>
    %add3A_1084 = vector.broadcast %dot_general3A_1075 : vector<400x1xf32> to vector<400x400xf32>
    %add3A_1085 = vector.broadcast %select_n3A_1083 : vector<1x400xf32> to vector<400x400xf32>
    %add3A_1086 = arith.addf %add3A_1084, %add3A_1085 : vector<400x400xf32>
    %mul3A_1087 = arith.constant 2.000000e-01 : f32
    %mul3A_1088 = vector.broadcast %mul3A_1087 : f32 to vector<400x400xf32>
    %mul3A_1089 = arith.mulf %mul3A_1088, %add3A_1086 : vector<400x400xf32>
    %max3A_1090 = arith.maximumf %add3A_1086, %mul3A_1089 : vector<400x400xf32>
    %exp23A_1091 = math.exp2 %max3A_1090 : vector<400x400xf32>
    %mul3A_1092 = arith.mulf %exp23A_1091, %get3A_2 : vector<400x400xf32>
    %concatenate3A_1093 = tpu.concatenate %dot_general3A_1073, %broadcast_in_dim3A_0 in 1 : vector<400x64xf32>, vector<400x1xf32> -> vector<400x65xf32>
    %dot_general3A_1094 = arith.constant dense<0.000000e+00> : vector<400x65xf32>
    %dot_general3A_1095 = tpu.matmul %mul3A_1092, %concatenate3A_1093, %dot_general3A_1094 {dimension_numbers = #tpu.dot_dimension_numbers<[1], [0], [0], [1], [0, 0, 1, 1], [], []>, transpose_lhs_hint = false} : vector<400x400xf32>, vector<400x65xf32>, vector<400x65xf32> -> vector<400x65xf32>
    %slice3A_1096 = vector.extract_strided_slice %dot_general3A_1095 {offsets = [0, 0], sizes = [400, 64], strides = [1, 1]} : vector<400x65xf32> to vector<400x64xf32>
    %slice3A_1097 = vector.extract_strided_slice %dot_general3A_1095 {offsets = [0, 64], sizes = [400, 1], strides = [1, 1]} : vector<400x65xf32> to vector<400x1xf32>
    %div3A_1098 = arith.constant 1.000000e+00 : f32
    %div3A_1099 = vector.broadcast %div3A_1098 : f32 to vector<400x1xf32>
    %div3A_1100 = arith.divf %div3A_1099, %slice3A_1097 : vector<400x1xf32>
    %mul3A_1101 = vector.broadcast %div3A_1100 : vector<400x1xf32> to vector<400x64xf32>
    %mul3A_1102 = arith.mulf %slice3A_1096, %mul3A_1101 : vector<400x64xf32>
    %gt3A_1103 = arith.constant 0.000000e+00 : f32
    %gt3A_1104 = vector.broadcast %gt3A_1103 : f32 to vector<400x64xf32>
    %gt3A_1105 = arith.cmpf ogt, %mul3A_1102, %gt3A_1104 : vector<400x64xf32>
    %min3A_1106 = arith.constant 0.000000e+00 : f32
    %min3A_1107 = vector.broadcast %min3A_1106 : f32 to vector<400x64xf32>
    %min3A_1108 = arith.minimumf %mul3A_1102, %min3A_1107 : vector<400x64xf32>
    %exp3A_1109 = math.exp %min3A_1108 : vector<400x64xf32>
    %sub3A_1110 = arith.constant 1.000000e+00 : f32
    %sub3A_1111 = vector.broadcast %sub3A_1110 : f32 to vector<400x64xf32>
    %sub3A_1112 = arith.subf %exp3A_1109, %sub3A_1111 : vector<400x64xf32>
    %select_n3A_1113 = arith.select %gt3A_1105, %mul3A_1102, %sub3A_1112 : vector<400x64xi1>, vector<400x64xf32>
    %get3A_1114 = arith.constant 1 : index
    %get3A_1115 = arith.constant 0 : index
    %get3A_1116 = arith.constant 0 : index
    %get3A_1117 = vector.load %arg5[%get3A_1114, %get3A_1115, %get3A_1116] : memref<2x64x64xf32, #tpu.memory_space<vmem>>, vector<1x64x64xf32>
    %get3A_1118 = vector.shape_cast %get3A_1117 : vector<1x64x64xf32> to vector<64x64xf32>
    %get3A_1119 = arith.constant 2 : index
    %get3A_1120 = arith.constant 0 : index
    %get3A_1121 = vector.load %arg6[%get3A_1119, %get3A_1120] : memref<6x64xf32, #tpu.memory_space<vmem>>, vector<1x64xf32>
    %get3A_1122 = arith.constant 3 : index
    %get3A_1123 = arith.constant 0 : index
    %get3A_1124 = vector.load %arg6[%get3A_1122, %get3A_1123] : memref<6x64xf32, #tpu.memory_space<vmem>>, vector<1x64xf32>
    %dot_general3A_1125 = arith.constant dense<0.000000e+00> : vector<400x64xf32>
    %dot_general3A_1126 = tpu.matmul %get3A_1039, %get3A_1118, %dot_general3A_1125 {dimension_numbers = #tpu.dot_dimension_numbers<[1], [0], [0], [1], [0, 0, 1, 1], [], []>, transpose_lhs_hint = false} : vector<400x64xf32>, vector<64x64xf32>, vector<400x64xf32> -> vector<400x64xf32>
    %dot_general3A_1127 = arith.constant dense<0.000000e+00> : vector<400x1xf32>
    %dot_general3A_1128 = tpu.matmul %get3A_1039, %get3A_1121, %dot_general3A_1127 {dimension_numbers = #tpu.dot_dimension_numbers<[1], [1], [0], [0], [0, 0, 1, 0], [], []>, transpose_lhs_hint = false} : vector<400x64xf32>, vector<1x64xf32>, vector<400x1xf32> -> vector<400x1xf32>
    %dot_general3A_1129 = arith.constant dense<0.000000e+00> : vector<1x400xf32>
    %dot_general3A_1130 = tpu.matmul %get3A_1124, %get3A_1039, %dot_general3A_1129 {dimension_numbers = #tpu.dot_dimension_numbers<[1], [1], [0], [0], [0, 0, 1, 0], [], []>, transpose_lhs_hint = false} : vector<1x64xf32>, vector<400x64xf32>, vector<1x400xf32> -> vector<1x400xf32>
    %gt3A_1131 = arith.constant 0.000000e+00 : f32
    %gt3A_1132 = vector.broadcast %gt3A_1131 : f32 to vector<1x400xf32>
    %gt3A_1133 = arith.cmpf ogt, %get3A_1057, %gt3A_1132 : vector<1x400xf32>
    %jit3A_1134 = arith.constant -1.000000e+30 : f32
    %broadcast_in_dim3A_1135 = vector.broadcast %jit3A_1134 : f32 to vector<1x400xf32>
    %select_n3A_1136 = arith.select %gt3A_1133, %dot_general3A_1130, %broadcast_in_dim3A_1135 : vector<1x400xi1>, vector<1x400xf32>
    %add3A_1137 = vector.broadcast %dot_general3A_1128 : vector<400x1xf32> to vector<400x400xf32>
    %add3A_1138 = vector.broadcast %select_n3A_1136 : vector<1x400xf32> to vector<400x400xf32>
    %add3A_1139 = arith.addf %add3A_1137, %add3A_1138 : vector<400x400xf32>
    %mul3A_1140 = arith.constant 2.000000e-01 : f32
    %mul3A_1141 = vector.broadcast %mul3A_1140 : f32 to vector<400x400xf32>
    %mul3A_1142 = arith.mulf %mul3A_1141, %add3A_1139 : vector<400x400xf32>
    %max3A_1143 = arith.maximumf %add3A_1139, %mul3A_1142 : vector<400x400xf32>
    %exp23A_1144 = math.exp2 %max3A_1143 : vector<400x400xf32>
    %mul3A_1145 = arith.mulf %exp23A_1144, %get3A_2 : vector<400x400xf32>
    %concatenate3A_1146 = tpu.concatenate %dot_general3A_1126, %broadcast_in_dim3A_0 in 1 : vector<400x64xf32>, vector<400x1xf32> -> vector<400x65xf32>
    %dot_general3A_1147 = arith.constant dense<0.000000e+00> : vector<400x65xf32>
    %dot_general3A_1148 = tpu.matmul %mul3A_1145, %concatenate3A_1146, %dot_general3A_1147 {dimension_numbers = #tpu.dot_dimension_numbers<[1], [0], [0], [1], [0, 0, 1, 1], [], []>, transpose_lhs_hint = false} : vector<400x400xf32>, vector<400x65xf32>, vector<400x65xf32> -> vector<400x65xf32>
    %slice3A_1149 = vector.extract_strided_slice %dot_general3A_1148 {offsets = [0, 0], sizes = [400, 64], strides = [1, 1]} : vector<400x65xf32> to vector<400x64xf32>
    %slice3A_1150 = vector.extract_strided_slice %dot_general3A_1148 {offsets = [0, 64], sizes = [400, 1], strides = [1, 1]} : vector<400x65xf32> to vector<400x1xf32>
    %div3A_1151 = arith.constant 1.000000e+00 : f32
    %div3A_1152 = vector.broadcast %div3A_1151 : f32 to vector<400x1xf32>
    %div3A_1153 = arith.divf %div3A_1152, %slice3A_1150 : vector<400x1xf32>
    %mul3A_1154 = vector.broadcast %div3A_1153 : vector<400x1xf32> to vector<400x64xf32>
    %mul3A_1155 = arith.mulf %slice3A_1149, %mul3A_1154 : vector<400x64xf32>
    %gt3A_1156 = arith.constant 0.000000e+00 : f32
    %gt3A_1157 = vector.broadcast %gt3A_1156 : f32 to vector<400x64xf32>
    %gt3A_1158 = arith.cmpf ogt, %mul3A_1155, %gt3A_1157 : vector<400x64xf32>
    %min3A_1159 = arith.constant 0.000000e+00 : f32
    %min3A_1160 = vector.broadcast %min3A_1159 : f32 to vector<400x64xf32>
    %min3A_1161 = arith.minimumf %mul3A_1155, %min3A_1160 : vector<400x64xf32>
    %exp3A_1162 = math.exp %min3A_1161 : vector<400x64xf32>
    %sub3A_1163 = arith.constant 1.000000e+00 : f32
    %sub3A_1164 = vector.broadcast %sub3A_1163 : f32 to vector<400x64xf32>
    %sub3A_1165 = arith.subf %exp3A_1162, %sub3A_1164 : vector<400x64xf32>
    %select_n3A_1166 = arith.select %gt3A_1158, %mul3A_1155, %sub3A_1165 : vector<400x64xi1>, vector<400x64xf32>
    %concatenate3A_1167 = tpu.concatenate %select_n3A_1113, %select_n3A_1166 in 1 : vector<400x64xf32>, vector<400x64xf32> -> vector<400x128xf32>
    %get3A_1168 = arith.constant 0 : index
    %get3A_1169 = arith.constant 0 : index
    %get3A_1170 = vector.load %arg8[%get3A_1168, %get3A_1169] : memref<128x64xf32, #tpu.memory_space<vmem>>, vector<128x64xf32>
    %dot_general3A_1171 = arith.constant dense<0.000000e+00> : vector<400x64xf32>
    %dot_general3A_1172 = tpu.matmul %concatenate3A_1167, %get3A_1170, %dot_general3A_1171 {dimension_numbers = #tpu.dot_dimension_numbers<[1], [0], [0], [1], [0, 0, 1, 1], [], []>, transpose_lhs_hint = false} : vector<400x128xf32>, vector<128x64xf32>, vector<400x64xf32> -> vector<400x64xf32>
    %gt3A_1173 = arith.constant 0.000000e+00 : f32
    %gt3A_1174 = vector.broadcast %gt3A_1173 : f32 to vector<400x64xf32>
    %gt3A_1175 = arith.cmpf ogt, %dot_general3A_1172, %gt3A_1174 : vector<400x64xf32>
    %min3A_1176 = arith.constant 0.000000e+00 : f32
    %min3A_1177 = vector.broadcast %min3A_1176 : f32 to vector<400x64xf32>
    %min3A_1178 = arith.minimumf %dot_general3A_1172, %min3A_1177 : vector<400x64xf32>
    %exp3A_1179 = math.exp %min3A_1178 : vector<400x64xf32>
    %sub3A_1180 = arith.constant 1.000000e+00 : f32
    %sub3A_1181 = vector.broadcast %sub3A_1180 : f32 to vector<400x64xf32>
    %sub3A_1182 = arith.subf %exp3A_1179, %sub3A_1181 : vector<400x64xf32>
    %select_n3A_1183 = arith.select %gt3A_1175, %dot_general3A_1172, %sub3A_1182 : vector<400x64xi1>, vector<400x64xf32>
    %get3A_1184 = arith.constant 0 : index
    %get3A_1185 = arith.constant 0 : index
    %get3A_1186 = vector.load %arg7[%get3A_1184, %get3A_1185] : memref<64x64xf32, #tpu.memory_space<vmem>>, vector<64x64xf32>
    %get3A_1187 = arith.constant 4 : index
    %get3A_1188 = arith.constant 0 : index
    %get3A_1189 = vector.load %arg6[%get3A_1187, %get3A_1188] : memref<6x64xf32, #tpu.memory_space<vmem>>, vector<1x64xf32>
    %get3A_1190 = arith.constant 5 : index
    %get3A_1191 = arith.constant 0 : index
    %get3A_1192 = vector.load %arg6[%get3A_1190, %get3A_1191] : memref<6x64xf32, #tpu.memory_space<vmem>>, vector<1x64xf32>
    %dot_general3A_1193 = arith.constant dense<0.000000e+00> : vector<400x64xf32>
    %dot_general3A_1194 = tpu.matmul %select_n3A_1183, %get3A_1186, %dot_general3A_1193 {dimension_numbers = #tpu.dot_dimension_numbers<[1], [0], [0], [1], [0, 0, 1, 1], [], []>, transpose_lhs_hint = false} : vector<400x64xf32>, vector<64x64xf32>, vector<400x64xf32> -> vector<400x64xf32>
    %dot_general3A_1195 = arith.constant dense<0.000000e+00> : vector<400x1xf32>
    %dot_general3A_1196 = tpu.matmul %select_n3A_1183, %get3A_1189, %dot_general3A_1195 {dimension_numbers = #tpu.dot_dimension_numbers<[1], [1], [0], [0], [0, 0, 1, 0], [], []>, transpose_lhs_hint = false} : vector<400x64xf32>, vector<1x64xf32>, vector<400x1xf32> -> vector<400x1xf32>
    %dot_general3A_1197 = arith.constant dense<0.000000e+00> : vector<1x400xf32>
    %dot_general3A_1198 = tpu.matmul %get3A_1192, %select_n3A_1183, %dot_general3A_1197 {dimension_numbers = #tpu.dot_dimension_numbers<[1], [1], [0], [0], [0, 0, 1, 0], [], []>, transpose_lhs_hint = false} : vector<1x64xf32>, vector<400x64xf32>, vector<1x400xf32> -> vector<1x400xf32>
    %gt3A_1199 = arith.constant 0.000000e+00 : f32
    %gt3A_1200 = vector.broadcast %gt3A_1199 : f32 to vector<1x400xf32>
    %gt3A_1201 = arith.cmpf ogt, %get3A_1057, %gt3A_1200 : vector<1x400xf32>
    %jit3A_1202 = arith.constant -1.000000e+30 : f32
    %broadcast_in_dim3A_1203 = vector.broadcast %jit3A_1202 : f32 to vector<1x400xf32>
    %select_n3A_1204 = arith.select %gt3A_1201, %dot_general3A_1198, %broadcast_in_dim3A_1203 : vector<1x400xi1>, vector<1x400xf32>
    %add3A_1205 = vector.broadcast %dot_general3A_1196 : vector<400x1xf32> to vector<400x400xf32>
    %add3A_1206 = vector.broadcast %select_n3A_1204 : vector<1x400xf32> to vector<400x400xf32>
    %add3A_1207 = arith.addf %add3A_1205, %add3A_1206 : vector<400x400xf32>
    %mul3A_1208 = arith.constant 2.000000e-01 : f32
    %mul3A_1209 = vector.broadcast %mul3A_1208 : f32 to vector<400x400xf32>
    %mul3A_1210 = arith.mulf %mul3A_1209, %add3A_1207 : vector<400x400xf32>
    %max3A_1211 = arith.maximumf %add3A_1207, %mul3A_1210 : vector<400x400xf32>
    %exp23A_1212 = math.exp2 %max3A_1211 : vector<400x400xf32>
    %mul3A_1213 = arith.mulf %exp23A_1212, %get3A_2 : vector<400x400xf32>
    %concatenate3A_1214 = tpu.concatenate %dot_general3A_1194, %broadcast_in_dim3A_0 in 1 : vector<400x64xf32>, vector<400x1xf32> -> vector<400x65xf32>
    %dot_general3A_1215 = arith.constant dense<0.000000e+00> : vector<400x65xf32>
    %dot_general3A_1216 = tpu.matmul %mul3A_1213, %concatenate3A_1214, %dot_general3A_1215 {dimension_numbers = #tpu.dot_dimension_numbers<[1], [0], [0], [1], [0, 0, 1, 1], [], []>, transpose_lhs_hint = false} : vector<400x400xf32>, vector<400x65xf32>, vector<400x65xf32> -> vector<400x65xf32>
    %slice3A_1217 = vector.extract_strided_slice %dot_general3A_1216 {offsets = [0, 0], sizes = [400, 64], strides = [1, 1]} : vector<400x65xf32> to vector<400x64xf32>
    %slice3A_1218 = vector.extract_strided_slice %dot_general3A_1216 {offsets = [0, 64], sizes = [400, 1], strides = [1, 1]} : vector<400x65xf32> to vector<400x1xf32>
    %div3A_1219 = arith.constant 1.000000e+00 : f32
    %div3A_1220 = vector.broadcast %div3A_1219 : f32 to vector<400x1xf32>
    %div3A_1221 = arith.divf %div3A_1220, %slice3A_1218 : vector<400x1xf32>
    %mul3A_1222 = vector.broadcast %div3A_1221 : vector<400x1xf32> to vector<400x64xf32>
    %mul3A_1223 = arith.mulf %slice3A_1217, %mul3A_1222 : vector<400x64xf32>
    %sub3A_1224 = arith.constant 1.000000e+00 : f32
    %sub3A_1225 = vector.broadcast %sub3A_1224 : f32 to vector<8x1xf32>
    %sub3A_1226 = arith.subf %broadcast_in_dim3A_1060, %sub3A_1225 : vector<8x1xf32>
    %eq3A_1227 = vector.broadcast %sub3A_1226 : vector<8x1xf32> to vector<8x400xf32>
    %eq3A_1228 = arith.cmpf oeq, %get3A_8, %eq3A_1227 : vector<8x400xf32>
    %convert_element_type3A_1229 = arith.extui %eq3A_1228 : vector<8x400xi1> to vector<8x400xi32>
    %convert_element_type3A_1230 = arith.sitofp %convert_element_type3A_1229 : vector<8x400xi32> to vector<8x400xf32>
    %dot_general3A_1231 = arith.constant dense<0.000000e+00> : vector<8x64xf32>
    %dot_general3A_1232 = tpu.matmul %convert_element_type3A_1230, %mul3A_1223, %dot_general3A_1231 {dimension_numbers = #tpu.dot_dimension_numbers<[1], [0], [0], [1], [0, 0, 1, 1], [], []>, transpose_lhs_hint = false} : vector<8x400xf32>, vector<400x64xf32>, vector<8x64xf32> -> vector<8x64xf32>
    %get3A_1233 = arith.constant 0 : index
    %get3A_1234 = arith.constant 0 : index
    %get3A_1235 = vector.load %arg9[%get3A_1233, %get3A_1234] : memref<64x64xf32, #tpu.memory_space<vmem>>, vector<64x64xf32>
    %dot_general3A_1236 = arith.constant dense<0.000000e+00> : vector<8x64xf32>
    %dot_general3A_1237 = tpu.matmul %dot_general3A_1232, %get3A_1235, %dot_general3A_1236 {dimension_numbers = #tpu.dot_dimension_numbers<[1], [0], [0], [1], [0, 0, 1, 1], [], []>, transpose_lhs_hint = false} : vector<8x64xf32>, vector<64x64xf32>, vector<8x64xf32> -> vector<8x64xf32>
    %get3A_1238 = arith.constant 0 : index
    %get3A_1239 = arith.constant 0 : index
    %get3A_1240 = vector.load %arg10[%get3A_1238, %get3A_1239] : memref<1x64xf32, #tpu.memory_space<vmem>>, vector<1x64xf32>
    %add3A_1241 = vector.broadcast %get3A_1240 : vector<1x64xf32> to vector<8x64xf32>
    %add3A_1242 = arith.addf %dot_general3A_1237, %add3A_1241 : vector<8x64xf32>
    %dot_general3A_1243 = arith.constant dense<0.000000e+00> : vector<400x64xf32>
    %dot_general3A_1244 = tpu.matmul %get3A_5, %add3A_1242, %dot_general3A_1243 {dimension_numbers = #tpu.dot_dimension_numbers<[0], [0], [1], [1], [0, 1, 1, 1], [], []>, transpose_lhs_hint = false} : vector<8x400xf32>, vector<8x64xf32>, vector<400x64xf32> -> vector<400x64xf32>
    %get3A_1245 = arith.constant 0 : index
    %get3A_1246 = arith.constant 0 : index
    %get3A_1247 = vector.load %arg11[%get3A_1245, %get3A_1246] : memref<64x64xf32, #tpu.memory_space<vmem>>, vector<64x64xf32>
    %dot_general3A_1248 = arith.constant dense<0.000000e+00> : vector<400x64xf32>
    %dot_general3A_1249 = tpu.matmul %mul3A_1223, %get3A_1247, %dot_general3A_1248 {dimension_numbers = #tpu.dot_dimension_numbers<[1], [0], [0], [1], [0, 0, 1, 1], [], []>, transpose_lhs_hint = false} : vector<400x64xf32>, vector<64x64xf32>, vector<400x64xf32> -> vector<400x64xf32>
    %get3A_1250 = arith.constant 0 : index
    %get3A_1251 = arith.constant 0 : index
    %get3A_1252 = vector.load %arg12[%get3A_1250, %get3A_1251] : memref<1x64xf32, #tpu.memory_space<vmem>>, vector<1x64xf32>
    %add3A_1253 = vector.broadcast %get3A_1252 : vector<1x64xf32> to vector<400x64xf32>
    %add3A_1254 = arith.addf %dot_general3A_1249, %add3A_1253 : vector<400x64xf32>
    %add3A_1255 = arith.addf %dot_general3A_1244, %add3A_1254 : vector<400x64xf32>
    %neg3A_1256 = arith.constant 0.000000e+00 : f32
    %neg3A_1257 = vector.broadcast %neg3A_1256 : f32 to vector<400x64xf32>
    %neg3A_1258 = arith.subf %neg3A_1257, %add3A_1255 : vector<400x64xf32>
    %exp3A_1259 = math.exp %neg3A_1258 : vector<400x64xf32>
    %add3A_1260 = arith.constant 1.000000e+00 : f32
    %add3A_1261 = vector.broadcast %add3A_1260 : f32 to vector<400x64xf32>
    %add3A_1262 = arith.addf %add3A_1261, %exp3A_1259 : vector<400x64xf32>
    %div3A_1263 = arith.constant 1.000000e+00 : f32
    %div3A_1264 = vector.broadcast %div3A_1263 : f32 to vector<400x64xf32>
    %div3A_1265 = arith.divf %div3A_1264, %add3A_1262 : vector<400x64xf32>
    %get3A_1266 = arith.constant 0 : index
    %get3A_1267 = arith.constant 0 : index
    %get3A_1268 = vector.load %arg13[%get3A_1266, %get3A_1267] : memref<64x1xf32, #tpu.memory_space<vmem>>, vector<64x1xf32>
    %dot_general3A_1269 = arith.constant dense<0.000000e+00> : vector<400x1xf32>
    %dot_general3A_1270 = tpu.matmul %div3A_1265, %get3A_1268, %dot_general3A_1269 {dimension_numbers = #tpu.dot_dimension_numbers<[1], [0], [0], [1], [0, 0, 1, 1], [], []>, transpose_lhs_hint = false} : vector<400x64xf32>, vector<64x1xf32>, vector<400x1xf32> -> vector<400x1xf32>
    %mul3A_1271 = vector.broadcast %dot_general3A_1270 : vector<400x1xf32> to vector<400x64xf32>
    %mul3A_1272 = arith.mulf %mul3A_1271, %mul3A_1223 : vector<400x64xf32>
    %mul3A_1273 = vector.broadcast %get3A_1051 : vector<400x1xf32> to vector<400x64xf32>
    %mul3A_1274 = arith.mulf %mul3A_1272, %mul3A_1273 : vector<400x64xf32>
    %dot_general3A_1275 = arith.constant dense<0.000000e+00> : vector<8x64xf32>
    %dot_general3A_1276 = tpu.matmul %get3A_5, %mul3A_1274, %dot_general3A_1275 {dimension_numbers = #tpu.dot_dimension_numbers<[1], [0], [0], [1], [0, 0, 1, 1], [], []>, transpose_lhs_hint = false} : vector<8x400xf32>, vector<400x64xf32>, vector<8x64xf32> -> vector<8x64xf32>
    %concatenate3A_1277 = tpu.concatenate %dot_general3A_1276, %dot_general3A_1232 in 1 : vector<8x64xf32>, vector<8x64xf32> -> vector<8x128xf32>
    %get3A_1278 = arith.constant 0 : index
    %get3A_1279 = arith.constant 0 : index
    %get3A_1280 = vector.load %arg14[%get3A_1278, %get3A_1279] : memref<128x64xf32, #tpu.memory_space<vmem>>, vector<128x64xf32>
    %dot_general3A_1281 = arith.constant dense<0.000000e+00> : vector<8x64xf32>
    %dot_general3A_1282 = tpu.matmul %concatenate3A_1277, %get3A_1280, %dot_general3A_1281 {dimension_numbers = #tpu.dot_dimension_numbers<[1], [0], [0], [1], [0, 0, 1, 1], [], []>, transpose_lhs_hint = false} : vector<8x128xf32>, vector<128x64xf32>, vector<8x64xf32> -> vector<8x64xf32>
    %get3A_1283 = arith.constant 0 : index
    %get3A_1284 = arith.constant 0 : index
    %get3A_1285 = vector.load %arg15[%get3A_1283, %get3A_1284] : memref<1x64xf32, #tpu.memory_space<vmem>>, vector<1x64xf32>
    %add3A_1286 = vector.broadcast %get3A_1285 : vector<1x64xf32> to vector<8x64xf32>
    %add3A_1287 = arith.addf %dot_general3A_1282, %add3A_1286 : vector<8x64xf32>
    %swap3A_1288 = arith.constant 0 : index
    %swap3A_1289 = arith.constant 4 : index
    %swap3A_1290 = arith.constant 0 : index
    %swap3A_1291 = arith.constant 0 : index
    %swap3A_1292 = vector.load %arg19[%swap3A_1288, %swap3A_1289, %swap3A_1290, %swap3A_1291] : memref<1x8x8x64xf32, #tpu.memory_space<vmem>>, vector<1x1x8x64xf32>
    %swap3A_1293 = vector.shape_cast %swap3A_1292 : vector<1x1x8x64xf32> to vector<8x64xf32>
    %swap3A_1294 = vector.shape_cast %add3A_1287 : vector<8x64xf32> to vector<1x1x8x64xf32>
    tpu.vector_store %arg19[%swap3A_1288, %swap3A_1289, %swap3A_1290, %swap3A_1291], %swap3A_1294 {strides = array<i32>} : memref<1x8x8x64xf32, #tpu.memory_space<vmem>>, vector<1x1x8x64xf32>,
    %get3A_1295 = arith.constant 0 : index
    %get3A_1296 = arith.constant 5 : index
    %get3A_1297 = arith.constant 0 : index
    %get3A_1298 = arith.constant 0 : index
    %get3A_1299 = vector.load %arg1[%get3A_1295, %get3A_1296, %get3A_1297, %get3A_1298] : memref<1x8x400x64xf32, #tpu.memory_space<vmem>>, vector<1x1x400x64xf32>
    %get3A_1300 = vector.shape_cast %get3A_1299 : vector<1x1x400x64xf32> to vector<400x64xf32>
    %get3A_1301 = arith.constant 0 : index
    %get3A_1302 = arith.constant 5 : index
    %get3A_1303 = arith.constant 0 : index
    %get3A_1304 = arith.constant 0 : index
    %get3A_1305 = vector.load %arg2[%get3A_1301, %get3A_1302, %get3A_1303, %get3A_1304] : memref<1x8x8x50xf32, #tpu.memory_space<vmem>>, vector<1x1x8x50xf32>
    %get3A_1306 = vector.shape_cast %get3A_1305 : vector<1x1x8x50xf32> to vector<8x50xf32>
    %get3A_1307 = arith.constant 0 : index
    %get3A_1308 = arith.constant 5 : index
    %get3A_1309 = arith.constant 0 : index
    %get3A_1310 = arith.constant 0 : index
    %get3A_1311 = vector.load %arg3[%get3A_1307, %get3A_1308, %get3A_1309, %get3A_1310] : memref<1x8x400x1xf32, #tpu.memory_space<vmem>>, vector<1x1x400x1xf32>
    %get3A_1312 = vector.shape_cast %get3A_1311 : vector<1x1x400x1xf32> to vector<400x1xf32>
    %get3A_1313 = arith.constant 0 : index
    %get3A_1314 = arith.constant 5 : index
    %get3A_1315 = arith.constant 0 : index
    %get3A_1316 = arith.constant 0 : index
    %get3A_1317 = vector.load %arg4[%get3A_1313, %get3A_1314, %get3A_1315, %get3A_1316] : memref<1x8x1x400xf32, #tpu.memory_space<vmem>>, vector<1x1x1x400xf32>
    %get3A_1318 = vector.shape_cast %get3A_1317 : vector<1x1x1x400xf32> to vector<1x400xf32>
    %reduce_sum3A_1319 = arith.constant dense<0.000000e+00> : vector<8xf32>
    %reduce_sum3A_1320 = vector.multi_reduction <add>, %get3A_1306, %reduce_sum3A_1319 [1] : vector<8x50xf32> to vector<8xf32>
    %broadcast_in_dim3A_1321 = vector.shape_cast %reduce_sum3A_1320 : vector<8xf32> to vector<8x1xf32>
    %get3A_1322 = arith.constant 0 : index
    %get3A_1323 = arith.constant 0 : index
    %get3A_1324 = arith.constant 0 : index
    %get3A_1325 = vector.load %arg5[%get3A_1322, %get3A_1323, %get3A_1324] : memref<2x64x64xf32, #tpu.memory_space<vmem>>, vector<1x64x64xf32>
    %get3A_1326 = vector.shape_cast %get3A_1325 : vector<1x64x64xf32> to vector<64x64xf32>
    %get3A_1327 = arith.constant 0 : index
    %get3A_1328 = arith.constant 0 : index
    %get3A_1329 = vector.load %arg6[%get3A_1327, %get3A_1328] : memref<6x64xf32, #tpu.memory_space<vmem>>, vector<1x64xf32>
    %get3A_1330 = arith.constant 1 : index
    %get3A_1331 = arith.constant 0 : index
    %get3A_1332 = vector.load %arg6[%get3A_1330, %get3A_1331] : memref<6x64xf32, #tpu.memory_space<vmem>>, vector<1x64xf32>
    %dot_general3A_1333 = arith.constant dense<0.000000e+00> : vector<400x64xf32>
    %dot_general3A_1334 = tpu.matmul %get3A_1300, %get3A_1326, %dot_general3A_1333 {dimension_numbers = #tpu.dot_dimension_numbers<[1], [0], [0], [1], [0, 0, 1, 1], [], []>, transpose_lhs_hint = false} : vector<400x64xf32>, vector<64x64xf32>, vector<400x64xf32> -> vector<400x64xf32>
    %dot_general3A_1335 = arith.constant dense<0.000000e+00> : vector<400x1xf32>
    %dot_general3A_1336 = tpu.matmul %get3A_1300, %get3A_1329, %dot_general3A_1335 {dimension_numbers = #tpu.dot_dimension_numbers<[1], [1], [0], [0], [0, 0, 1, 0], [], []>, transpose_lhs_hint = false} : vector<400x64xf32>, vector<1x64xf32>, vector<400x1xf32> -> vector<400x1xf32>
    %dot_general3A_1337 = arith.constant dense<0.000000e+00> : vector<1x400xf32>
    %dot_general3A_1338 = tpu.matmul %get3A_1332, %get3A_1300, %dot_general3A_1337 {dimension_numbers = #tpu.dot_dimension_numbers<[1], [1], [0], [0], [0, 0, 1, 0], [], []>, transpose_lhs_hint = false} : vector<1x64xf32>, vector<400x64xf32>, vector<1x400xf32> -> vector<1x400xf32>
    %gt3A_1339 = arith.constant 0.000000e+00 : f32
    %gt3A_1340 = vector.broadcast %gt3A_1339 : f32 to vector<1x400xf32>
    %gt3A_1341 = arith.cmpf ogt, %get3A_1318, %gt3A_1340 : vector<1x400xf32>
    %jit3A_1342 = arith.constant -1.000000e+30 : f32
    %broadcast_in_dim3A_1343 = vector.broadcast %jit3A_1342 : f32 to vector<1x400xf32>
    %select_n3A_1344 = arith.select %gt3A_1341, %dot_general3A_1338, %broadcast_in_dim3A_1343 : vector<1x400xi1>, vector<1x400xf32>
    %add3A_1345 = vector.broadcast %dot_general3A_1336 : vector<400x1xf32> to vector<400x400xf32>
    %add3A_1346 = vector.broadcast %select_n3A_1344 : vector<1x400xf32> to vector<400x400xf32>
    %add3A_1347 = arith.addf %add3A_1345, %add3A_1346 : vector<400x400xf32>
    %mul3A_1348 = arith.constant 2.000000e-01 : f32
    %mul3A_1349 = vector.broadcast %mul3A_1348 : f32 to vector<400x400xf32>
    %mul3A_1350 = arith.mulf %mul3A_1349, %add3A_1347 : vector<400x400xf32>
    %max3A_1351 = arith.maximumf %add3A_1347, %mul3A_1350 : vector<400x400xf32>
    %exp23A_1352 = math.exp2 %max3A_1351 : vector<400x400xf32>
    %mul3A_1353 = arith.mulf %exp23A_1352, %get3A_2 : vector<400x400xf32>
    %concatenate3A_1354 = tpu.concatenate %dot_general3A_1334, %broadcast_in_dim3A_0 in 1 : vector<400x64xf32>, vector<400x1xf32> -> vector<400x65xf32>
    %dot_general3A_1355 = arith.constant dense<0.000000e+00> : vector<400x65xf32>
    %dot_general3A_1356 = tpu.matmul %mul3A_1353, %concatenate3A_1354, %dot_general3A_1355 {dimension_numbers = #tpu.dot_dimension_numbers<[1], [0], [0], [1], [0, 0, 1, 1], [], []>, transpose_lhs_hint = false} : vector<400x400xf32>, vector<400x65xf32>, vector<400x65xf32> -> vector<400x65xf32>
    %slice3A_1357 = vector.extract_strided_slice %dot_general3A_1356 {offsets = [0, 0], sizes = [400, 64], strides = [1, 1]} : vector<400x65xf32> to vector<400x64xf32>
    %slice3A_1358 = vector.extract_strided_slice %dot_general3A_1356 {offsets = [0, 64], sizes = [400, 1], strides = [1, 1]} : vector<400x65xf32> to vector<400x1xf32>
    %div3A_1359 = arith.constant 1.000000e+00 : f32
    %div3A_1360 = vector.broadcast %div3A_1359 : f32 to vector<400x1xf32>
    %div3A_1361 = arith.divf %div3A_1360, %slice3A_1358 : vector<400x1xf32>
    %mul3A_1362 = vector.broadcast %div3A_1361 : vector<400x1xf32> to vector<400x64xf32>
    %mul3A_1363 = arith.mulf %slice3A_1357, %mul3A_1362 : vector<400x64xf32>
    %gt3A_1364 = arith.constant 0.000000e+00 : f32
    %gt3A_1365 = vector.broadcast %gt3A_1364 : f32 to vector<400x64xf32>
    %gt3A_1366 = arith.cmpf ogt, %mul3A_1363, %gt3A_1365 : vector<400x64xf32>
    %min3A_1367 = arith.constant 0.000000e+00 : f32
    %min3A_1368 = vector.broadcast %min3A_1367 : f32 to vector<400x64xf32>
    %min3A_1369 = arith.minimumf %mul3A_1363, %min3A_1368 : vector<400x64xf32>
    %exp3A_1370 = math.exp %min3A_1369 : vector<400x64xf32>
    %sub3A_1371 = arith.constant 1.000000e+00 : f32
    %sub3A_1372 = vector.broadcast %sub3A_1371 : f32 to vector<400x64xf32>
    %sub3A_1373 = arith.subf %exp3A_1370, %sub3A_1372 : vector<400x64xf32>
    %select_n3A_1374 = arith.select %gt3A_1366, %mul3A_1363, %sub3A_1373 : vector<400x64xi1>, vector<400x64xf32>
    %get3A_1375 = arith.constant 1 : index
    %get3A_1376 = arith.constant 0 : index
    %get3A_1377 = arith.constant 0 : index
    %get3A_1378 = vector.load %arg5[%get3A_1375, %get3A_1376, %get3A_1377] : memref<2x64x64xf32, #tpu.memory_space<vmem>>, vector<1x64x64xf32>
    %get3A_1379 = vector.shape_cast %get3A_1378 : vector<1x64x64xf32> to vector<64x64xf32>
    %get3A_1380 = arith.constant 2 : index
    %get3A_1381 = arith.constant 0 : index
    %get3A_1382 = vector.load %arg6[%get3A_1380, %get3A_1381] : memref<6x64xf32, #tpu.memory_space<vmem>>, vector<1x64xf32>
    %get3A_1383 = arith.constant 3 : index
    %get3A_1384 = arith.constant 0 : index
    %get3A_1385 = vector.load %arg6[%get3A_1383, %get3A_1384] : memref<6x64xf32, #tpu.memory_space<vmem>>, vector<1x64xf32>
    %dot_general3A_1386 = arith.constant dense<0.000000e+00> : vector<400x64xf32>
    %dot_general3A_1387 = tpu.matmul %get3A_1300, %get3A_1379, %dot_general3A_1386 {dimension_numbers = #tpu.dot_dimension_numbers<[1], [0], [0], [1], [0, 0, 1, 1], [], []>, transpose_lhs_hint = false} : vector<400x64xf32>, vector<64x64xf32>, vector<400x64xf32> -> vector<400x64xf32>
    %dot_general3A_1388 = arith.constant dense<0.000000e+00> : vector<400x1xf32>
    %dot_general3A_1389 = tpu.matmul %get3A_1300, %get3A_1382, %dot_general3A_1388 {dimension_numbers = #tpu.dot_dimension_numbers<[1], [1], [0], [0], [0, 0, 1, 0], [], []>, transpose_lhs_hint = false} : vector<400x64xf32>, vector<1x64xf32>, vector<400x1xf32> -> vector<400x1xf32>
    %dot_general3A_1390 = arith.constant dense<0.000000e+00> : vector<1x400xf32>
    %dot_general3A_1391 = tpu.matmul %get3A_1385, %get3A_1300, %dot_general3A_1390 {dimension_numbers = #tpu.dot_dimension_numbers<[1], [1], [0], [0], [0, 0, 1, 0], [], []>, transpose_lhs_hint = false} : vector<1x64xf32>, vector<400x64xf32>, vector<1x400xf32> -> vector<1x400xf32>
    %gt3A_1392 = arith.constant 0.000000e+00 : f32
    %gt3A_1393 = vector.broadcast %gt3A_1392 : f32 to vector<1x400xf32>
    %gt3A_1394 = arith.cmpf ogt, %get3A_1318, %gt3A_1393 : vector<1x400xf32>
    %jit3A_1395 = arith.constant -1.000000e+30 : f32
    %broadcast_in_dim3A_1396 = vector.broadcast %jit3A_1395 : f32 to vector<1x400xf32>
    %select_n3A_1397 = arith.select %gt3A_1394, %dot_general3A_1391, %broadcast_in_dim3A_1396 : vector<1x400xi1>, vector<1x400xf32>
    %add3A_1398 = vector.broadcast %dot_general3A_1389 : vector<400x1xf32> to vector<400x400xf32>
    %add3A_1399 = vector.broadcast %select_n3A_1397 : vector<1x400xf32> to vector<400x400xf32>
    %add3A_1400 = arith.addf %add3A_1398, %add3A_1399 : vector<400x400xf32>
    %mul3A_1401 = arith.constant 2.000000e-01 : f32
    %mul3A_1402 = vector.broadcast %mul3A_1401 : f32 to vector<400x400xf32>
    %mul3A_1403 = arith.mulf %mul3A_1402, %add3A_1400 : vector<400x400xf32>
    %max3A_1404 = arith.maximumf %add3A_1400, %mul3A_1403 : vector<400x400xf32>
    %exp23A_1405 = math.exp2 %max3A_1404 : vector<400x400xf32>
    %mul3A_1406 = arith.mulf %exp23A_1405, %get3A_2 : vector<400x400xf32>
    %concatenate3A_1407 = tpu.concatenate %dot_general3A_1387, %broadcast_in_dim3A_0 in 1 : vector<400x64xf32>, vector<400x1xf32> -> vector<400x65xf32>
    %dot_general3A_1408 = arith.constant dense<0.000000e+00> : vector<400x65xf32>
    %dot_general3A_1409 = tpu.matmul %mul3A_1406, %concatenate3A_1407, %dot_general3A_1408 {dimension_numbers = #tpu.dot_dimension_numbers<[1], [0], [0], [1], [0, 0, 1, 1], [], []>, transpose_lhs_hint = false} : vector<400x400xf32>, vector<400x65xf32>, vector<400x65xf32> -> vector<400x65xf32>
    %slice3A_1410 = vector.extract_strided_slice %dot_general3A_1409 {offsets = [0, 0], sizes = [400, 64], strides = [1, 1]} : vector<400x65xf32> to vector<400x64xf32>
    %slice3A_1411 = vector.extract_strided_slice %dot_general3A_1409 {offsets = [0, 64], sizes = [400, 1], strides = [1, 1]} : vector<400x65xf32> to vector<400x1xf32>
    %div3A_1412 = arith.constant 1.000000e+00 : f32
    %div3A_1413 = vector.broadcast %div3A_1412 : f32 to vector<400x1xf32>
    %div3A_1414 = arith.divf %div3A_1413, %slice3A_1411 : vector<400x1xf32>
    %mul3A_1415 = vector.broadcast %div3A_1414 : vector<400x1xf32> to vector<400x64xf32>
    %mul3A_1416 = arith.mulf %slice3A_1410, %mul3A_1415 : vector<400x64xf32>
    %gt3A_1417 = arith.constant 0.000000e+00 : f32
    %gt3A_1418 = vector.broadcast %gt3A_1417 : f32 to vector<400x64xf32>
    %gt3A_1419 = arith.cmpf ogt, %mul3A_1416, %gt3A_1418 : vector<400x64xf32>
    %min3A_1420 = arith.constant 0.000000e+00 : f32
    %min3A_1421 = vector.broadcast %min3A_1420 : f32 to vector<400x64xf32>
    %min3A_1422 = arith.minimumf %mul3A_1416, %min3A_1421 : vector<400x64xf32>
    %exp3A_1423 = math.exp %min3A_1422 : vector<400x64xf32>
    %sub3A_1424 = arith.constant 1.000000e+00 : f32
    %sub3A_1425 = vector.broadcast %sub3A_1424 : f32 to vector<400x64xf32>
    %sub3A_1426 = arith.subf %exp3A_1423, %sub3A_1425 : vector<400x64xf32>
    %select_n3A_1427 = arith.select %gt3A_1419, %mul3A_1416, %sub3A_1426 : vector<400x64xi1>, vector<400x64xf32>
    %concatenate3A_1428 = tpu.concatenate %select_n3A_1374, %select_n3A_1427 in 1 : vector<400x64xf32>, vector<400x64xf32> -> vector<400x128xf32>
    %get3A_1429 = arith.constant 0 : index
    %get3A_1430 = arith.constant 0 : index
    %get3A_1431 = vector.load %arg8[%get3A_1429, %get3A_1430] : memref<128x64xf32, #tpu.memory_space<vmem>>, vector<128x64xf32>
    %dot_general3A_1432 = arith.constant dense<0.000000e+00> : vector<400x64xf32>
    %dot_general3A_1433 = tpu.matmul %concatenate3A_1428, %get3A_1431, %dot_general3A_1432 {dimension_numbers = #tpu.dot_dimension_numbers<[1], [0], [0], [1], [0, 0, 1, 1], [], []>, transpose_lhs_hint = false} : vector<400x128xf32>, vector<128x64xf32>, vector<400x64xf32> -> vector<400x64xf32>
    %gt3A_1434 = arith.constant 0.000000e+00 : f32
    %gt3A_1435 = vector.broadcast %gt3A_1434 : f32 to vector<400x64xf32>
    %gt3A_1436 = arith.cmpf ogt, %dot_general3A_1433, %gt3A_1435 : vector<400x64xf32>
    %min3A_1437 = arith.constant 0.000000e+00 : f32
    %min3A_1438 = vector.broadcast %min3A_1437 : f32 to vector<400x64xf32>
    %min3A_1439 = arith.minimumf %dot_general3A_1433, %min3A_1438 : vector<400x64xf32>
    %exp3A_1440 = math.exp %min3A_1439 : vector<400x64xf32>
    %sub3A_1441 = arith.constant 1.000000e+00 : f32
    %sub3A_1442 = vector.broadcast %sub3A_1441 : f32 to vector<400x64xf32>
    %sub3A_1443 = arith.subf %exp3A_1440, %sub3A_1442 : vector<400x64xf32>
    %select_n3A_1444 = arith.select %gt3A_1436, %dot_general3A_1433, %sub3A_1443 : vector<400x64xi1>, vector<400x64xf32>
    %get3A_1445 = arith.constant 0 : index
    %get3A_1446 = arith.constant 0 : index
    %get3A_1447 = vector.load %arg7[%get3A_1445, %get3A_1446] : memref<64x64xf32, #tpu.memory_space<vmem>>, vector<64x64xf32>
    %get3A_1448 = arith.constant 4 : index
    %get3A_1449 = arith.constant 0 : index
    %get3A_1450 = vector.load %arg6[%get3A_1448, %get3A_1449] : memref<6x64xf32, #tpu.memory_space<vmem>>, vector<1x64xf32>
    %get3A_1451 = arith.constant 5 : index
    %get3A_1452 = arith.constant 0 : index
    %get3A_1453 = vector.load %arg6[%get3A_1451, %get3A_1452] : memref<6x64xf32, #tpu.memory_space<vmem>>, vector<1x64xf32>
    %dot_general3A_1454 = arith.constant dense<0.000000e+00> : vector<400x64xf32>
    %dot_general3A_1455 = tpu.matmul %select_n3A_1444, %get3A_1447, %dot_general3A_1454 {dimension_numbers = #tpu.dot_dimension_numbers<[1], [0], [0], [1], [0, 0, 1, 1], [], []>, transpose_lhs_hint = false} : vector<400x64xf32>, vector<64x64xf32>, vector<400x64xf32> -> vector<400x64xf32>
    %dot_general3A_1456 = arith.constant dense<0.000000e+00> : vector<400x1xf32>
    %dot_general3A_1457 = tpu.matmul %select_n3A_1444, %get3A_1450, %dot_general3A_1456 {dimension_numbers = #tpu.dot_dimension_numbers<[1], [1], [0], [0], [0, 0, 1, 0], [], []>, transpose_lhs_hint = false} : vector<400x64xf32>, vector<1x64xf32>, vector<400x1xf32> -> vector<400x1xf32>
    %dot_general3A_1458 = arith.constant dense<0.000000e+00> : vector<1x400xf32>
    %dot_general3A_1459 = tpu.matmul %get3A_1453, %select_n3A_1444, %dot_general3A_1458 {dimension_numbers = #tpu.dot_dimension_numbers<[1], [1], [0], [0], [0, 0, 1, 0], [], []>, transpose_lhs_hint = false} : vector<1x64xf32>, vector<400x64xf32>, vector<1x400xf32> -> vector<1x400xf32>
    %gt3A_1460 = arith.constant 0.000000e+00 : f32
    %gt3A_1461 = vector.broadcast %gt3A_1460 : f32 to vector<1x400xf32>
    %gt3A_1462 = arith.cmpf ogt, %get3A_1318, %gt3A_1461 : vector<1x400xf32>
    %jit3A_1463 = arith.constant -1.000000e+30 : f32
    %broadcast_in_dim3A_1464 = vector.broadcast %jit3A_1463 : f32 to vector<1x400xf32>
    %select_n3A_1465 = arith.select %gt3A_1462, %dot_general3A_1459, %broadcast_in_dim3A_1464 : vector<1x400xi1>, vector<1x400xf32>
    %add3A_1466 = vector.broadcast %dot_general3A_1457 : vector<400x1xf32> to vector<400x400xf32>
    %add3A_1467 = vector.broadcast %select_n3A_1465 : vector<1x400xf32> to vector<400x400xf32>
    %add3A_1468 = arith.addf %add3A_1466, %add3A_1467 : vector<400x400xf32>
    %mul3A_1469 = arith.constant 2.000000e-01 : f32
    %mul3A_1470 = vector.broadcast %mul3A_1469 : f32 to vector<400x400xf32>
    %mul3A_1471 = arith.mulf %mul3A_1470, %add3A_1468 : vector<400x400xf32>
    %max3A_1472 = arith.maximumf %add3A_1468, %mul3A_1471 : vector<400x400xf32>
    %exp23A_1473 = math.exp2 %max3A_1472 : vector<400x400xf32>
    %mul3A_1474 = arith.mulf %exp23A_1473, %get3A_2 : vector<400x400xf32>
    %concatenate3A_1475 = tpu.concatenate %dot_general3A_1455, %broadcast_in_dim3A_0 in 1 : vector<400x64xf32>, vector<400x1xf32> -> vector<400x65xf32>
    %dot_general3A_1476 = arith.constant dense<0.000000e+00> : vector<400x65xf32>
    %dot_general3A_1477 = tpu.matmul %mul3A_1474, %concatenate3A_1475, %dot_general3A_1476 {dimension_numbers = #tpu.dot_dimension_numbers<[1], [0], [0], [1], [0, 0, 1, 1], [], []>, transpose_lhs_hint = false} : vector<400x400xf32>, vector<400x65xf32>, vector<400x65xf32> -> vector<400x65xf32>
    %slice3A_1478 = vector.extract_strided_slice %dot_general3A_1477 {offsets = [0, 0], sizes = [400, 64], strides = [1, 1]} : vector<400x65xf32> to vector<400x64xf32>
    %slice3A_1479 = vector.extract_strided_slice %dot_general3A_1477 {offsets = [0, 64], sizes = [400, 1], strides = [1, 1]} : vector<400x65xf32> to vector<400x1xf32>
    %div3A_1480 = arith.constant 1.000000e+00 : f32
    %div3A_1481 = vector.broadcast %div3A_1480 : f32 to vector<400x1xf32>
    %div3A_1482 = arith.divf %div3A_1481, %slice3A_1479 : vector<400x1xf32>
    %mul3A_1483 = vector.broadcast %div3A_1482 : vector<400x1xf32> to vector<400x64xf32>
    %mul3A_1484 = arith.mulf %slice3A_1478, %mul3A_1483 : vector<400x64xf32>
    %sub3A_1485 = arith.constant 1.000000e+00 : f32
    %sub3A_1486 = vector.broadcast %sub3A_1485 : f32 to vector<8x1xf32>
    %sub3A_1487 = arith.subf %broadcast_in_dim3A_1321, %sub3A_1486 : vector<8x1xf32>
    %eq3A_1488 = vector.broadcast %sub3A_1487 : vector<8x1xf32> to vector<8x400xf32>
    %eq3A_1489 = arith.cmpf oeq, %get3A_8, %eq3A_1488 : vector<8x400xf32>
    %convert_element_type3A_1490 = arith.extui %eq3A_1489 : vector<8x400xi1> to vector<8x400xi32>
    %convert_element_type3A_1491 = arith.sitofp %convert_element_type3A_1490 : vector<8x400xi32> to vector<8x400xf32>
    %dot_general3A_1492 = arith.constant dense<0.000000e+00> : vector<8x64xf32>
    %dot_general3A_1493 = tpu.matmul %convert_element_type3A_1491, %mul3A_1484, %dot_general3A_1492 {dimension_numbers = #tpu.dot_dimension_numbers<[1], [0], [0], [1], [0, 0, 1, 1], [], []>, transpose_lhs_hint = false} : vector<8x400xf32>, vector<400x64xf32>, vector<8x64xf32> -> vector<8x64xf32>
    %get3A_1494 = arith.constant 0 : index
    %get3A_1495 = arith.constant 0 : index
    %get3A_1496 = vector.load %arg9[%get3A_1494, %get3A_1495] : memref<64x64xf32, #tpu.memory_space<vmem>>, vector<64x64xf32>
    %dot_general3A_1497 = arith.constant dense<0.000000e+00> : vector<8x64xf32>
    %dot_general3A_1498 = tpu.matmul %dot_general3A_1493, %get3A_1496, %dot_general3A_1497 {dimension_numbers = #tpu.dot_dimension_numbers<[1], [0], [0], [1], [0, 0, 1, 1], [], []>, transpose_lhs_hint = false} : vector<8x64xf32>, vector<64x64xf32>, vector<8x64xf32> -> vector<8x64xf32>
    %get3A_1499 = arith.constant 0 : index
    %get3A_1500 = arith.constant 0 : index
    %get3A_1501 = vector.load %arg10[%get3A_1499, %get3A_1500] : memref<1x64xf32, #tpu.memory_space<vmem>>, vector<1x64xf32>
    %add3A_1502 = vector.broadcast %get3A_1501 : vector<1x64xf32> to vector<8x64xf32>
    %add3A_1503 = arith.addf %dot_general3A_1498, %add3A_1502 : vector<8x64xf32>
    %dot_general3A_1504 = arith.constant dense<0.000000e+00> : vector<400x64xf32>
    %dot_general3A_1505 = tpu.matmul %get3A_5, %add3A_1503, %dot_general3A_1504 {dimension_numbers = #tpu.dot_dimension_numbers<[0], [0], [1], [1], [0, 1, 1, 1], [], []>, transpose_lhs_hint = false} : vector<8x400xf32>, vector<8x64xf32>, vector<400x64xf32> -> vector<400x64xf32>
    %get3A_1506 = arith.constant 0 : index
    %get3A_1507 = arith.constant 0 : index
    %get3A_1508 = vector.load %arg11[%get3A_1506, %get3A_1507] : memref<64x64xf32, #tpu.memory_space<vmem>>, vector<64x64xf32>
    %dot_general3A_1509 = arith.constant dense<0.000000e+00> : vector<400x64xf32>
    %dot_general3A_1510 = tpu.matmul %mul3A_1484, %get3A_1508, %dot_general3A_1509 {dimension_numbers = #tpu.dot_dimension_numbers<[1], [0], [0], [1], [0, 0, 1, 1], [], []>, transpose_lhs_hint = false} : vector<400x64xf32>, vector<64x64xf32>, vector<400x64xf32> -> vector<400x64xf32>
    %get3A_1511 = arith.constant 0 : index
    %get3A_1512 = arith.constant 0 : index
    %get3A_1513 = vector.load %arg12[%get3A_1511, %get3A_1512] : memref<1x64xf32, #tpu.memory_space<vmem>>, vector<1x64xf32>
    %add3A_1514 = vector.broadcast %get3A_1513 : vector<1x64xf32> to vector<400x64xf32>
    %add3A_1515 = arith.addf %dot_general3A_1510, %add3A_1514 : vector<400x64xf32>
    %add3A_1516 = arith.addf %dot_general3A_1505, %add3A_1515 : vector<400x64xf32>
    %neg3A_1517 = arith.constant 0.000000e+00 : f32
    %neg3A_1518 = vector.broadcast %neg3A_1517 : f32 to vector<400x64xf32>
    %neg3A_1519 = arith.subf %neg3A_1518, %add3A_1516 : vector<400x64xf32>
    %exp3A_1520 = math.exp %neg3A_1519 : vector<400x64xf32>
    %add3A_1521 = arith.constant 1.000000e+00 : f32
    %add3A_1522 = vector.broadcast %add3A_1521 : f32 to vector<400x64xf32>
    %add3A_1523 = arith.addf %add3A_1522, %exp3A_1520 : vector<400x64xf32>
    %div3A_1524 = arith.constant 1.000000e+00 : f32
    %div3A_1525 = vector.broadcast %div3A_1524 : f32 to vector<400x64xf32>
    %div3A_1526 = arith.divf %div3A_1525, %add3A_1523 : vector<400x64xf32>
    %get3A_1527 = arith.constant 0 : index
    %get3A_1528 = arith.constant 0 : index
    %get3A_1529 = vector.load %arg13[%get3A_1527, %get3A_1528] : memref<64x1xf32, #tpu.memory_space<vmem>>, vector<64x1xf32>
    %dot_general3A_1530 = arith.constant dense<0.000000e+00> : vector<400x1xf32>
    %dot_general3A_1531 = tpu.matmul %div3A_1526, %get3A_1529, %dot_general3A_1530 {dimension_numbers = #tpu.dot_dimension_numbers<[1], [0], [0], [1], [0, 0, 1, 1], [], []>, transpose_lhs_hint = false} : vector<400x64xf32>, vector<64x1xf32>, vector<400x1xf32> -> vector<400x1xf32>
    %mul3A_1532 = vector.broadcast %dot_general3A_1531 : vector<400x1xf32> to vector<400x64xf32>
    %mul3A_1533 = arith.mulf %mul3A_1532, %mul3A_1484 : vector<400x64xf32>
    %mul3A_1534 = vector.broadcast %get3A_1312 : vector<400x1xf32> to vector<400x64xf32>
    %mul3A_1535 = arith.mulf %mul3A_1533, %mul3A_1534 : vector<400x64xf32>
    %dot_general3A_1536 = arith.constant dense<0.000000e+00> : vector<8x64xf32>
    %dot_general3A_1537 = tpu.matmul %get3A_5, %mul3A_1535, %dot_general3A_1536 {dimension_numbers = #tpu.dot_dimension_numbers<[1], [0], [0], [1], [0, 0, 1, 1], [], []>, transpose_lhs_hint = false} : vector<8x400xf32>, vector<400x64xf32>, vector<8x64xf32> -> vector<8x64xf32>
    %concatenate3A_1538 = tpu.concatenate %dot_general3A_1537, %dot_general3A_1493 in 1 : vector<8x64xf32>, vector<8x64xf32> -> vector<8x128xf32>
    %get3A_1539 = arith.constant 0 : index
    %get3A_1540 = arith.constant 0 : index
    %get3A_1541 = vector.load %arg14[%get3A_1539, %get3A_1540] : memref<128x64xf32, #tpu.memory_space<vmem>>, vector<128x64xf32>
    %dot_general3A_1542 = arith.constant dense<0.000000e+00> : vector<8x64xf32>
    %dot_general3A_1543 = tpu.matmul %concatenate3A_1538, %get3A_1541, %dot_general3A_1542 {dimension_numbers = #tpu.dot_dimension_numbers<[1], [0], [0], [1], [0, 0, 1, 1], [], []>, transpose_lhs_hint = false} : vector<8x128xf32>, vector<128x64xf32>, vector<8x64xf32> -> vector<8x64xf32>
    %get3A_1544 = arith.constant 0 : index
    %get3A_1545 = arith.constant 0 : index
    %get3A_1546 = vector.load %arg15[%get3A_1544, %get3A_1545] : memref<1x64xf32, #tpu.memory_space<vmem>>, vector<1x64xf32>
    %add3A_1547 = vector.broadcast %get3A_1546 : vector<1x64xf32> to vector<8x64xf32>
    %add3A_1548 = arith.addf %dot_general3A_1543, %add3A_1547 : vector<8x64xf32>
    %swap3A_1549 = arith.constant 0 : index
    %swap3A_1550 = arith.constant 5 : index
    %swap3A_1551 = arith.constant 0 : index
    %swap3A_1552 = arith.constant 0 : index
    %swap3A_1553 = vector.load %arg19[%swap3A_1549, %swap3A_1550, %swap3A_1551, %swap3A_1552] : memref<1x8x8x64xf32, #tpu.memory_space<vmem>>, vector<1x1x8x64xf32>
    %swap3A_1554 = vector.shape_cast %swap3A_1553 : vector<1x1x8x64xf32> to vector<8x64xf32>
    %swap3A_1555 = vector.shape_cast %add3A_1548 : vector<8x64xf32> to vector<1x1x8x64xf32>
    tpu.vector_store %arg19[%swap3A_1549, %swap3A_1550, %swap3A_1551, %swap3A_1552], %swap3A_1555 {strides = array<i32>} : memref<1x8x8x64xf32, #tpu.memory_space<vmem>>, vector<1x1x8x64xf32>,
    %get3A_1556 = arith.constant 0 : index
    %get3A_1557 = arith.constant 6 : index
    %get3A_1558 = arith.constant 0 : index
    %get3A_1559 = arith.constant 0 : index
    %get3A_1560 = vector.load %arg1[%get3A_1556, %get3A_1557, %get3A_1558, %get3A_1559] : memref<1x8x400x64xf32, #tpu.memory_space<vmem>>, vector<1x1x400x64xf32>
    %get3A_1561 = vector.shape_cast %get3A_1560 : vector<1x1x400x64xf32> to vector<400x64xf32>
    %get3A_1562 = arith.constant 0 : index
    %get3A_1563 = arith.constant 6 : index
    %get3A_1564 = arith.constant 0 : index
    %get3A_1565 = arith.constant 0 : index
    %get3A_1566 = vector.load %arg2[%get3A_1562, %get3A_1563, %get3A_1564, %get3A_1565] : memref<1x8x8x50xf32, #tpu.memory_space<vmem>>, vector<1x1x8x50xf32>
    %get3A_1567 = vector.shape_cast %get3A_1566 : vector<1x1x8x50xf32> to vector<8x50xf32>
    %get3A_1568 = arith.constant 0 : index
    %get3A_1569 = arith.constant 6 : index
    %get3A_1570 = arith.constant 0 : index
    %get3A_1571 = arith.constant 0 : index
    %get3A_1572 = vector.load %arg3[%get3A_1568, %get3A_1569, %get3A_1570, %get3A_1571] : memref<1x8x400x1xf32, #tpu.memory_space<vmem>>, vector<1x1x400x1xf32>
    %get3A_1573 = vector.shape_cast %get3A_1572 : vector<1x1x400x1xf32> to vector<400x1xf32>
    %get3A_1574 = arith.constant 0 : index
    %get3A_1575 = arith.constant 6 : index
    %get3A_1576 = arith.constant 0 : index
    %get3A_1577 = arith.constant 0 : index
    %get3A_1578 = vector.load %arg4[%get3A_1574, %get3A_1575, %get3A_1576, %get3A_1577] : memref<1x8x1x400xf32, #tpu.memory_space<vmem>>, vector<1x1x1x400xf32>
    %get3A_1579 = vector.shape_cast %get3A_1578 : vector<1x1x1x400xf32> to vector<1x400xf32>
    %reduce_sum3A_1580 = arith.constant dense<0.000000e+00> : vector<8xf32>
    %reduce_sum3A_1581 = vector.multi_reduction <add>, %get3A_1567, %reduce_sum3A_1580 [1] : vector<8x50xf32> to vector<8xf32>
    %broadcast_in_dim3A_1582 = vector.shape_cast %reduce_sum3A_1581 : vector<8xf32> to vector<8x1xf32>
    %get3A_1583 = arith.constant 0 : index
    %get3A_1584 = arith.constant 0 : index
    %get3A_1585 = arith.constant 0 : index
    %get3A_1586 = vector.load %arg5[%get3A_1583, %get3A_1584, %get3A_1585] : memref<2x64x64xf32, #tpu.memory_space<vmem>>, vector<1x64x64xf32>
    %get3A_1587 = vector.shape_cast %get3A_1586 : vector<1x64x64xf32> to vector<64x64xf32>
    %get3A_1588 = arith.constant 0 : index
    %get3A_1589 = arith.constant 0 : index
    %get3A_1590 = vector.load %arg6[%get3A_1588, %get3A_1589] : memref<6x64xf32, #tpu.memory_space<vmem>>, vector<1x64xf32>
    %get3A_1591 = arith.constant 1 : index
    %get3A_1592 = arith.constant 0 : index
    %get3A_1593 = vector.load %arg6[%get3A_1591, %get3A_1592] : memref<6x64xf32, #tpu.memory_space<vmem>>, vector<1x64xf32>
    %dot_general3A_1594 = arith.constant dense<0.000000e+00> : vector<400x64xf32>
    %dot_general3A_1595 = tpu.matmul %get3A_1561, %get3A_1587, %dot_general3A_1594 {dimension_numbers = #tpu.dot_dimension_numbers<[1], [0], [0], [1], [0, 0, 1, 1], [], []>, transpose_lhs_hint = false} : vector<400x64xf32>, vector<64x64xf32>, vector<400x64xf32> -> vector<400x64xf32>
    %dot_general3A_1596 = arith.constant dense<0.000000e+00> : vector<400x1xf32>
    %dot_general3A_1597 = tpu.matmul %get3A_1561, %get3A_1590, %dot_general3A_1596 {dimension_numbers = #tpu.dot_dimension_numbers<[1], [1], [0], [0], [0, 0, 1, 0], [], []>, transpose_lhs_hint = false} : vector<400x64xf32>, vector<1x64xf32>, vector<400x1xf32> -> vector<400x1xf32>
    %dot_general3A_1598 = arith.constant dense<0.000000e+00> : vector<1x400xf32>
    %dot_general3A_1599 = tpu.matmul %get3A_1593, %get3A_1561, %dot_general3A_1598 {dimension_numbers = #tpu.dot_dimension_numbers<[1], [1], [0], [0], [0, 0, 1, 0], [], []>, transpose_lhs_hint = false} : vector<1x64xf32>, vector<400x64xf32>, vector<1x400xf32> -> vector<1x400xf32>
    %gt3A_1600 = arith.constant 0.000000e+00 : f32
    %gt3A_1601 = vector.broadcast %gt3A_1600 : f32 to vector<1x400xf32>
    %gt3A_1602 = arith.cmpf ogt, %get3A_1579, %gt3A_1601 : vector<1x400xf32>
    %jit3A_1603 = arith.constant -1.000000e+30 : f32
    %broadcast_in_dim3A_1604 = vector.broadcast %jit3A_1603 : f32 to vector<1x400xf32>
    %select_n3A_1605 = arith.select %gt3A_1602, %dot_general3A_1599, %broadcast_in_dim3A_1604 : vector<1x400xi1>, vector<1x400xf32>
    %add3A_1606 = vector.broadcast %dot_general3A_1597 : vector<400x1xf32> to vector<400x400xf32>
    %add3A_1607 = vector.broadcast %select_n3A_1605 : vector<1x400xf32> to vector<400x400xf32>
    %add3A_1608 = arith.addf %add3A_1606, %add3A_1607 : vector<400x400xf32>
    %mul3A_1609 = arith.constant 2.000000e-01 : f32
    %mul3A_1610 = vector.broadcast %mul3A_1609 : f32 to vector<400x400xf32>
    %mul3A_1611 = arith.mulf %mul3A_1610, %add3A_1608 : vector<400x400xf32>
    %max3A_1612 = arith.maximumf %add3A_1608, %mul3A_1611 : vector<400x400xf32>
    %exp23A_1613 = math.exp2 %max3A_1612 : vector<400x400xf32>
    %mul3A_1614 = arith.mulf %exp23A_1613, %get3A_2 : vector<400x400xf32>
    %concatenate3A_1615 = tpu.concatenate %dot_general3A_1595, %broadcast_in_dim3A_0 in 1 : vector<400x64xf32>, vector<400x1xf32> -> vector<400x65xf32>
    %dot_general3A_1616 = arith.constant dense<0.000000e+00> : vector<400x65xf32>
    %dot_general3A_1617 = tpu.matmul %mul3A_1614, %concatenate3A_1615, %dot_general3A_1616 {dimension_numbers = #tpu.dot_dimension_numbers<[1], [0], [0], [1], [0, 0, 1, 1], [], []>, transpose_lhs_hint = false} : vector<400x400xf32>, vector<400x65xf32>, vector<400x65xf32> -> vector<400x65xf32>
    %slice3A_1618 = vector.extract_strided_slice %dot_general3A_1617 {offsets = [0, 0], sizes = [400, 64], strides = [1, 1]} : vector<400x65xf32> to vector<400x64xf32>
    %slice3A_1619 = vector.extract_strided_slice %dot_general3A_1617 {offsets = [0, 64], sizes = [400, 1], strides = [1, 1]} : vector<400x65xf32> to vector<400x1xf32>
    %div3A_1620 = arith.constant 1.000000e+00 : f32
    %div3A_1621 = vector.broadcast %div3A_1620 : f32 to vector<400x1xf32>
    %div3A_1622 = arith.divf %div3A_1621, %slice3A_1619 : vector<400x1xf32>
    %mul3A_1623 = vector.broadcast %div3A_1622 : vector<400x1xf32> to vector<400x64xf32>
    %mul3A_1624 = arith.mulf %slice3A_1618, %mul3A_1623 : vector<400x64xf32>
    %gt3A_1625 = arith.constant 0.000000e+00 : f32
    %gt3A_1626 = vector.broadcast %gt3A_1625 : f32 to vector<400x64xf32>
    %gt3A_1627 = arith.cmpf ogt, %mul3A_1624, %gt3A_1626 : vector<400x64xf32>
    %min3A_1628 = arith.constant 0.000000e+00 : f32
    %min3A_1629 = vector.broadcast %min3A_1628 : f32 to vector<400x64xf32>
    %min3A_1630 = arith.minimumf %mul3A_1624, %min3A_1629 : vector<400x64xf32>
    %exp3A_1631 = math.exp %min3A_1630 : vector<400x64xf32>
    %sub3A_1632 = arith.constant 1.000000e+00 : f32
    %sub3A_1633 = vector.broadcast %sub3A_1632 : f32 to vector<400x64xf32>
    %sub3A_1634 = arith.subf %exp3A_1631, %sub3A_1633 : vector<400x64xf32>
    %select_n3A_1635 = arith.select %gt3A_1627, %mul3A_1624, %sub3A_1634 : vector<400x64xi1>, vector<400x64xf32>
    %get3A_1636 = arith.constant 1 : index
    %get3A_1637 = arith.constant 0 : index
    %get3A_1638 = arith.constant 0 : index
    %get3A_1639 = vector.load %arg5[%get3A_1636, %get3A_1637, %get3A_1638] : memref<2x64x64xf32, #tpu.memory_space<vmem>>, vector<1x64x64xf32>
    %get3A_1640 = vector.shape_cast %get3A_1639 : vector<1x64x64xf32> to vector<64x64xf32>
    %get3A_1641 = arith.constant 2 : index
    %get3A_1642 = arith.constant 0 : index
    %get3A_1643 = vector.load %arg6[%get3A_1641, %get3A_1642] : memref<6x64xf32, #tpu.memory_space<vmem>>, vector<1x64xf32>
    %get3A_1644 = arith.constant 3 : index
    %get3A_1645 = arith.constant 0 : index
    %get3A_1646 = vector.load %arg6[%get3A_1644, %get3A_1645] : memref<6x64xf32, #tpu.memory_space<vmem>>, vector<1x64xf32>
    %dot_general3A_1647 = arith.constant dense<0.000000e+00> : vector<400x64xf32>
    %dot_general3A_1648 = tpu.matmul %get3A_1561, %get3A_1640, %dot_general3A_1647 {dimension_numbers = #tpu.dot_dimension_numbers<[1], [0], [0], [1], [0, 0, 1, 1], [], []>, transpose_lhs_hint = false} : vector<400x64xf32>, vector<64x64xf32>, vector<400x64xf32> -> vector<400x64xf32>
    %dot_general3A_1649 = arith.constant dense<0.000000e+00> : vector<400x1xf32>
    %dot_general3A_1650 = tpu.matmul %get3A_1561, %get3A_1643, %dot_general3A_1649 {dimension_numbers = #tpu.dot_dimension_numbers<[1], [1], [0], [0], [0, 0, 1, 0], [], []>, transpose_lhs_hint = false} : vector<400x64xf32>, vector<1x64xf32>, vector<400x1xf32> -> vector<400x1xf32>
    %dot_general3A_1651 = arith.constant dense<0.000000e+00> : vector<1x400xf32>
    %dot_general3A_1652 = tpu.matmul %get3A_1646, %get3A_1561, %dot_general3A_1651 {dimension_numbers = #tpu.dot_dimension_numbers<[1], [1], [0], [0], [0, 0, 1, 0], [], []>, transpose_lhs_hint = false} : vector<1x64xf32>, vector<400x64xf32>, vector<1x400xf32> -> vector<1x400xf32>
    %gt3A_1653 = arith.constant 0.000000e+00 : f32
    %gt3A_1654 = vector.broadcast %gt3A_1653 : f32 to vector<1x400xf32>
    %gt3A_1655 = arith.cmpf ogt, %get3A_1579, %gt3A_1654 : vector<1x400xf32>
    %jit3A_1656 = arith.constant -1.000000e+30 : f32
    %broadcast_in_dim3A_1657 = vector.broadcast %jit3A_1656 : f32 to vector<1x400xf32>
    %select_n3A_1658 = arith.select %gt3A_1655, %dot_general3A_1652, %broadcast_in_dim3A_1657 : vector<1x400xi1>, vector<1x400xf32>
    %add3A_1659 = vector.broadcast %dot_general3A_1650 : vector<400x1xf32> to vector<400x400xf32>
    %add3A_1660 = vector.broadcast %select_n3A_1658 : vector<1x400xf32> to vector<400x400xf32>
    %add3A_1661 = arith.addf %add3A_1659, %add3A_1660 : vector<400x400xf32>
    %mul3A_1662 = arith.constant 2.000000e-01 : f32
    %mul3A_1663 = vector.broadcast %mul3A_1662 : f32 to vector<400x400xf32>
    %mul3A_1664 = arith.mulf %mul3A_1663, %add3A_1661 : vector<400x400xf32>
    %max3A_1665 = arith.maximumf %add3A_1661, %mul3A_1664 : vector<400x400xf32>
    %exp23A_1666 = math.exp2 %max3A_1665 : vector<400x400xf32>
    %mul3A_1667 = arith.mulf %exp23A_1666, %get3A_2 : vector<400x400xf32>
    %concatenate3A_1668 = tpu.concatenate %dot_general3A_1648, %broadcast_in_dim3A_0 in 1 : vector<400x64xf32>, vector<400x1xf32> -> vector<400x65xf32>
    %dot_general3A_1669 = arith.constant dense<0.000000e+00> : vector<400x65xf32>
    %dot_general3A_1670 = tpu.matmul %mul3A_1667, %concatenate3A_1668, %dot_general3A_1669 {dimension_numbers = #tpu.dot_dimension_numbers<[1], [0], [0], [1], [0, 0, 1, 1], [], []>, transpose_lhs_hint = false} : vector<400x400xf32>, vector<400x65xf32>, vector<400x65xf32> -> vector<400x65xf32>
    %slice3A_1671 = vector.extract_strided_slice %dot_general3A_1670 {offsets = [0, 0], sizes = [400, 64], strides = [1, 1]} : vector<400x65xf32> to vector<400x64xf32>
    %slice3A_1672 = vector.extract_strided_slice %dot_general3A_1670 {offsets = [0, 64], sizes = [400, 1], strides = [1, 1]} : vector<400x65xf32> to vector<400x1xf32>
    %div3A_1673 = arith.constant 1.000000e+00 : f32
    %div3A_1674 = vector.broadcast %div3A_1673 : f32 to vector<400x1xf32>
    %div3A_1675 = arith.divf %div3A_1674, %slice3A_1672 : vector<400x1xf32>
    %mul3A_1676 = vector.broadcast %div3A_1675 : vector<400x1xf32> to vector<400x64xf32>
    %mul3A_1677 = arith.mulf %slice3A_1671, %mul3A_1676 : vector<400x64xf32>
    %gt3A_1678 = arith.constant 0.000000e+00 : f32
    %gt3A_1679 = vector.broadcast %gt3A_1678 : f32 to vector<400x64xf32>
    %gt3A_1680 = arith.cmpf ogt, %mul3A_1677, %gt3A_1679 : vector<400x64xf32>
    %min3A_1681 = arith.constant 0.000000e+00 : f32
    %min3A_1682 = vector.broadcast %min3A_1681 : f32 to vector<400x64xf32>
    %min3A_1683 = arith.minimumf %mul3A_1677, %min3A_1682 : vector<400x64xf32>
    %exp3A_1684 = math.exp %min3A_1683 : vector<400x64xf32>
    %sub3A_1685 = arith.constant 1.000000e+00 : f32
    %sub3A_1686 = vector.broadcast %sub3A_1685 : f32 to vector<400x64xf32>
    %sub3A_1687 = arith.subf %exp3A_1684, %sub3A_1686 : vector<400x64xf32>
    %select_n3A_1688 = arith.select %gt3A_1680, %mul3A_1677, %sub3A_1687 : vector<400x64xi1>, vector<400x64xf32>
    %concatenate3A_1689 = tpu.concatenate %select_n3A_1635, %select_n3A_1688 in 1 : vector<400x64xf32>, vector<400x64xf32> -> vector<400x128xf32>
    %get3A_1690 = arith.constant 0 : index
    %get3A_1691 = arith.constant 0 : index
    %get3A_1692 = vector.load %arg8[%get3A_1690, %get3A_1691] : memref<128x64xf32, #tpu.memory_space<vmem>>, vector<128x64xf32>
    %dot_general3A_1693 = arith.constant dense<0.000000e+00> : vector<400x64xf32>
    %dot_general3A_1694 = tpu.matmul %concatenate3A_1689, %get3A_1692, %dot_general3A_1693 {dimension_numbers = #tpu.dot_dimension_numbers<[1], [0], [0], [1], [0, 0, 1, 1], [], []>, transpose_lhs_hint = false} : vector<400x128xf32>, vector<128x64xf32>, vector<400x64xf32> -> vector<400x64xf32>
    %gt3A_1695 = arith.constant 0.000000e+00 : f32
    %gt3A_1696 = vector.broadcast %gt3A_1695 : f32 to vector<400x64xf32>
    %gt3A_1697 = arith.cmpf ogt, %dot_general3A_1694, %gt3A_1696 : vector<400x64xf32>
    %min3A_1698 = arith.constant 0.000000e+00 : f32
    %min3A_1699 = vector.broadcast %min3A_1698 : f32 to vector<400x64xf32>
    %min3A_1700 = arith.minimumf %dot_general3A_1694, %min3A_1699 : vector<400x64xf32>
    %exp3A_1701 = math.exp %min3A_1700 : vector<400x64xf32>
    %sub3A_1702 = arith.constant 1.000000e+00 : f32
    %sub3A_1703 = vector.broadcast %sub3A_1702 : f32 to vector<400x64xf32>
    %sub3A_1704 = arith.subf %exp3A_1701, %sub3A_1703 : vector<400x64xf32>
    %select_n3A_1705 = arith.select %gt3A_1697, %dot_general3A_1694, %sub3A_1704 : vector<400x64xi1>, vector<400x64xf32>
    %get3A_1706 = arith.constant 0 : index
    %get3A_1707 = arith.constant 0 : index
    %get3A_1708 = vector.load %arg7[%get3A_1706, %get3A_1707] : memref<64x64xf32, #tpu.memory_space<vmem>>, vector<64x64xf32>
    %get3A_1709 = arith.constant 4 : index
    %get3A_1710 = arith.constant 0 : index
    %get3A_1711 = vector.load %arg6[%get3A_1709, %get3A_1710] : memref<6x64xf32, #tpu.memory_space<vmem>>, vector<1x64xf32>
    %get3A_1712 = arith.constant 5 : index
    %get3A_1713 = arith.constant 0 : index
    %get3A_1714 = vector.load %arg6[%get3A_1712, %get3A_1713] : memref<6x64xf32, #tpu.memory_space<vmem>>, vector<1x64xf32>
    %dot_general3A_1715 = arith.constant dense<0.000000e+00> : vector<400x64xf32>
    %dot_general3A_1716 = tpu.matmul %select_n3A_1705, %get3A_1708, %dot_general3A_1715 {dimension_numbers = #tpu.dot_dimension_numbers<[1], [0], [0], [1], [0, 0, 1, 1], [], []>, transpose_lhs_hint = false} : vector<400x64xf32>, vector<64x64xf32>, vector<400x64xf32> -> vector<400x64xf32>
    %dot_general3A_1717 = arith.constant dense<0.000000e+00> : vector<400x1xf32>
    %dot_general3A_1718 = tpu.matmul %select_n3A_1705, %get3A_1711, %dot_general3A_1717 {dimension_numbers = #tpu.dot_dimension_numbers<[1], [1], [0], [0], [0, 0, 1, 0], [], []>, transpose_lhs_hint = false} : vector<400x64xf32>, vector<1x64xf32>, vector<400x1xf32> -> vector<400x1xf32>
    %dot_general3A_1719 = arith.constant dense<0.000000e+00> : vector<1x400xf32>
    %dot_general3A_1720 = tpu.matmul %get3A_1714, %select_n3A_1705, %dot_general3A_1719 {dimension_numbers = #tpu.dot_dimension_numbers<[1], [1], [0], [0], [0, 0, 1, 0], [], []>, transpose_lhs_hint = false} : vector<1x64xf32>, vector<400x64xf32>, vector<1x400xf32> -> vector<1x400xf32>
    %gt3A_1721 = arith.constant 0.000000e+00 : f32
    %gt3A_1722 = vector.broadcast %gt3A_1721 : f32 to vector<1x400xf32>
    %gt3A_1723 = arith.cmpf ogt, %get3A_1579, %gt3A_1722 : vector<1x400xf32>
    %jit3A_1724 = arith.constant -1.000000e+30 : f32
    %broadcast_in_dim3A_1725 = vector.broadcast %jit3A_1724 : f32 to vector<1x400xf32>
    %select_n3A_1726 = arith.select %gt3A_1723, %dot_general3A_1720, %broadcast_in_dim3A_1725 : vector<1x400xi1>, vector<1x400xf32>
    %add3A_1727 = vector.broadcast %dot_general3A_1718 : vector<400x1xf32> to vector<400x400xf32>
    %add3A_1728 = vector.broadcast %select_n3A_1726 : vector<1x400xf32> to vector<400x400xf32>
    %add3A_1729 = arith.addf %add3A_1727, %add3A_1728 : vector<400x400xf32>
    %mul3A_1730 = arith.constant 2.000000e-01 : f32
    %mul3A_1731 = vector.broadcast %mul3A_1730 : f32 to vector<400x400xf32>
    %mul3A_1732 = arith.mulf %mul3A_1731, %add3A_1729 : vector<400x400xf32>
    %max3A_1733 = arith.maximumf %add3A_1729, %mul3A_1732 : vector<400x400xf32>
    %exp23A_1734 = math.exp2 %max3A_1733 : vector<400x400xf32>
    %mul3A_1735 = arith.mulf %exp23A_1734, %get3A_2 : vector<400x400xf32>
    %concatenate3A_1736 = tpu.concatenate %dot_general3A_1716, %broadcast_in_dim3A_0 in 1 : vector<400x64xf32>, vector<400x1xf32> -> vector<400x65xf32>
    %dot_general3A_1737 = arith.constant dense<0.000000e+00> : vector<400x65xf32>
    %dot_general3A_1738 = tpu.matmul %mul3A_1735, %concatenate3A_1736, %dot_general3A_1737 {dimension_numbers = #tpu.dot_dimension_numbers<[1], [0], [0], [1], [0, 0, 1, 1], [], []>, transpose_lhs_hint = false} : vector<400x400xf32>, vector<400x65xf32>, vector<400x65xf32> -> vector<400x65xf32>
    %slice3A_1739 = vector.extract_strided_slice %dot_general3A_1738 {offsets = [0, 0], sizes = [400, 64], strides = [1, 1]} : vector<400x65xf32> to vector<400x64xf32>
    %slice3A_1740 = vector.extract_strided_slice %dot_general3A_1738 {offsets = [0, 64], sizes = [400, 1], strides = [1, 1]} : vector<400x65xf32> to vector<400x1xf32>
    %div3A_1741 = arith.constant 1.000000e+00 : f32
    %div3A_1742 = vector.broadcast %div3A_1741 : f32 to vector<400x1xf32>
    %div3A_1743 = arith.divf %div3A_1742, %slice3A_1740 : vector<400x1xf32>
    %mul3A_1744 = vector.broadcast %div3A_1743 : vector<400x1xf32> to vector<400x64xf32>
    %mul3A_1745 = arith.mulf %slice3A_1739, %mul3A_1744 : vector<400x64xf32>
    %sub3A_1746 = arith.constant 1.000000e+00 : f32
    %sub3A_1747 = vector.broadcast %sub3A_1746 : f32 to vector<8x1xf32>
    %sub3A_1748 = arith.subf %broadcast_in_dim3A_1582, %sub3A_1747 : vector<8x1xf32>
    %eq3A_1749 = vector.broadcast %sub3A_1748 : vector<8x1xf32> to vector<8x400xf32>
    %eq3A_1750 = arith.cmpf oeq, %get3A_8, %eq3A_1749 : vector<8x400xf32>
    %convert_element_type3A_1751 = arith.extui %eq3A_1750 : vector<8x400xi1> to vector<8x400xi32>
    %convert_element_type3A_1752 = arith.sitofp %convert_element_type3A_1751 : vector<8x400xi32> to vector<8x400xf32>
    %dot_general3A_1753 = arith.constant dense<0.000000e+00> : vector<8x64xf32>
    %dot_general3A_1754 = tpu.matmul %convert_element_type3A_1752, %mul3A_1745, %dot_general3A_1753 {dimension_numbers = #tpu.dot_dimension_numbers<[1], [0], [0], [1], [0, 0, 1, 1], [], []>, transpose_lhs_hint = false} : vector<8x400xf32>, vector<400x64xf32>, vector<8x64xf32> -> vector<8x64xf32>
    %get3A_1755 = arith.constant 0 : index
    %get3A_1756 = arith.constant 0 : index
    %get3A_1757 = vector.load %arg9[%get3A_1755, %get3A_1756] : memref<64x64xf32, #tpu.memory_space<vmem>>, vector<64x64xf32>
    %dot_general3A_1758 = arith.constant dense<0.000000e+00> : vector<8x64xf32>
    %dot_general3A_1759 = tpu.matmul %dot_general3A_1754, %get3A_1757, %dot_general3A_1758 {dimension_numbers = #tpu.dot_dimension_numbers<[1], [0], [0], [1], [0, 0, 1, 1], [], []>, transpose_lhs_hint = false} : vector<8x64xf32>, vector<64x64xf32>, vector<8x64xf32> -> vector<8x64xf32>
    %get3A_1760 = arith.constant 0 : index
    %get3A_1761 = arith.constant 0 : index
    %get3A_1762 = vector.load %arg10[%get3A_1760, %get3A_1761] : memref<1x64xf32, #tpu.memory_space<vmem>>, vector<1x64xf32>
    %add3A_1763 = vector.broadcast %get3A_1762 : vector<1x64xf32> to vector<8x64xf32>
    %add3A_1764 = arith.addf %dot_general3A_1759, %add3A_1763 : vector<8x64xf32>
    %dot_general3A_1765 = arith.constant dense<0.000000e+00> : vector<400x64xf32>
    %dot_general3A_1766 = tpu.matmul %get3A_5, %add3A_1764, %dot_general3A_1765 {dimension_numbers = #tpu.dot_dimension_numbers<[0], [0], [1], [1], [0, 1, 1, 1], [], []>, transpose_lhs_hint = false} : vector<8x400xf32>, vector<8x64xf32>, vector<400x64xf32> -> vector<400x64xf32>
    %get3A_1767 = arith.constant 0 : index
    %get3A_1768 = arith.constant 0 : index
    %get3A_1769 = vector.load %arg11[%get3A_1767, %get3A_1768] : memref<64x64xf32, #tpu.memory_space<vmem>>, vector<64x64xf32>
    %dot_general3A_1770 = arith.constant dense<0.000000e+00> : vector<400x64xf32>
    %dot_general3A_1771 = tpu.matmul %mul3A_1745, %get3A_1769, %dot_general3A_1770 {dimension_numbers = #tpu.dot_dimension_numbers<[1], [0], [0], [1], [0, 0, 1, 1], [], []>, transpose_lhs_hint = false} : vector<400x64xf32>, vector<64x64xf32>, vector<400x64xf32> -> vector<400x64xf32>
    %get3A_1772 = arith.constant 0 : index
    %get3A_1773 = arith.constant 0 : index
    %get3A_1774 = vector.load %arg12[%get3A_1772, %get3A_1773] : memref<1x64xf32, #tpu.memory_space<vmem>>, vector<1x64xf32>
    %add3A_1775 = vector.broadcast %get3A_1774 : vector<1x64xf32> to vector<400x64xf32>
    %add3A_1776 = arith.addf %dot_general3A_1771, %add3A_1775 : vector<400x64xf32>
    %add3A_1777 = arith.addf %dot_general3A_1766, %add3A_1776 : vector<400x64xf32>
    %neg3A_1778 = arith.constant 0.000000e+00 : f32
    %neg3A_1779 = vector.broadcast %neg3A_1778 : f32 to vector<400x64xf32>
    %neg3A_1780 = arith.subf %neg3A_1779, %add3A_1777 : vector<400x64xf32>
    %exp3A_1781 = math.exp %neg3A_1780 : vector<400x64xf32>
    %add3A_1782 = arith.constant 1.000000e+00 : f32
    %add3A_1783 = vector.broadcast %add3A_1782 : f32 to vector<400x64xf32>
    %add3A_1784 = arith.addf %add3A_1783, %exp3A_1781 : vector<400x64xf32>
    %div3A_1785 = arith.constant 1.000000e+00 : f32
    %div3A_1786 = vector.broadcast %div3A_1785 : f32 to vector<400x64xf32>
    %div3A_1787 = arith.divf %div3A_1786, %add3A_1784 : vector<400x64xf32>
    %get3A_1788 = arith.constant 0 : index
    %get3A_1789 = arith.constant 0 : index
    %get3A_1790 = vector.load %arg13[%get3A_1788, %get3A_1789] : memref<64x1xf32, #tpu.memory_space<vmem>>, vector<64x1xf32>
    %dot_general3A_1791 = arith.constant dense<0.000000e+00> : vector<400x1xf32>
    %dot_general3A_1792 = tpu.matmul %div3A_1787, %get3A_1790, %dot_general3A_1791 {dimension_numbers = #tpu.dot_dimension_numbers<[1], [0], [0], [1], [0, 0, 1, 1], [], []>, transpose_lhs_hint = false} : vector<400x64xf32>, vector<64x1xf32>, vector<400x1xf32> -> vector<400x1xf32>
    %mul3A_1793 = vector.broadcast %dot_general3A_1792 : vector<400x1xf32> to vector<400x64xf32>
    %mul3A_1794 = arith.mulf %mul3A_1793, %mul3A_1745 : vector<400x64xf32>
    %mul3A_1795 = vector.broadcast %get3A_1573 : vector<400x1xf32> to vector<400x64xf32>
    %mul3A_1796 = arith.mulf %mul3A_1794, %mul3A_1795 : vector<400x64xf32>
    %dot_general3A_1797 = arith.constant dense<0.000000e+00> : vector<8x64xf32>
    %dot_general3A_1798 = tpu.matmul %get3A_5, %mul3A_1796, %dot_general3A_1797 {dimension_numbers = #tpu.dot_dimension_numbers<[1], [0], [0], [1], [0, 0, 1, 1], [], []>, transpose_lhs_hint = false} : vector<8x400xf32>, vector<400x64xf32>, vector<8x64xf32> -> vector<8x64xf32>
    %concatenate3A_1799 = tpu.concatenate %dot_general3A_1798, %dot_general3A_1754 in 1 : vector<8x64xf32>, vector<8x64xf32> -> vector<8x128xf32>
    %get3A_1800 = arith.constant 0 : index
    %get3A_1801 = arith.constant 0 : index
    %get3A_1802 = vector.load %arg14[%get3A_1800, %get3A_1801] : memref<128x64xf32, #tpu.memory_space<vmem>>, vector<128x64xf32>
    %dot_general3A_1803 = arith.constant dense<0.000000e+00> : vector<8x64xf32>
    %dot_general3A_1804 = tpu.matmul %concatenate3A_1799, %get3A_1802, %dot_general3A_1803 {dimension_numbers = #tpu.dot_dimension_numbers<[1], [0], [0], [1], [0, 0, 1, 1], [], []>, transpose_lhs_hint = false} : vector<8x128xf32>, vector<128x64xf32>, vector<8x64xf32> -> vector<8x64xf32>
    %get3A_1805 = arith.constant 0 : index
    %get3A_1806 = arith.constant 0 : index
    %get3A_1807 = vector.load %arg15[%get3A_1805, %get3A_1806] : memref<1x64xf32, #tpu.memory_space<vmem>>, vector<1x64xf32>
    %add3A_1808 = vector.broadcast %get3A_1807 : vector<1x64xf32> to vector<8x64xf32>
    %add3A_1809 = arith.addf %dot_general3A_1804, %add3A_1808 : vector<8x64xf32>
    %swap3A_1810 = arith.constant 0 : index
    %swap3A_1811 = arith.constant 6 : index
    %swap3A_1812 = arith.constant 0 : index
    %swap3A_1813 = arith.constant 0 : index
    %swap3A_1814 = vector.load %arg19[%swap3A_1810, %swap3A_1811, %swap3A_1812, %swap3A_1813] : memref<1x8x8x64xf32, #tpu.memory_space<vmem>>, vector<1x1x8x64xf32>
    %swap3A_1815 = vector.shape_cast %swap3A_1814 : vector<1x1x8x64xf32> to vector<8x64xf32>
    %swap3A_1816 = vector.shape_cast %add3A_1809 : vector<8x64xf32> to vector<1x1x8x64xf32>
    tpu.vector_store %arg19[%swap3A_1810, %swap3A_1811, %swap3A_1812, %swap3A_1813], %swap3A_1816 {strides = array<i32>} : memref<1x8x8x64xf32, #tpu.memory_space<vmem>>, vector<1x1x8x64xf32>,
    %get3A_1817 = arith.constant 0 : index
    %get3A_1818 = arith.constant 7 : index
    %get3A_1819 = arith.constant 0 : index
    %get3A_1820 = arith.constant 0 : index
    %get3A_1821 = vector.load %arg1[%get3A_1817, %get3A_1818, %get3A_1819, %get3A_1820] : memref<1x8x400x64xf32, #tpu.memory_space<vmem>>, vector<1x1x400x64xf32>
    %get3A_1822 = vector.shape_cast %get3A_1821 : vector<1x1x400x64xf32> to vector<400x64xf32>
    %get3A_1823 = arith.constant 0 : index
    %get3A_1824 = arith.constant 7 : index
    %get3A_1825 = arith.constant 0 : index
    %get3A_1826 = arith.constant 0 : index
    %get3A_1827 = vector.load %arg2[%get3A_1823, %get3A_1824, %get3A_1825, %get3A_1826] : memref<1x8x8x50xf32, #tpu.memory_space<vmem>>, vector<1x1x8x50xf32>
    %get3A_1828 = vector.shape_cast %get3A_1827 : vector<1x1x8x50xf32> to vector<8x50xf32>
    %get3A_1829 = arith.constant 0 : index
    %get3A_1830 = arith.constant 7 : index
    %get3A_1831 = arith.constant 0 : index
    %get3A_1832 = arith.constant 0 : index
    %get3A_1833 = vector.load %arg3[%get3A_1829, %get3A_1830, %get3A_1831, %get3A_1832] : memref<1x8x400x1xf32, #tpu.memory_space<vmem>>, vector<1x1x400x1xf32>
    %get3A_1834 = vector.shape_cast %get3A_1833 : vector<1x1x400x1xf32> to vector<400x1xf32>
    %get3A_1835 = arith.constant 0 : index
    %get3A_1836 = arith.constant 7 : index
    %get3A_1837 = arith.constant 0 : index
    %get3A_1838 = arith.constant 0 : index
    %get3A_1839 = vector.load %arg4[%get3A_1835, %get3A_1836, %get3A_1837, %get3A_1838] : memref<1x8x1x400xf32, #tpu.memory_space<vmem>>, vector<1x1x1x400xf32>
    %get3A_1840 = vector.shape_cast %get3A_1839 : vector<1x1x1x400xf32> to vector<1x400xf32>
    %reduce_sum3A_1841 = arith.constant dense<0.000000e+00> : vector<8xf32>
    %reduce_sum3A_1842 = vector.multi_reduction <add>, %get3A_1828, %reduce_sum3A_1841 [1] : vector<8x50xf32> to vector<8xf32>
    %broadcast_in_dim3A_1843 = vector.shape_cast %reduce_sum3A_1842 : vector<8xf32> to vector<8x1xf32>
    %get3A_1844 = arith.constant 0 : index
    %get3A_1845 = arith.constant 0 : index
    %get3A_1846 = arith.constant 0 : index
    %get3A_1847 = vector.load %arg5[%get3A_1844, %get3A_1845, %get3A_1846] : memref<2x64x64xf32, #tpu.memory_space<vmem>>, vector<1x64x64xf32>
    %get3A_1848 = vector.shape_cast %get3A_1847 : vector<1x64x64xf32> to vector<64x64xf32>
    %get3A_1849 = arith.constant 0 : index
    %get3A_1850 = arith.constant 0 : index
    %get3A_1851 = vector.load %arg6[%get3A_1849, %get3A_1850] : memref<6x64xf32, #tpu.memory_space<vmem>>, vector<1x64xf32>
    %get3A_1852 = arith.constant 1 : index
    %get3A_1853 = arith.constant 0 : index
    %get3A_1854 = vector.load %arg6[%get3A_1852, %get3A_1853] : memref<6x64xf32, #tpu.memory_space<vmem>>, vector<1x64xf32>
    %dot_general3A_1855 = arith.constant dense<0.000000e+00> : vector<400x64xf32>
    %dot_general3A_1856 = tpu.matmul %get3A_1822, %get3A_1848, %dot_general3A_1855 {dimension_numbers = #tpu.dot_dimension_numbers<[1], [0], [0], [1], [0, 0, 1, 1], [], []>, transpose_lhs_hint = false} : vector<400x64xf32>, vector<64x64xf32>, vector<400x64xf32> -> vector<400x64xf32>
    %dot_general3A_1857 = arith.constant dense<0.000000e+00> : vector<400x1xf32>
    %dot_general3A_1858 = tpu.matmul %get3A_1822, %get3A_1851, %dot_general3A_1857 {dimension_numbers = #tpu.dot_dimension_numbers<[1], [1], [0], [0], [0, 0, 1, 0], [], []>, transpose_lhs_hint = false} : vector<400x64xf32>, vector<1x64xf32>, vector<400x1xf32> -> vector<400x1xf32>
    %dot_general3A_1859 = arith.constant dense<0.000000e+00> : vector<1x400xf32>
    %dot_general3A_1860 = tpu.matmul %get3A_1854, %get3A_1822, %dot_general3A_1859 {dimension_numbers = #tpu.dot_dimension_numbers<[1], [1], [0], [0], [0, 0, 1, 0], [], []>, transpose_lhs_hint = false} : vector<1x64xf32>, vector<400x64xf32>, vector<1x400xf32> -> vector<1x400xf32>
    %gt3A_1861 = arith.constant 0.000000e+00 : f32
    %gt3A_1862 = vector.broadcast %gt3A_1861 : f32 to vector<1x400xf32>
    %gt3A_1863 = arith.cmpf ogt, %get3A_1840, %gt3A_1862 : vector<1x400xf32>
    %jit3A_1864 = arith.constant -1.000000e+30 : f32
    %broadcast_in_dim3A_1865 = vector.broadcast %jit3A_1864 : f32 to vector<1x400xf32>
    %select_n3A_1866 = arith.select %gt3A_1863, %dot_general3A_1860, %broadcast_in_dim3A_1865 : vector<1x400xi1>, vector<1x400xf32>
    %add3A_1867 = vector.broadcast %dot_general3A_1858 : vector<400x1xf32> to vector<400x400xf32>
    %add3A_1868 = vector.broadcast %select_n3A_1866 : vector<1x400xf32> to vector<400x400xf32>
    %add3A_1869 = arith.addf %add3A_1867, %add3A_1868 : vector<400x400xf32>
    %mul3A_1870 = arith.constant 2.000000e-01 : f32
    %mul3A_1871 = vector.broadcast %mul3A_1870 : f32 to vector<400x400xf32>
    %mul3A_1872 = arith.mulf %mul3A_1871, %add3A_1869 : vector<400x400xf32>
    %max3A_1873 = arith.maximumf %add3A_1869, %mul3A_1872 : vector<400x400xf32>
    %exp23A_1874 = math.exp2 %max3A_1873 : vector<400x400xf32>
    %mul3A_1875 = arith.mulf %exp23A_1874, %get3A_2 : vector<400x400xf32>
    %concatenate3A_1876 = tpu.concatenate %dot_general3A_1856, %broadcast_in_dim3A_0 in 1 : vector<400x64xf32>, vector<400x1xf32> -> vector<400x65xf32>
    %dot_general3A_1877 = arith.constant dense<0.000000e+00> : vector<400x65xf32>
    %dot_general3A_1878 = tpu.matmul %mul3A_1875, %concatenate3A_1876, %dot_general3A_1877 {dimension_numbers = #tpu.dot_dimension_numbers<[1], [0], [0], [1], [0, 0, 1, 1], [], []>, transpose_lhs_hint = false} : vector<400x400xf32>, vector<400x65xf32>, vector<400x65xf32> -> vector<400x65xf32>
    %slice3A_1879 = vector.extract_strided_slice %dot_general3A_1878 {offsets = [0, 0], sizes = [400, 64], strides = [1, 1]} : vector<400x65xf32> to vector<400x64xf32>
    %slice3A_1880 = vector.extract_strided_slice %dot_general3A_1878 {offsets = [0, 64], sizes = [400, 1], strides = [1, 1]} : vector<400x65xf32> to vector<400x1xf32>
    %div3A_1881 = arith.constant 1.000000e+00 : f32
    %div3A_1882 = vector.broadcast %div3A_1881 : f32 to vector<400x1xf32>
    %div3A_1883 = arith.divf %div3A_1882, %slice3A_1880 : vector<400x1xf32>
    %mul3A_1884 = vector.broadcast %div3A_1883 : vector<400x1xf32> to vector<400x64xf32>
    %mul3A_1885 = arith.mulf %slice3A_1879, %mul3A_1884 : vector<400x64xf32>
    %gt3A_1886 = arith.constant 0.000000e+00 : f32
    %gt3A_1887 = vector.broadcast %gt3A_1886 : f32 to vector<400x64xf32>
    %gt3A_1888 = arith.cmpf ogt, %mul3A_1885, %gt3A_1887 : vector<400x64xf32>
    %min3A_1889 = arith.constant 0.000000e+00 : f32
    %min3A_1890 = vector.broadcast %min3A_1889 : f32 to vector<400x64xf32>
    %min3A_1891 = arith.minimumf %mul3A_1885, %min3A_1890 : vector<400x64xf32>
    %exp3A_1892 = math.exp %min3A_1891 : vector<400x64xf32>
    %sub3A_1893 = arith.constant 1.000000e+00 : f32
    %sub3A_1894 = vector.broadcast %sub3A_1893 : f32 to vector<400x64xf32>
    %sub3A_1895 = arith.subf %exp3A_1892, %sub3A_1894 : vector<400x64xf32>
    %select_n3A_1896 = arith.select %gt3A_1888, %mul3A_1885, %sub3A_1895 : vector<400x64xi1>, vector<400x64xf32>
    %get3A_1897 = arith.constant 1 : index
    %get3A_1898 = arith.constant 0 : index
    %get3A_1899 = arith.constant 0 : index
    %get3A_1900 = vector.load %arg5[%get3A_1897, %get3A_1898, %get3A_1899] : memref<2x64x64xf32, #tpu.memory_space<vmem>>, vector<1x64x64xf32>
    %get3A_1901 = vector.shape_cast %get3A_1900 : vector<1x64x64xf32> to vector<64x64xf32>
    %get3A_1902 = arith.constant 2 : index
    %get3A_1903 = arith.constant 0 : index
    %get3A_1904 = vector.load %arg6[%get3A_1902, %get3A_1903] : memref<6x64xf32, #tpu.memory_space<vmem>>, vector<1x64xf32>
    %get3A_1905 = arith.constant 3 : index
    %get3A_1906 = arith.constant 0 : index
    %get3A_1907 = vector.load %arg6[%get3A_1905, %get3A_1906] : memref<6x64xf32, #tpu.memory_space<vmem>>, vector<1x64xf32>
    %dot_general3A_1908 = arith.constant dense<0.000000e+00> : vector<400x64xf32>
    %dot_general3A_1909 = tpu.matmul %get3A_1822, %get3A_1901, %dot_general3A_1908 {dimension_numbers = #tpu.dot_dimension_numbers<[1], [0], [0], [1], [0, 0, 1, 1], [], []>, transpose_lhs_hint = false} : vector<400x64xf32>, vector<64x64xf32>, vector<400x64xf32> -> vector<400x64xf32>
    %dot_general3A_1910 = arith.constant dense<0.000000e+00> : vector<400x1xf32>
    %dot_general3A_1911 = tpu.matmul %get3A_1822, %get3A_1904, %dot_general3A_1910 {dimension_numbers = #tpu.dot_dimension_numbers<[1], [1], [0], [0], [0, 0, 1, 0], [], []>, transpose_lhs_hint = false} : vector<400x64xf32>, vector<1x64xf32>, vector<400x1xf32> -> vector<400x1xf32>
    %dot_general3A_1912 = arith.constant dense<0.000000e+00> : vector<1x400xf32>
    %dot_general3A_1913 = tpu.matmul %get3A_1907, %get3A_1822, %dot_general3A_1912 {dimension_numbers = #tpu.dot_dimension_numbers<[1], [1], [0], [0], [0, 0, 1, 0], [], []>, transpose_lhs_hint = false} : vector<1x64xf32>, vector<400x64xf32>, vector<1x400xf32> -> vector<1x400xf32>
    %gt3A_1914 = arith.constant 0.000000e+00 : f32
    %gt3A_1915 = vector.broadcast %gt3A_1914 : f32 to vector<1x400xf32>
    %gt3A_1916 = arith.cmpf ogt, %get3A_1840, %gt3A_1915 : vector<1x400xf32>
    %jit3A_1917 = arith.constant -1.000000e+30 : f32
    %broadcast_in_dim3A_1918 = vector.broadcast %jit3A_1917 : f32 to vector<1x400xf32>
    %select_n3A_1919 = arith.select %gt3A_1916, %dot_general3A_1913, %broadcast_in_dim3A_1918 : vector<1x400xi1>, vector<1x400xf32>
    %add3A_1920 = vector.broadcast %dot_general3A_1911 : vector<400x1xf32> to vector<400x400xf32>
    %add3A_1921 = vector.broadcast %select_n3A_1919 : vector<1x400xf32> to vector<400x400xf32>
    %add3A_1922 = arith.addf %add3A_1920, %add3A_1921 : vector<400x400xf32>
    %mul3A_1923 = arith.constant 2.000000e-01 : f32
    %mul3A_1924 = vector.broadcast %mul3A_1923 : f32 to vector<400x400xf32>
    %mul3A_1925 = arith.mulf %mul3A_1924, %add3A_1922 : vector<400x400xf32>
    %max3A_1926 = arith.maximumf %add3A_1922, %mul3A_1925 : vector<400x400xf32>
    %exp23A_1927 = math.exp2 %max3A_1926 : vector<400x400xf32>
    %mul3A_1928 = arith.mulf %exp23A_1927, %get3A_2 : vector<400x400xf32>
    %concatenate3A_1929 = tpu.concatenate %dot_general3A_1909, %broadcast_in_dim3A_0 in 1 : vector<400x64xf32>, vector<400x1xf32> -> vector<400x65xf32>
    %dot_general3A_1930 = arith.constant dense<0.000000e+00> : vector<400x65xf32>
    %dot_general3A_1931 = tpu.matmul %mul3A_1928, %concatenate3A_1929, %dot_general3A_1930 {dimension_numbers = #tpu.dot_dimension_numbers<[1], [0], [0], [1], [0, 0, 1, 1], [], []>, transpose_lhs_hint = false} : vector<400x400xf32>, vector<400x65xf32>, vector<400x65xf32> -> vector<400x65xf32>
    %slice3A_1932 = vector.extract_strided_slice %dot_general3A_1931 {offsets = [0, 0], sizes = [400, 64], strides = [1, 1]} : vector<400x65xf32> to vector<400x64xf32>
    %slice3A_1933 = vector.extract_strided_slice %dot_general3A_1931 {offsets = [0, 64], sizes = [400, 1], strides = [1, 1]} : vector<400x65xf32> to vector<400x1xf32>
    %div3A_1934 = arith.constant 1.000000e+00 : f32
    %div3A_1935 = vector.broadcast %div3A_1934 : f32 to vector<400x1xf32>
    %div3A_1936 = arith.divf %div3A_1935, %slice3A_1933 : vector<400x1xf32>
    %mul3A_1937 = vector.broadcast %div3A_1936 : vector<400x1xf32> to vector<400x64xf32>
    %mul3A_1938 = arith.mulf %slice3A_1932, %mul3A_1937 : vector<400x64xf32>
    %gt3A_1939 = arith.constant 0.000000e+00 : f32
    %gt3A_1940 = vector.broadcast %gt3A_1939 : f32 to vector<400x64xf32>
    %gt3A_1941 = arith.cmpf ogt, %mul3A_1938, %gt3A_1940 : vector<400x64xf32>
    %min3A_1942 = arith.constant 0.000000e+00 : f32
    %min3A_1943 = vector.broadcast %min3A_1942 : f32 to vector<400x64xf32>
    %min3A_1944 = arith.minimumf %mul3A_1938, %min3A_1943 : vector<400x64xf32>
    %exp3A_1945 = math.exp %min3A_1944 : vector<400x64xf32>
    %sub3A_1946 = arith.constant 1.000000e+00 : f32
    %sub3A_1947 = vector.broadcast %sub3A_1946 : f32 to vector<400x64xf32>
    %sub3A_1948 = arith.subf %exp3A_1945, %sub3A_1947 : vector<400x64xf32>
    %select_n3A_1949 = arith.select %gt3A_1941, %mul3A_1938, %sub3A_1948 : vector<400x64xi1>, vector<400x64xf32>
    %concatenate3A_1950 = tpu.concatenate %select_n3A_1896, %select_n3A_1949 in 1 : vector<400x64xf32>, vector<400x64xf32> -> vector<400x128xf32>
    %get3A_1951 = arith.constant 0 : index
    %get3A_1952 = arith.constant 0 : index
    %get3A_1953 = vector.load %arg8[%get3A_1951, %get3A_1952] : memref<128x64xf32, #tpu.memory_space<vmem>>, vector<128x64xf32>
    %dot_general3A_1954 = arith.constant dense<0.000000e+00> : vector<400x64xf32>
    %dot_general3A_1955 = tpu.matmul %concatenate3A_1950, %get3A_1953, %dot_general3A_1954 {dimension_numbers = #tpu.dot_dimension_numbers<[1], [0], [0], [1], [0, 0, 1, 1], [], []>, transpose_lhs_hint = false} : vector<400x128xf32>, vector<128x64xf32>, vector<400x64xf32> -> vector<400x64xf32>
    %gt3A_1956 = arith.constant 0.000000e+00 : f32
    %gt3A_1957 = vector.broadcast %gt3A_1956 : f32 to vector<400x64xf32>
    %gt3A_1958 = arith.cmpf ogt, %dot_general3A_1955, %gt3A_1957 : vector<400x64xf32>
    %min3A_1959 = arith.constant 0.000000e+00 : f32
    %min3A_1960 = vector.broadcast %min3A_1959 : f32 to vector<400x64xf32>
    %min3A_1961 = arith.minimumf %dot_general3A_1955, %min3A_1960 : vector<400x64xf32>
    %exp3A_1962 = math.exp %min3A_1961 : vector<400x64xf32>
    %sub3A_1963 = arith.constant 1.000000e+00 : f32
    %sub3A_1964 = vector.broadcast %sub3A_1963 : f32 to vector<400x64xf32>
    %sub3A_1965 = arith.subf %exp3A_1962, %sub3A_1964 : vector<400x64xf32>
    %select_n3A_1966 = arith.select %gt3A_1958, %dot_general3A_1955, %sub3A_1965 : vector<400x64xi1>, vector<400x64xf32>
    %get3A_1967 = arith.constant 0 : index
    %get3A_1968 = arith.constant 0 : index
    %get3A_1969 = vector.load %arg7[%get3A_1967, %get3A_1968] : memref<64x64xf32, #tpu.memory_space<vmem>>, vector<64x64xf32>
    %get3A_1970 = arith.constant 4 : index
    %get3A_1971 = arith.constant 0 : index
    %get3A_1972 = vector.load %arg6[%get3A_1970, %get3A_1971] : memref<6x64xf32, #tpu.memory_space<vmem>>, vector<1x64xf32>
    %get3A_1973 = arith.constant 5 : index
    %get3A_1974 = arith.constant 0 : index
    %get3A_1975 = vector.load %arg6[%get3A_1973, %get3A_1974] : memref<6x64xf32, #tpu.memory_space<vmem>>, vector<1x64xf32>
    %dot_general3A_1976 = arith.constant dense<0.000000e+00> : vector<400x64xf32>
    %dot_general3A_1977 = tpu.matmul %select_n3A_1966, %get3A_1969, %dot_general3A_1976 {dimension_numbers = #tpu.dot_dimension_numbers<[1], [0], [0], [1], [0, 0, 1, 1], [], []>, transpose_lhs_hint = false} : vector<400x64xf32>, vector<64x64xf32>, vector<400x64xf32> -> vector<400x64xf32>
    %dot_general3A_1978 = arith.constant dense<0.000000e+00> : vector<400x1xf32>
    %dot_general3A_1979 = tpu.matmul %select_n3A_1966, %get3A_1972, %dot_general3A_1978 {dimension_numbers = #tpu.dot_dimension_numbers<[1], [1], [0], [0], [0, 0, 1, 0], [], []>, transpose_lhs_hint = false} : vector<400x64xf32>, vector<1x64xf32>, vector<400x1xf32> -> vector<400x1xf32>
    %dot_general3A_1980 = arith.constant dense<0.000000e+00> : vector<1x400xf32>
    %dot_general3A_1981 = tpu.matmul %get3A_1975, %select_n3A_1966, %dot_general3A_1980 {dimension_numbers = #tpu.dot_dimension_numbers<[1], [1], [0], [0], [0, 0, 1, 0], [], []>, transpose_lhs_hint = false} : vector<1x64xf32>, vector<400x64xf32>, vector<1x400xf32> -> vector<1x400xf32>
    %gt3A_1982 = arith.constant 0.000000e+00 : f32
    %gt3A_1983 = vector.broadcast %gt3A_1982 : f32 to vector<1x400xf32>
    %gt3A_1984 = arith.cmpf ogt, %get3A_1840, %gt3A_1983 : vector<1x400xf32>
    %jit3A_1985 = arith.constant -1.000000e+30 : f32
    %broadcast_in_dim3A_1986 = vector.broadcast %jit3A_1985 : f32 to vector<1x400xf32>
    %select_n3A_1987 = arith.select %gt3A_1984, %dot_general3A_1981, %broadcast_in_dim3A_1986 : vector<1x400xi1>, vector<1x400xf32>
    %add3A_1988 = vector.broadcast %dot_general3A_1979 : vector<400x1xf32> to vector<400x400xf32>
    %add3A_1989 = vector.broadcast %select_n3A_1987 : vector<1x400xf32> to vector<400x400xf32>
    %add3A_1990 = arith.addf %add3A_1988, %add3A_1989 : vector<400x400xf32>
    %mul3A_1991 = arith.constant 2.000000e-01 : f32
    %mul3A_1992 = vector.broadcast %mul3A_1991 : f32 to vector<400x400xf32>
    %mul3A_1993 = arith.mulf %mul3A_1992, %add3A_1990 : vector<400x400xf32>
    %max3A_1994 = arith.maximumf %add3A_1990, %mul3A_1993 : vector<400x400xf32>
    %exp23A_1995 = math.exp2 %max3A_1994 : vector<400x400xf32>
    %mul3A_1996 = arith.mulf %exp23A_1995, %get3A_2 : vector<400x400xf32>
    %concatenate3A_1997 = tpu.concatenate %dot_general3A_1977, %broadcast_in_dim3A_0 in 1 : vector<400x64xf32>, vector<400x1xf32> -> vector<400x65xf32>
    %dot_general3A_1998 = arith.constant dense<0.000000e+00> : vector<400x65xf32>
    %dot_general3A_1999 = tpu.matmul %mul3A_1996, %concatenate3A_1997, %dot_general3A_1998 {dimension_numbers = #tpu.dot_dimension_numbers<[1], [0], [0], [1], [0, 0, 1, 1], [], []>, transpose_lhs_hint = false} : vector<400x400xf32>, vector<400x65xf32>, vector<400x65xf32> -> vector<400x65xf32>
    %slice3A_2000 = vector.extract_strided_slice %dot_general3A_1999 {offsets = [0, 0], sizes = [400, 64], strides = [1, 1]} : vector<400x65xf32> to vector<400x64xf32>
    %slice3A_2001 = vector.extract_strided_slice %dot_general3A_1999 {offsets = [0, 64], sizes = [400, 1], strides = [1, 1]} : vector<400x65xf32> to vector<400x1xf32>
    %div3A_2002 = arith.constant 1.000000e+00 : f32
    %div3A_2003 = vector.broadcast %div3A_2002 : f32 to vector<400x1xf32>
    %div3A_2004 = arith.divf %div3A_2003, %slice3A_2001 : vector<400x1xf32>
    %mul3A_2005 = vector.broadcast %div3A_2004 : vector<400x1xf32> to vector<400x64xf32>
    %mul3A_2006 = arith.mulf %slice3A_2000, %mul3A_2005 : vector<400x64xf32>
    %sub3A_2007 = arith.constant 1.000000e+00 : f32
    %sub3A_2008 = vector.broadcast %sub3A_2007 : f32 to vector<8x1xf32>
    %sub3A_2009 = arith.subf %broadcast_in_dim3A_1843, %sub3A_2008 : vector<8x1xf32>
    %eq3A_2010 = vector.broadcast %sub3A_2009 : vector<8x1xf32> to vector<8x400xf32>
    %eq3A_2011 = arith.cmpf oeq, %get3A_8, %eq3A_2010 : vector<8x400xf32>
    %convert_element_type3A_2012 = arith.extui %eq3A_2011 : vector<8x400xi1> to vector<8x400xi32>
    %convert_element_type3A_2013 = arith.sitofp %convert_element_type3A_2012 : vector<8x400xi32> to vector<8x400xf32>
    %dot_general3A_2014 = arith.constant dense<0.000000e+00> : vector<8x64xf32>
    %dot_general3A_2015 = tpu.matmul %convert_element_type3A_2013, %mul3A_2006, %dot_general3A_2014 {dimension_numbers = #tpu.dot_dimension_numbers<[1], [0], [0], [1], [0, 0, 1, 1], [], []>, transpose_lhs_hint = false} : vector<8x400xf32>, vector<400x64xf32>, vector<8x64xf32> -> vector<8x64xf32>
    %get3A_2016 = arith.constant 0 : index
    %get3A_2017 = arith.constant 0 : index
    %get3A_2018 = vector.load %arg9[%get3A_2016, %get3A_2017] : memref<64x64xf32, #tpu.memory_space<vmem>>, vector<64x64xf32>
    %dot_general3A_2019 = arith.constant dense<0.000000e+00> : vector<8x64xf32>
    %dot_general3A_2020 = tpu.matmul %dot_general3A_2015, %get3A_2018, %dot_general3A_2019 {dimension_numbers = #tpu.dot_dimension_numbers<[1], [0], [0], [1], [0, 0, 1, 1], [], []>, transpose_lhs_hint = false} : vector<8x64xf32>, vector<64x64xf32>, vector<8x64xf32> -> vector<8x64xf32>
    %get3A_2021 = arith.constant 0 : index
    %get3A_2022 = arith.constant 0 : index
    %get3A_2023 = vector.load %arg10[%get3A_2021, %get3A_2022] : memref<1x64xf32, #tpu.memory_space<vmem>>, vector<1x64xf32>
    %add3A_2024 = vector.broadcast %get3A_2023 : vector<1x64xf32> to vector<8x64xf32>
    %add3A_2025 = arith.addf %dot_general3A_2020, %add3A_2024 : vector<8x64xf32>
    %dot_general3A_2026 = arith.constant dense<0.000000e+00> : vector<400x64xf32>
    %dot_general3A_2027 = tpu.matmul %get3A_5, %add3A_2025, %dot_general3A_2026 {dimension_numbers = #tpu.dot_dimension_numbers<[0], [0], [1], [1], [0, 1, 1, 1], [], []>, transpose_lhs_hint = false} : vector<8x400xf32>, vector<8x64xf32>, vector<400x64xf32> -> vector<400x64xf32>
    %get3A_2028 = arith.constant 0 : index
    %get3A_2029 = arith.constant 0 : index
    %get3A_2030 = vector.load %arg11[%get3A_2028, %get3A_2029] : memref<64x64xf32, #tpu.memory_space<vmem>>, vector<64x64xf32>
    %dot_general3A_2031 = arith.constant dense<0.000000e+00> : vector<400x64xf32>
    %dot_general3A_2032 = tpu.matmul %mul3A_2006, %get3A_2030, %dot_general3A_2031 {dimension_numbers = #tpu.dot_dimension_numbers<[1], [0], [0], [1], [0, 0, 1, 1], [], []>, transpose_lhs_hint = false} : vector<400x64xf32>, vector<64x64xf32>, vector<400x64xf32> -> vector<400x64xf32>
    %get3A_2033 = arith.constant 0 : index
    %get3A_2034 = arith.constant 0 : index
    %get3A_2035 = vector.load %arg12[%get3A_2033, %get3A_2034] : memref<1x64xf32, #tpu.memory_space<vmem>>, vector<1x64xf32>
    %add3A_2036 = vector.broadcast %get3A_2035 : vector<1x64xf32> to vector<400x64xf32>
    %add3A_2037 = arith.addf %dot_general3A_2032, %add3A_2036 : vector<400x64xf32>
    %add3A_2038 = arith.addf %dot_general3A_2027, %add3A_2037 : vector<400x64xf32>
    %neg3A_2039 = arith.constant 0.000000e+00 : f32
    %neg3A_2040 = vector.broadcast %neg3A_2039 : f32 to vector<400x64xf32>
    %neg3A_2041 = arith.subf %neg3A_2040, %add3A_2038 : vector<400x64xf32>
    %exp3A_2042 = math.exp %neg3A_2041 : vector<400x64xf32>
    %add3A_2043 = arith.constant 1.000000e+00 : f32
    %add3A_2044 = vector.broadcast %add3A_2043 : f32 to vector<400x64xf32>
    %add3A_2045 = arith.addf %add3A_2044, %exp3A_2042 : vector<400x64xf32>
    %div3A_2046 = arith.constant 1.000000e+00 : f32
    %div3A_2047 = vector.broadcast %div3A_2046 : f32 to vector<400x64xf32>
    %div3A_2048 = arith.divf %div3A_2047, %add3A_2045 : vector<400x64xf32>
    %get3A_2049 = arith.constant 0 : index
    %get3A_2050 = arith.constant 0 : index
    %get3A_2051 = vector.load %arg13[%get3A_2049, %get3A_2050] : memref<64x1xf32, #tpu.memory_space<vmem>>, vector<64x1xf32>
    %dot_general3A_2052 = arith.constant dense<0.000000e+00> : vector<400x1xf32>
    %dot_general3A_2053 = tpu.matmul %div3A_2048, %get3A_2051, %dot_general3A_2052 {dimension_numbers = #tpu.dot_dimension_numbers<[1], [0], [0], [1], [0, 0, 1, 1], [], []>, transpose_lhs_hint = false} : vector<400x64xf32>, vector<64x1xf32>, vector<400x1xf32> -> vector<400x1xf32>
    %mul3A_2054 = vector.broadcast %dot_general3A_2053 : vector<400x1xf32> to vector<400x64xf32>
    %mul3A_2055 = arith.mulf %mul3A_2054, %mul3A_2006 : vector<400x64xf32>
    %mul3A_2056 = vector.broadcast %get3A_1834 : vector<400x1xf32> to vector<400x64xf32>
    %mul3A_2057 = arith.mulf %mul3A_2055, %mul3A_2056 : vector<400x64xf32>
    %dot_general3A_2058 = arith.constant dense<0.000000e+00> : vector<8x64xf32>
    %dot_general3A_2059 = tpu.matmul %get3A_5, %mul3A_2057, %dot_general3A_2058 {dimension_numbers = #tpu.dot_dimension_numbers<[1], [0], [0], [1], [0, 0, 1, 1], [], []>, transpose_lhs_hint = false} : vector<8x400xf32>, vector<400x64xf32>, vector<8x64xf32> -> vector<8x64xf32>
    %concatenate3A_2060 = tpu.concatenate %dot_general3A_2059, %dot_general3A_2015 in 1 : vector<8x64xf32>, vector<8x64xf32> -> vector<8x128xf32>
    %get3A_2061 = arith.constant 0 : index
    %get3A_2062 = arith.constant 0 : index
    %get3A_2063 = vector.load %arg14[%get3A_2061, %get3A_2062] : memref<128x64xf32, #tpu.memory_space<vmem>>, vector<128x64xf32>
    %dot_general3A_2064 = arith.constant dense<0.000000e+00> : vector<8x64xf32>
    %dot_general3A_2065 = tpu.matmul %concatenate3A_2060, %get3A_2063, %dot_general3A_2064 {dimension_numbers = #tpu.dot_dimension_numbers<[1], [0], [0], [1], [0, 0, 1, 1], [], []>, transpose_lhs_hint = false} : vector<8x128xf32>, vector<128x64xf32>, vector<8x64xf32> -> vector<8x64xf32>
    %get3A_2066 = arith.constant 0 : index
    %get3A_2067 = arith.constant 0 : index
    %get3A_2068 = vector.load %arg15[%get3A_2066, %get3A_2067] : memref<1x64xf32, #tpu.memory_space<vmem>>, vector<1x64xf32>
    %add3A_2069 = vector.broadcast %get3A_2068 : vector<1x64xf32> to vector<8x64xf32>
    %add3A_2070 = arith.addf %dot_general3A_2065, %add3A_2069 : vector<8x64xf32>
    %swap3A_2071 = arith.constant 0 : index
    %swap3A_2072 = arith.constant 7 : index
    %swap3A_2073 = arith.constant 0 : index
    %swap3A_2074 = arith.constant 0 : index
    %swap3A_2075 = vector.load %arg19[%swap3A_2071, %swap3A_2072, %swap3A_2073, %swap3A_2074] : memref<1x8x8x64xf32, #tpu.memory_space<vmem>>, vector<1x1x8x64xf32>
    %swap3A_2076 = vector.shape_cast %swap3A_2075 : vector<1x1x8x64xf32> to vector<8x64xf32>
    %swap3A_2077 = vector.shape_cast %add3A_2070 : vector<8x64xf32> to vector<1x1x8x64xf32>
    tpu.vector_store %arg19[%swap3A_2071, %swap3A_2072, %swap3A_2073, %swap3A_2074], %swap3A_2077 {strides = array<i32>} : memref<1x8x8x64xf32, #tpu.memory_space<vmem>>, vector<1x1x8x64xf32>,
    return
  }
  func.func @transform_0(%arg0: i32) -> (i32, i32, i32, i32) {
    %c0_i32 = arith.constant 0 : i32
    %c0_i32_0 = arith.constant 0 : i32
    %c0_i32_1 = arith.constant 0 : i32
    %c0_i32_2 = arith.constant 0 : i32
    return %arg0, %c0_i32, %c0_i32_0, %c0_i32_1 : i32, i32, i32, i32
  }
  func.func @transform_1(%arg0: i32) -> (i32, i32, i32, i32) {
    %c0_i32 = arith.constant 0 : i32
    %c0_i32_0 = arith.constant 0 : i32
    %c0_i32_1 = arith.constant 0 : i32
    %c0_i32_2 = arith.constant 0 : i32
    return %arg0, %c0_i32, %c0_i32_0, %c0_i32_1 : i32, i32, i32, i32
  }
  func.func @transform_2(%arg0: i32) -> (i32, i32, i32, i32) {
    %c0_i32 = arith.constant 0 : i32
    %c0_i32_0 = arith.constant 0 : i32
    %c0_i32_1 = arith.constant 0 : i32
    %c0_i32_2 = arith.constant 0 : i32
    return %arg0, %c0_i32, %c0_i32_0, %c0_i32_1 : i32, i32, i32, i32
  }
  func.func @transform_3(%arg0: i32) -> (i32, i32, i32, i32) {
    %c0_i32 = arith.constant 0 : i32
    %c0_i32_0 = arith.constant 0 : i32
    %c0_i32_1 = arith.constant 0 : i32
    %c0_i32_2 = arith.constant 0 : i32
    return %arg0, %c0_i32, %c0_i32_0, %c0_i32_1 : i32, i32, i32, i32
  }
  func.func @transform_4(%arg0: i32) -> (i32, i32, i32) {
    %c0_i32 = arith.constant 0 : i32
    %c0_i32_0 = arith.constant 0 : i32
    %c0_i32_1 = arith.constant 0 : i32
    %c0_i32_2 = arith.constant 0 : i32
    return %c0_i32, %c0_i32_0, %c0_i32_1 : i32, i32, i32
  }
  func.func @transform_5(%arg0: i32) -> (i32, i32) {
    %c0_i32 = arith.constant 0 : i32
    %c0_i32_0 = arith.constant 0 : i32
    %c0_i32_1 = arith.constant 0 : i32
    return %c0_i32, %c0_i32_0 : i32, i32
  }
  func.func @transform_6(%arg0: i32) -> (i32, i32) {
    %c0_i32 = arith.constant 0 : i32
    %c0_i32_0 = arith.constant 0 : i32
    %c0_i32_1 = arith.constant 0 : i32
    return %c0_i32, %c0_i32_0 : i32, i32
  }
  func.func @transform_7(%arg0: i32) -> (i32, i32) {
    %c0_i32 = arith.constant 0 : i32
    %c0_i32_0 = arith.constant 0 : i32
    %c0_i32_1 = arith.constant 0 : i32
    return %c0_i32, %c0_i32_0 : i32, i32
  }
  func.func @transform_8(%arg0: i32) -> (i32, i32) {
    %c0_i32 = arith.constant 0 : i32
    %c0_i32_0 = arith.constant 0 : i32
    %c0_i32_1 = arith.constant 0 : i32
    return %c0_i32, %c0_i32_0 : i32, i32
  }
  func.func @transform_9(%arg0: i32) -> (i32, i32) {
    %c0_i32 = arith.constant 0 : i32
    %c0_i32_0 = arith.constant 0 : i32
    %c0_i32_1 = arith.constant 0 : i32
    return %c0_i32, %c0_i32_0 : i32, i32
  }
  func.func @transform_10(%arg0: i32) -> (i32, i32) {
    %c0_i32 = arith.constant 0 : i32
    %c0_i32_0 = arith.constant 0 : i32
    %c0_i32_1 = arith.constant 0 : i32
    return %c0_i32, %c0_i32_0 : i32, i32
  }
  func.func @transform_11(%arg0: i32) -> (i32, i32) {
    %c0_i32 = arith.constant 0 : i32
    %c0_i32_0 = arith.constant 0 : i32
    %c0_i32_1 = arith.constant 0 : i32
    return %c0_i32, %c0_i32_0 : i32, i32
  }
  func.func @transform_12(%arg0: i32) -> (i32, i32) {
    %c0_i32 = arith.constant 0 : i32
    %c0_i32_0 = arith.constant 0 : i32
    %c0_i32_1 = arith.constant 0 : i32
    return %c0_i32, %c0_i32_0 : i32, i32
  }
  func.func @transform_13(%arg0: i32) -> (i32, i32) {
    %c0_i32 = arith.constant 0 : i32
    %c0_i32_0 = arith.constant 0 : i32
    %c0_i32_1 = arith.constant 0 : i32
    return %c0_i32, %c0_i32_0 : i32, i32
  }
  func.func @transform_14(%arg0: i32) -> (i32, i32) {
    %c0_i32 = arith.constant 0 : i32
    %c0_i32_0 = arith.constant 0 : i32
    %c0_i32_1 = arith.constant 0 : i32
    return %c0_i32, %c0_i32_0 : i32, i32
  }
  func.func @transform_15(%arg0: i32) -> (i32, i32) {
    %c0_i32 = arith.constant 0 : i32
    %c0_i32_0 = arith.constant 0 : i32
    %c0_i32_1 = arith.constant 0 : i32
    return %c0_i32, %c0_i32_0 : i32, i32
  }
  func.func @transform_16(%arg0: i32) -> (i32, i32) {
    %c0_i32 = arith.constant 0 : i32
    %c0_i32_0 = arith.constant 0 : i32
    %c0_i32_1 = arith.constant 0 : i32
    return %c0_i32, %c0_i32_0 : i32, i32
  }
  func.func @transform_17(%arg0: i32) -> (i32, i32) {
    %c0_i32 = arith.constant 0 : i32
    %c0_i32_0 = arith.constant 0 : i32
    %c0_i32_1 = arith.constant 0 : i32
    return %c0_i32, %c0_i32_0 : i32, i32
  }
  func.func @transform_18(%arg0: i32) -> (i32, i32, i32, i32) {
    %c0_i32 = arith.constant 0 : i32
    %c0_i32_0 = arith.constant 0 : i32
    %c0_i32_1 = arith.constant 0 : i32
    %c0_i32_2 = arith.constant 0 : i32
    return %arg0, %c0_i32, %c0_i32_0, %c0_i32_1 : i32, i32, i32, i32
  }
}

</mosaic_0001>

<sc_bundles>
// kernel: kernel.5.cloned.1.call-start
scs
__scs_entry_jumppad:
0x0: {  	(pc) =	sbr.rel $0x88, $3  }
0x1: {  	(tag) =	ssettag $0x0;
	lr =	simm.s32 $0x1  }
0x2: {  	[smem:$0x3F90] =	sst lr;
	_ =	strace $0xD0000000  }
0x3: {  	_ = 	snop  }
0x4: {  	_ = 	snop  }
0x5: {  	_ = 	snop  }
0x6: {  	_ = 	snop  }
0x7: {  	_ = 	snop  }
__scs_overlays_trampoline_lowered:
0x8: {  	[smem:$0x3F9F] =	sst s0  }
0x9: {  	[smem:$0x3FA0] =	sst s1  }
0xa: {  	[smem:$0x3FA1] =	sst s2  }
0xb: {  	[smem:$0x3FA2] =	sst s3  }
0xc: {  	[smem:$0x3FA3] =	sst s4  }
0xd: {  	[smem:$0x3FA4] =	sst s5  }
0xe: {  	[smem:$0x3FA5] =	sst s6  }
0xf: {  	[smem:$0x3FA6] =	sst s7  }
0x10: {  	[smem:$0x3FA7] =	sst s8  }
0x11: {  	[smem:$0x3FA8] =	sst s9;
	s0 =	simm.s32 @!p0 $0x0  }
0x12: {  	s1 =	sld [smem:$0x3F8E];
	s0 =	simm.s32 @p0 $0x1  }
0x13: {  	[smem:$0x3FA9] =	sst s0;
	s0 =	simm.s32 @!p1 $0x0  }
0x14: {  	s2 =	sld [smem:$0x3F8D];
	s0 =	simm.s32 @p1 $0x1  }
0x15: {  	[smem:$0x3FAA] =	sst s0;
	s0 =	simm.s32 @!p2 $0x0  }
0x16: {  	s3 =	sld [smem:$0x3FDB];
	s0 =	simm.s32 @p2 $0x1  }
0x17: {  	s4 =	simm.s32 $0x1BF5;
	[smem:$0x3FAC] =	sst s0  }
0x18: {  	s0 =	sld [smem:$0x3F8F];
	_ =	swait.ge [sflag:s4], $0x0  }
0x19: {  	s7 =	sld [smem:$0x3F90]  }
0x1a: {  	s8 =	sadd.s32 $0xFFFFE003, lr  }
0x1b: {  	s9 =	sadd.s32 $0xFFFFFEF7, lr;
	s5 =	simm.s32 $0xFFFFFFFF;
	p2 =	slt.u32 s8, $0xFFFFF086  }
0x1c: {  	p1 =	slt.u32 s9, $0xF7A;
	s5 =	simm.s32 @!p2 $0x0  }
0x1d: {  	s5 =	simm.s32 @p1 $0x1;
	p0 =	seq.s32 s7, s2  }
0x1e: {  	s7 =	smul.u32 @!p0 $0xF7A, s2;
	p2 =	seq.s32 @!p0 s5, $0x0  }
0x1f: {  	s9 =	smul.u32 $0xF7A, s1;
	s8 =	simm.s32 @!p0 $0x1BF5;
	p2 =	por !p2, p0  }
0x20: {  	[sflag:s8] =	ssyncset.s32 @!p0 $0xFFFFF086;
	s6 =	sadd.s32 @!p0 s3, s7;
	s7 =	simm.s32 @!p0 $0x108  }
0x21: {  	s3 =	sadd.s32 s3, s9;
	s6 =	sadd.s32 @!p0 $0x88, s6;
	s7 =	simm.s32 @p2 $0x1082  }
0x22: {  	[simem:s7], [sflag:s8] =	dma.local @!p0 [hbm:s6], $0xF7A  }
0x23: {  	s9 =	sor.u32 $0xD0000000, s2;
	s6 =	simm.s32 $0x108;
	_ =	swait.ge @!p0 [sflag:s8], $0x0  }
0x24: {  	s3 =	sadd.s32 $0x88, s3;
	s6 =	simm.s32 @!p1 $0x1082;
	[sflag:s4] =	ssyncset.s32 $0xFFFFF086  }
0x25: {  	[simem:s6], [sflag:s4] =	dma.local [hbm:s3], $0xF7A  }
0x26: {  	[smem:$0x3F90] =	sst s1;
	(tag) =	ssettag s2;
	_ =	strace s9  }
0x27: {  	s1 =	sld [smem:$0x3FA0]  }
0x28: {  	s2 =	sld [smem:$0x3FA1]  }
0x29: {  	s4 =	sld [smem:$0x3FA3]  }
0x2a: {  	p0 =	seq.s32 s5, $0x0;
	s5 =	sld [smem:$0x3FA4]  }
0x2b: {  	s6 =	sld [smem:$0x3FA5]  }
0x2c: {  	s7 =	sld [smem:$0x3FA6]  }
0x2d: {  	s3 =	simm.s32 $0x108;
	s8 =	sld [smem:$0x3FA7]  }
0x2e: {  	s3 =	simm.s32 @!p0 $0x1082;
	s9 =	sld [smem:$0x3FA8]  }
0x2f: {  	lr =	sadd.s32 s0, s3;
	s0 =	sld [smem:$0x3F9F]  }
0x30: {  	s3 =	sld [smem:$0x3FA2]  }
0x31: {  	[smem:$0x3FAB] =	sst s10  }
0x32: {  	s10 =	sld [smem:$0x3FA9];
	_ =	sdelay $0x3  }
0x33: {  	p0 =	seq.s32 s10, $0x1;
	s10 =	sld [smem:$0x3FAB];
	_ =	sdelay $0x3  }
0x34: {  	[smem:$0x3FAB] =	sst s10  }
0x35: {  	s10 =	sld [smem:$0x3FAA];
	_ =	sdelay $0x3  }
0x36: {  	p1 =	seq.s32 s10, $0x1;
	s10 =	sld [smem:$0x3FAB];
	_ =	sdelay $0x3  }
0x37: {  	[smem:$0x3FAB] =	sst s10  }
0x38: {  	s10 =	sld [smem:$0x3FAC]  }
0x39: {  	_ = 	snop;
	(pc) =	sbr.ind lr, $3  }
0x3a: {  	_ = 	snop  }
0x3b: {  	_ = 	snop  }
0x3c: {  	p2 =	seq.s32 s10, $0x1;
	s10 =	sld [smem:$0x3FAB]  }
0x3d: {  	_ =	shalt  }
0x3e: {  	_ =	shalt  }
0x3f: {  	_ =	shalt  }
0x40: {  	_ =	shalt  }
0x41: {  	_ =	shalt  }
0x42: {  	_ =	shalt  }
0x43: {  	_ =	shalt  }
0x44: {  	_ =	shalt  }
0x45: {  	_ =	shalt  }
0x46: {  	_ =	shalt  }
0x47: {  	_ =	shalt  }
0x48: {  	_ =	shalt  }
0x49: {  	_ =	shalt  }
0x4a: {  	_ =	shalt  }
0x4b: {  	_ =	shalt  }
0x4c: {  	_ =	shalt  }
0x4d: {  	_ =	shalt  }
0x4e: {  	_ =	shalt  }
0x4f: {  	_ =	shalt  }
0x50: {  	_ =	shalt  }
0x51: {  	_ =	shalt  }
0x52: {  	_ =	shalt  }
0x53: {  	_ =	shalt  }
0x54: {  	_ =	shalt  }
0x55: {  	_ =	shalt  }
0x56: {  	_ =	shalt  }
0x57: {  	_ =	shalt  }
0x58: {  	_ =	shalt  }
0x59: {  	_ =	shalt  }
0x5a: {  	_ =	shalt  }
0x5b: {  	_ =	shalt  }
0x5c: {  	_ =	shalt  }
0x5d: {  	_ =	shalt  }
0x5e: {  	_ =	shalt  }
0x5f: {  	_ =	shalt  }
0x60: {  	_ =	shalt  }
0x61: {  	_ =	shalt  }
0x62: {  	_ =	shalt  }
0x63: {  	_ =	shalt  }
0x64: {  	_ =	shalt  }
0x65: {  	_ =	shalt  }
0x66: {  	_ =	shalt  }
0x67: {  	_ =	shalt  }
0x68: {  	_ =	shalt  }
0x69: {  	_ =	shalt  }
0x6a: {  	_ =	shalt  }
0x6b: {  	_ =	shalt  }
0x6c: {  	_ =	shalt  }
0x6d: {  	_ =	shalt  }
0x6e: {  	_ =	shalt  }
0x6f: {  	_ =	shalt  }
0x70: {  	_ =	shalt  }
0x71: {  	_ =	shalt  }
0x72: {  	_ =	shalt  }
0x73: {  	_ =	shalt  }
0x74: {  	_ =	shalt  }
0x75: {  	_ =	shalt  }
0x76: {  	_ =	shalt  }
0x77: {  	_ =	shalt  }
0x78: {  	_ =	shalt  }
0x79: {  	_ =	shalt  }
0x7a: {  	_ =	shalt  }
0x7b: {  	_ =	shalt  }
0x7c: {  	_ =	shalt  }
0x7d: {  	_ =	shalt  }
0x7e: {  	_ =	shalt  }
0x7f: {  	_ =	shalt  }
0x80: {  	_ =	shalt  }
0x81: {  	_ =	shalt  }
0x82: {  	_ =	shalt  }
0x83: {  	_ =	shalt  }
0x84: {  	_ =	shalt  }
0x85: {  	_ =	shalt  }
0x86: {  	_ =	shalt  }
0x87: {  	_ =	shalt  }
.Lfunc_end0:
.L_simem_size_0:
called_computation_lowered:
.L_overlay_start_0:
0x88: {  	s2 =	sld [smem:$0x3FD9]  }
0x89: {  	s3 =	sld [smem:$0x3FFE];
	_ =	sdelay $0x1  }
0x8a: {  	s1 =	srdreg.scid  }
0x8b: {  	s0 =	sand.u32 $0x1, s1  }
0x8c: {  	s16 =	sshll.u32 s0, $0xA;
	s2 =	sadd.s32 s3, s2  }
0x8d: {  	s2 =	sadd.s32 s2, s16  }
0x8e: {  	[smem:$0x3FB7] =	sst s2  }
0x8f: {  	_ = 	snop  }
0x90: {  	(tm) =	ssettm $0x1  }
0x91: {  	s17 =	sld [smem:$0x3FFB];
	_ =	sdelay $0x3  }
0x92: {  	_ =	strace s17  }
0x93: {  	s2 =	sld [smem:$0x3FFC];
	_ =	sdelay $0x3  }
0x94: {  	_ =	strace s2  }
0x95: {  	s2 =	sld [smem:$0x3FFD];
	_ =	sdelay $0x3  }
0x96: {  	_ =	strace s2  }
0x97: {  	_ =	strace $0x8FFFFFFF  }
0x98: {  	s18 =	sld [smem:$0x3FDB];
	_ =	sdelay $0x1  }
0x99: {  	s19 =	simm.s32 $_scs_section_size  }
0x9a: {  	s4 =	simm.s32 $_size__tile_overlayer_lowered;
	s5 =	simm.s32 $_tile_overlayer_lowered  }
0x9b: {  	s22 =	simm.s32 $0x1BFF;
	s21 =	sshll.u32 s5, $0x1;
	s2 =	sadd.s32 s19, s18  }
0x9c: {  	s6 =	simm.s32 $0x0;
	s20 =	sshll.u32 s4, $0x1;
	s4 =	sadd.s32 s21, s2  }
0x9d: {  	[timem:s6], [sflag:s22] =	dma.local [hbm:s4], s20  }
0x9e: {  	_ =	swait.ge [sflag:s22], s20  }
0x9f: {  	s3 =	ssub.s32 $0x0, s20;
	[sflag:s22] =	ssyncset.done $0x0  }
0xa0: {  	[sflag:s22] =	ssyncadd.s32 s3;
	_ =	sdelay $0x1  }
0xa1: {  	s23 =	simm.s32 $0x1B8B  }
0xa2: {  	_ =	swait.ge [sflag:s23], $0x1  }
0xa3: {  	[sflag:s23] =	ssyncset.done $0x0  }
0xa4: {  	s25 =	simm.s32 $0x1B8E;
	s24 =	sld [smem:$0x3FFE];
	[sflag:s23] =	ssyncadd.s32 $0xFFFFFFFF  }
0xa5: {  	s26 =	simm.s32 $execute0_lowered;
	[smem:$0x3FD2] =	sst s25  }
0xa6: {  	s4 =	sshll.u32 s26, $0x1;
	_ =	strace $0x80000046;
	[dreg:$0x1] =	wrdreg $0xFFFFFFFF  }
0xa7: {  	s28 =	simm.s32 $_size_execute0_lowered;
	s2 =	sadd.s32 s2, s4;
	[dreg:$0x0] =	wrdreg $0x0  }
0xa8: {  	s4 =	sshll.u32 s28, $0x1;
	[dreg:$0x2] =	wrdreg s2  }
0xa9: {  	[dreg:$0x3] =	wrdreg s4  }
0xaa: {  	[dreg:$0x4] =	wrdreg $0xC0  }
0xab: {  	_ =	task [dreg:s6], $0x5FFFF  }
0xac: {  	[dreg:$0x1] =	wrdreg $0xFFFFFFFF  }
0xad: {  	[dreg:$0x0] =	wrdreg $0x60  }
0xae: {  	[dreg:$0x2] =	wrdreg s24  }
0xaf: {  	[dreg:$0x3] =	wrdreg $0x9  }
0xb0: {  	_ =	task.clear_ibuf [dreg:s6], $0x4FFFF;
	_ =	strace $0x90000046  }
0xb1: {  	s29 =	simm.s32 $0x9;
	_ =	strace $0x80000048  }
0xb2: {  	_ =	swait.ge [sflag:s29], $0x1  }
0xb3: {  	[sflag:s29] =	ssyncadd.s32 $0xFFFFFFFF  }
0xb4: {  	_ =	strace $0x90000048  }
0xb5: {  	_ =	sfence  }
0xb6: {  	s30 =	sld [smem:$0x0];
	_ =	sdelay $0x2  }
0xb7: {  	s31 =	sshll.u32 s1, $0xD;
	s1 =	sshrl.u32 s1, $0x2  }
0xb8: {  	s3 =	sand.u32 $0x4000, s31;
	s1 =	sadd.s32 s1, s30  }
0xb9: {  	s0 =	sor.u32 s3, s0;
	s1 =	sshll.u32 s1, $0x11  }
0xba: {  	s0 =	sor.u32 s1, s0  }
0xbb: {  	s0 =	sadd.s32 $0x8F2B, s0  }
0xbc: {  	[sflag:s0] =	ssyncadd.remote.s32 $0x1  }
0xbd: {  	_ =	sfence.sel $0xFFFF  }
0xbe: {  	[dreg:$0x0] =	wrdreg $0xFFFFFFFF;
	(pc) =	sbr.abs _section_cstart, $3  }
0xbf: {  	[dreg:$0x1] =	wrdreg $0xFFFFFFFF  }
0xc0: {  	_ =	task.clear_ibuf [dreg:s6], $0x2FFFF;
	_ =	strace $0x9FFFFFFF  }
0xc1: {  	(tm) =	ssettm $0x7FFFFFFF  }
tec
execute0_lowered:
.L_overlay_start_1:
0x0: {  	(tag) =	ssettag $0x1  }
0x1: {  	s1 =	srdreg.scid;
	s0 =	stileid.u32  }
0x2: {  	s1 =	sand.u32 $0x1, s1;
	s2 =	sshll.u32 s0, $0x1  }
0x3: {  	s4 =	rddreg [dreg:$0x0];
	s3 =	sor.u32 s1, s2;
	s2 =	simm.s32 $0x0  }
0x4: {  	s7 =	simm.s32 $0x1A40;
	[smem:$0x7FF] =	sst s2  }
0x5: {  	s8 =	simm.s32 $0xA0;
	_ =	strace $0x80000047;
	[dreg:$0x4] =	wrdreg s7  }
0x6: {  	s9 =	simm.s32 $0x2E40;
	[dreg:$0x5] =	wrdreg s8  }
0x7: {  	s10 =	simm.s32 $0xF0;
	[dreg:$0x6] =	wrdreg s9  }
0x8: {  	s11 =	simm.s32 $0x4240;
	[dreg:$0x7] =	wrdreg s10  }
0x9: {  	s12 =	simm.s32 $0x140;
	[dreg:$0x8] =	wrdreg s11  }
0xa: {  	s13 =	simm.s32 $0x5640;
	[dreg:$0x9] =	wrdreg s12  }
0xb: {  	s14 =	simm.s32 $0x190;
	[dreg:$0xa] =	wrdreg s13  }
0xc: {  	s15 =	simm.s32 $0x6A40;
	[dreg:$0xb] =	wrdreg s14  }
0xd: {  	s16 =	simm.s32 $0x1E0;
	[dreg:$0xc] =	wrdreg s15  }
0xe: {  	s17 =	simm.s32 $0x7E40;
	[dreg:$0xd] =	wrdreg s16  }
0xf: {  	s18 =	simm.s32 $0x230;
	s5 =	smul.u32 $0xC8, s3;
	[dreg:$0xe] =	wrdreg s17  }
0x10: {  	s19 =	simm.s32 $0x9240;
	s3 =	smul.u32 $0x3200, s3;
	[dreg:$0xf] =	wrdreg s18  }
0x11: {  	s6 =	simm.s32 $0x280;
	[dreg:$0x10] =	wrdreg s19;
	s5 =	sadd.s32 s5, s4  }
0x12: {  	[dreg:$0x11] =	wrdreg s6;
	s3 =	sadd.s32 s3, s4;
	s5 =	sadd.s32 $0xC5A00, s5  }
0x13: {  	s3 =	sadd.s32 $0xC7400, s3;
	[dreg:$0x2] =	wrdreg s5  }
0x14: {  	[dreg:$0x3] =	wrdreg s3  }
0x15: {  	s3 =	simm.s32 $0x2;
	s5 =	rddreg [dreg:$0x2]  }
0x16: {  	[tilespmem:s2], [sflag:$0x2] =	stream.linear.gather [hbm4b:s5+s2], $0x640, $0x38;
	[tilespmem:$0x19640] =	vst v63  }
0x17: {  	_ =	swait.ge [sflag:s3], $0x640  }
0x18: {  	s7 =	rddreg [dreg:$0x10]  }
0x19: {  	s8 =	rddreg [dreg:$0xe]  }
0x1a: {  	s9 =	rddreg [dreg:$0xc]  }
0x1b: {  	s6 =	simm.s32 $0x50;
	s10 =	rddreg [dreg:$0xa]  }
0x1c: {  	s4 =	sadd.s32 $0x2400, s4;
	s11 =	rddreg [dreg:$0x5];
	[sflag:s3] =	ssyncset.done $0x0  }
0x1d: {  	s5 =	simm.s32 $0x640;
	s12 =	rddreg [dreg:$0x4];
	[sflag:s3] =	ssyncadd.s32 $0xFFFFF9C0  }
0x1e: {  	[tilespmem:s5], [sflag:$0x1] =	stream.indirect.gather [hbm4b:s4+s6], $0x40, s2, s6, $0xb8;
	[tilespmem:$0x19640] =	vst v63  }
0x1f: {  	s13 =	rddreg [dreg:$0x6]  }
0x20: {  	[tilespmem:s12], [sflag:$0x1] =	stream.indirect.gather [hbm4b:s4+s6], $0x40, s6, s6, $0xb8;
	[tilespmem:$0x19640] =	vst v63  }
0x21: {  	s14 =	rddreg [dreg:$0x8]  }
0x22: {  	[tilespmem:s13], [sflag:$0x1] =	stream.indirect.gather [hbm4b:s4+s6], $0x40, s11, s6, $0xb8;
	[tilespmem:$0x19640] =	vst v63  }
0x23: {  	s20 =	rddreg [dreg:$0x7]  }
0x24: {  	[tilespmem:s14], [sflag:$0x1] =	stream.indirect.gather [hbm4b:s4+s6], $0x40, s20, s6, $0xb8;
	[tilespmem:$0x19640] =	vst v63  }
0x25: {  	s21 =	rddreg [dreg:$0x9]  }
0x26: {  	[tilespmem:s10], [sflag:$0x1] =	stream.indirect.gather [hbm4b:s4+s6], $0x40, s21, s6, $0xb8;
	[tilespmem:$0x19640] =	vst v63  }
0x27: {  	s22 =	rddreg [dreg:$0xb]  }
0x28: {  	[tilespmem:s9], [sflag:$0x1] =	stream.indirect.gather [hbm4b:s4+s6], $0x40, s22, s6, $0xb8;
	[tilespmem:$0x19640] =	vst v63  }
0x29: {  	s23 =	rddreg [dreg:$0xd]  }
0x2a: {  	[tilespmem:s8], [sflag:$0x1] =	stream.indirect.gather [hbm4b:s4+s6], $0x40, s23, s6, $0xb8;
	[tilespmem:$0x19640] =	vst v63  }
0x2b: {  	s24 =	rddreg [dreg:$0xf]  }
0x2c: {  	[tilespmem:s7], [sflag:$0x1] =	stream.indirect.gather [hbm4b:s4+s6], $0x40, s24, s6, $0xb8;
	[tilespmem:$0x19640] =	vst v63  }
0x2d: {  	s26 =	simm.s32 $0xA640;
	s25 =	rddreg [dreg:$0x11]  }
0x2e: {  	[tilespmem:s26], [sflag:$0x1] =	stream.indirect.gather [hbm4b:s4+s6], $0x40, s25, s6, $0xb8;
	[tilespmem:$0x19640] =	vst v63  }
0x2f: {  	s8 =	simm.s32 $0xBA40;
	s7 =	simm.s32 $0x2D0  }
0x30: {  	[tilespmem:s8], [sflag:$0x1] =	stream.indirect.gather [hbm4b:s4+s6], $0x40, s7, s6, $0xb8;
	[tilespmem:$0x19640] =	vst v63  }
0x31: {  	s10 =	simm.s32 $0xCE40;
	s9 =	simm.s32 $0x320  }
0x32: {  	[tilespmem:s10], [sflag:$0x1] =	stream.indirect.gather [hbm4b:s4+s6], $0x40, s9, s6, $0xb8;
	[tilespmem:$0x19640] =	vst v63  }
0x33: {  	s12 =	simm.s32 $0xE240;
	s11 =	simm.s32 $0x370  }
0x34: {  	[tilespmem:s12], [sflag:$0x1] =	stream.indirect.gather [hbm4b:s4+s6], $0x40, s11, s6, $0xb8;
	[tilespmem:$0x19640] =	vst v63  }
0x35: {  	s15 =	simm.s32 $0xF640;
	s14 =	simm.s32 $0x3C0  }
0x36: {  	[tilespmem:s15], [sflag:$0x1] =	stream.indirect.gather [hbm4b:s4+s6], $0x40, s14, s6, $0xb8;
	[tilespmem:$0x19640] =	vst v63  }
0x37: {  	s16 =	simm.s32 $0x410;
	s17 =	simm.s32 $0x10A40  }
0x38: {  	[tilespmem:s17], [sflag:$0x1] =	stream.indirect.gather [hbm4b:s4+s6], $0x40, s16, s6, $0xb8;
	[tilespmem:$0x19640] =	vst v63  }
0x39: {  	s18 =	simm.s32 $0x460;
	s19 =	simm.s32 $0x11E40  }
0x3a: {  	[tilespmem:s19], [sflag:$0x1] =	stream.indirect.gather [hbm4b:s4+s6], $0x40, s18, s6, $0xb8;
	[tilespmem:$0x19640] =	vst v63  }
0x3b: {  	s20 =	simm.s32 $0x4B0;
	s21 =	simm.s32 $0x13240  }
0x3c: {  	[tilespmem:s21], [sflag:$0x1] =	stream.indirect.gather [hbm4b:s4+s6], $0x40, s20, s6, $0xb8;
	[tilespmem:$0x19640] =	vst v63  }
0x3d: {  	s22 =	simm.s32 $0x500;
	s23 =	simm.s32 $0x14640  }
0x3e: {  	[tilespmem:s23], [sflag:$0x1] =	stream.indirect.gather [hbm4b:s4+s6], $0x40, s22, s6, $0xb8;
	[tilespmem:$0x19640] =	vst v63  }
0x3f: {  	s24 =	simm.s32 $0x550;
	s25 =	simm.s32 $0x15A40  }
0x40: {  	[tilespmem:s25], [sflag:$0x1] =	stream.indirect.gather [hbm4b:s4+s6], $0x40, s24, s6, $0xb8;
	[tilespmem:$0x19640] =	vst v63  }
0x41: {  	s28 =	simm.s32 $0x16E40;
	s26 =	simm.s32 $0x5A0  }
0x42: {  	[tilespmem:s28], [sflag:$0x1] =	stream.indirect.gather [hbm4b:s4+s6], $0x40, s26, s6, $0xb8;
	[tilespmem:$0x19640] =	vst v63  }
0x43: {  	s30 =	simm.s32 $0x5F0;
	s31 =	simm.s32 $0x18240;
	s29 =	simm.s32 $0x1  }
0x44: {  	[tilespmem:s31], [sflag:$0x1] =	stream.indirect.gather [hbm4b:s4+s6], $0x40, s30, s6, $0xb8;
	[tilespmem:$0x19640] =	vst v63  }
0x45: {  	_ =	swait.ge [sflag:s29], $0x1400  }
0x46: {  	[sflag:s29] =	ssyncset.done $0x0  }
0x47: {  	[sflag:s29] =	ssyncadd.s32 $0xFFFFEC00  }
0x48: {  	_ =	swait.ge [sflag:s29], $0x1400  }
0x49: {  	[sflag:s29] =	ssyncset.done $0x0  }
0x4a: {  	[sflag:s29] =	ssyncadd.s32 $0xFFFFEC00  }
0x4b: {  	_ =	swait.ge [sflag:s29], $0x1400  }
0x4c: {  	[sflag:s29] =	ssyncset.done $0x0  }
0x4d: {  	[sflag:s29] =	ssyncadd.s32 $0xFFFFEC00  }
0x4e: {  	_ =	swait.ge [sflag:s29], $0x1400  }
0x4f: {  	[sflag:s29] =	ssyncset.done $0x0  }
0x50: {  	[sflag:s29] =	ssyncadd.s32 $0xFFFFEC00  }
0x51: {  	_ =	swait.ge [sflag:s29], $0x1400  }
0x52: {  	[sflag:s29] =	ssyncset.done $0x0  }
0x53: {  	[sflag:s29] =	ssyncadd.s32 $0xFFFFEC00  }
0x54: {  	_ =	swait.ge [sflag:s29], $0x1400  }
0x55: {  	[sflag:s29] =	ssyncset.done $0x0  }
0x56: {  	[sflag:s29] =	ssyncadd.s32 $0xFFFFEC00  }
0x57: {  	_ =	swait.ge [sflag:s29], $0x1400  }
0x58: {  	[sflag:s29] =	ssyncset.done $0x0  }
0x59: {  	[sflag:s29] =	ssyncadd.s32 $0xFFFFEC00  }
0x5a: {  	_ =	swait.ge [sflag:s29], $0x1400  }
0x5b: {  	[sflag:s29] =	ssyncset.done $0x0  }
0x5c: {  	[sflag:s29] =	ssyncadd.s32 $0xFFFFEC00  }
0x5d: {  	_ =	swait.ge [sflag:s29], $0x1400  }
0x5e: {  	[sflag:s29] =	ssyncset.done $0x0  }
0x5f: {  	[sflag:s29] =	ssyncadd.s32 $0xFFFFEC00  }
0x60: {  	_ =	swait.ge [sflag:s29], $0x1400  }
0x61: {  	[sflag:s29] =	ssyncset.done $0x0  }
0x62: {  	[sflag:s29] =	ssyncadd.s32 $0xFFFFEC00  }
0x63: {  	_ =	swait.ge [sflag:s29], $0x1400  }
0x64: {  	[sflag:s29] =	ssyncset.done $0x0  }
0x65: {  	[sflag:s29] =	ssyncadd.s32 $0xFFFFEC00  }
0x66: {  	_ =	swait.ge [sflag:s29], $0x1400  }
0x67: {  	[sflag:s29] =	ssyncset.done $0x0  }
0x68: {  	[sflag:s29] =	ssyncadd.s32 $0xFFFFEC00  }
0x69: {  	_ =	swait.ge [sflag:s29], $0x1400  }
0x6a: {  	[sflag:s29] =	ssyncset.done $0x0  }
0x6b: {  	[sflag:s29] =	ssyncadd.s32 $0xFFFFEC00  }
0x6c: {  	_ =	swait.ge [sflag:s29], $0x1400  }
0x6d: {  	[sflag:s29] =	ssyncset.done $0x0  }
0x6e: {  	[sflag:s29] =	ssyncadd.s32 $0xFFFFEC00  }
0x6f: {  	_ =	swait.ge [sflag:s29], $0x1400  }
0x70: {  	[sflag:s29] =	ssyncset.done $0x0  }
0x71: {  	[sflag:s29] =	ssyncadd.s32 $0xFFFFEC00  }
0x72: {  	_ =	swait.ge [sflag:s29], $0x1400  }
0x73: {  	[sflag:s29] =	ssyncset.done $0x0  }
0x74: {  	[sflag:s29] =	ssyncadd.s32 $0xFFFFEC00  }
0x75: {  	s1 =	ssub.s32 $0x2, s1;
	_ =	swait.ge [sflag:s29], $0x1400  }
0x76: {  	s13 =	sshrl.u32 s1, $0x1;
	[sflag:s29] =	ssyncset.done $0x0  }
0x77: {  	s0 =	ssub.s32 s1, s13;
	[sflag:s29] =	ssyncadd.s32 $0xFFFFEC00  }
0x78: {  	s0 =	smax.u32 s0, $0x1;
	_ =	swait.ge [sflag:s29], $0x1400  }
0x79: {  	p0 =	sne.s32 s0, $0x1;
	[sflag:s29] =	ssyncset.done $0x0  }
.Ltmp0:
0x7a: {  	[sflag:s29] =	ssyncadd.s32 $0xFFFFEC00;
	(pc) =	sbr.rel @!p0 .LBB2_2-.Ltmp0, $4  }
0x7b: {  	_ =	swait.ge [sflag:s29], $0x1400  }
0x7c: {  	[sflag:s29] =	ssyncset.done $0x0  }
0x7d: {  	[sflag:s29] =	ssyncadd.s32 $0xFFFFEC00  }
0x7e: {  	s1 =	sadd.s32 $0xFFFFFFFF, s0;
	_ =	swait.ge [sflag:s29], $0x1400  }
.LBB2_1:
0x7f: {  	[sflag:s29] =	ssyncset.done $0x0  }
0x80: {  	s0 =	rddreg [dreg:$0x3];
	[sflag:s29] =	ssyncadd.s32 $0xFFFFEC00  }
0x81: {  	[hbm4b:s0+s2] =	stream.linear.scatter [tilespmem:s5], [sflag:$0x2], $0x19000, $0x38;
	[tilespmem:$0x19640] =	vst v63  }
0x82: {  	_ =	swait.ge [sflag:s3], $0x19000  }
0x83: {  	[sflag:s3] =	ssyncset.done $0x0  }
0x84: {  	s11 =	rddreg [dreg:$0x2];
	[sflag:s3] =	ssyncadd.s32 $0xFFFE7000  }
0x85: {  	[tilespmem:s2], [sflag:$0x2] =	stream.linear.gather [hbm4b:s11+s2], $0x640, $0x38;
	[tilespmem:$0x19640] =	vst v63  }
0x86: {  	_ =	swait.ge [sflag:s3], $0x640  }
0x87: {  	s0 =	rddreg [dreg:$0x10]  }
0x88: {  	s7 =	rddreg [dreg:$0xe]  }
0x89: {  	s8 =	rddreg [dreg:$0xc]  }
0x8a: {  	s9 =	rddreg [dreg:$0xa]  }
0x8b: {  	s10 =	rddreg [dreg:$0x5];
	[sflag:s3] =	ssyncset.done $0x0  }
0x8c: {  	s11 =	rddreg [dreg:$0x4];
	[sflag:s3] =	ssyncadd.s32 $0xFFFFF9C0  }
0x8d: {  	[tilespmem:s5], [sflag:$0x1] =	stream.indirect.gather [hbm4b:s4+s6], $0x40, s2, s6, $0xb8;
	[tilespmem:$0x19640] =	vst v63  }
0x8e: {  	s12 =	rddreg [dreg:$0x6]  }
0x8f: {  	[tilespmem:s11], [sflag:$0x1] =	stream.indirect.gather [hbm4b:s4+s6], $0x40, s6, s6, $0xb8;
	[tilespmem:$0x19640] =	vst v63  }
0x90: {  	s13 =	rddreg [dreg:$0x8]  }
0x91: {  	[tilespmem:s12], [sflag:$0x1] =	stream.indirect.gather [hbm4b:s4+s6], $0x40, s10, s6, $0xb8;
	[tilespmem:$0x19640] =	vst v63  }
0x92: {  	s11 =	rddreg [dreg:$0x7]  }
0x93: {  	[tilespmem:s13], [sflag:$0x1] =	stream.indirect.gather [hbm4b:s4+s6], $0x40, s11, s6, $0xb8;
	[tilespmem:$0x19640] =	vst v63  }
0x94: {  	s12 =	rddreg [dreg:$0x9]  }
0x95: {  	[tilespmem:s9], [sflag:$0x1] =	stream.indirect.gather [hbm4b:s4+s6], $0x40, s12, s6, $0xb8;
	[tilespmem:$0x19640] =	vst v63  }
0x96: {  	s13 =	rddreg [dreg:$0xb]  }
0x97: {  	[tilespmem:s8], [sflag:$0x1] =	stream.indirect.gather [hbm4b:s4+s6], $0x40, s13, s6, $0xb8;
	[tilespmem:$0x19640] =	vst v63  }
0x98: {  	s10 =	rddreg [dreg:$0xd]  }
0x99: {  	[tilespmem:s7], [sflag:$0x1] =	stream.indirect.gather [hbm4b:s4+s6], $0x40, s10, s6, $0xb8;
	[tilespmem:$0x19640] =	vst v63  }
0x9a: {  	s11 =	rddreg [dreg:$0xf]  }
0x9b: {  	[tilespmem:s0], [sflag:$0x1] =	stream.indirect.gather [hbm4b:s4+s6], $0x40, s11, s6, $0xb8;
	[tilespmem:$0x19640] =	vst v63  }
0x9c: {  	s12 =	rddreg [dreg:$0x11];
	s13 =	simm.s32 $0xA640  }
0x9d: {  	[tilespmem:s13], [sflag:$0x1] =	stream.indirect.gather [hbm4b:s4+s6], $0x40, s12, s6, $0xb8;
	[tilespmem:$0x19640] =	vst v63  }
0x9e: {  	s9 =	simm.s32 $0xBA40;
	s8 =	simm.s32 $0x2D0  }
0x9f: {  	[tilespmem:s9], [sflag:$0x1] =	stream.indirect.gather [hbm4b:s4+s6], $0x40, s8, s6, $0xb8;
	[tilespmem:$0x19640] =	vst v63  }
0xa0: {  	s10 =	simm.s32 $0x320;
	s11 =	simm.s32 $0xCE40  }
0xa1: {  	[tilespmem:s11], [sflag:$0x1] =	stream.indirect.gather [hbm4b:s4+s6], $0x40, s10, s6, $0xb8;
	[tilespmem:$0x19640] =	vst v63  }
0xa2: {  	s12 =	simm.s32 $0x370;
	s13 =	simm.s32 $0xE240  }
0xa3: {  	[tilespmem:s13], [sflag:$0x1] =	stream.indirect.gather [hbm4b:s4+s6], $0x40, s12, s6, $0xb8;
	[tilespmem:$0x19640] =	vst v63  }
0xa4: {  	_ = 	snop  }
0xa5: {  	[tilespmem:s15], [sflag:$0x1] =	stream.indirect.gather [hbm4b:s4+s6], $0x40, s14, s6, $0xb8;
	[tilespmem:$0x19640] =	vst v63  }
0xa6: {  	_ = 	snop  }
0xa7: {  	[tilespmem:s17], [sflag:$0x1] =	stream.indirect.gather [hbm4b:s4+s6], $0x40, s16, s6, $0xb8;
	[tilespmem:$0x19640] =	vst v63  }
0xa8: {  	_ = 	snop  }
0xa9: {  	[tilespmem:s19], [sflag:$0x1] =	stream.indirect.gather [hbm4b:s4+s6], $0x40, s18, s6, $0xb8;
	[tilespmem:$0x19640] =	vst v63  }
0xaa: {  	_ = 	snop  }
0xab: {  	[tilespmem:s21], [sflag:$0x1] =	stream.indirect.gather [hbm4b:s4+s6], $0x40, s20, s6, $0xb8;
	[tilespmem:$0x19640] =	vst v63  }
0xac: {  	_ = 	snop  }
0xad: {  	[tilespmem:s23], [sflag:$0x1] =	stream.indirect.gather [hbm4b:s4+s6], $0x40, s22, s6, $0xb8;
	[tilespmem:$0x19640] =	vst v63  }
0xae: {  	_ = 	snop  }
0xaf: {  	[tilespmem:s25], [sflag:$0x1] =	stream.indirect.gather [hbm4b:s4+s6], $0x40, s24, s6, $0xb8;
	[tilespmem:$0x19640] =	vst v63  }
0xb0: {  	_ = 	snop  }
0xb1: {  	[tilespmem:s28], [sflag:$0x1] =	stream.indirect.gather [hbm4b:s4+s6], $0x40, s26, s6, $0xb8;
	[tilespmem:$0x19640] =	vst v63  }
0xb2: {  	_ = 	snop  }
0xb3: {  	[tilespmem:s31], [sflag:$0x1] =	stream.indirect.gather [hbm4b:s4+s6], $0x40, s30, s6, $0xb8;
	[tilespmem:$0x19640] =	vst v63  }
0xb4: {  	_ =	swait.ge [sflag:s29], $0x1400  }
0xb5: {  	[sflag:s29] =	ssyncset.done $0x0  }
0xb6: {  	[sflag:s29] =	ssyncadd.s32 $0xFFFFEC00  }
0xb7: {  	_ =	swait.ge [sflag:s29], $0x1400  }
0xb8: {  	[sflag:s29] =	ssyncset.done $0x0  }
0xb9: {  	[sflag:s29] =	ssyncadd.s32 $0xFFFFEC00  }
0xba: {  	_ =	swait.ge [sflag:s29], $0x1400  }
0xbb: {  	[sflag:s29] =	ssyncset.done $0x0  }
0xbc: {  	[sflag:s29] =	ssyncadd.s32 $0xFFFFEC00  }
0xbd: {  	_ =	swait.ge [sflag:s29], $0x1400  }
0xbe: {  	[sflag:s29] =	ssyncset.done $0x0  }
0xbf: {  	[sflag:s29] =	ssyncadd.s32 $0xFFFFEC00  }
0xc0: {  	_ =	swait.ge [sflag:s29], $0x1400  }
0xc1: {  	[sflag:s29] =	ssyncset.done $0x0  }
0xc2: {  	[sflag:s29] =	ssyncadd.s32 $0xFFFFEC00  }
0xc3: {  	_ =	swait.ge [sflag:s29], $0x1400  }
0xc4: {  	[sflag:s29] =	ssyncset.done $0x0  }
0xc5: {  	[sflag:s29] =	ssyncadd.s32 $0xFFFFEC00  }
0xc6: {  	_ =	swait.ge [sflag:s29], $0x1400  }
0xc7: {  	[sflag:s29] =	ssyncset.done $0x0  }
0xc8: {  	[sflag:s29] =	ssyncadd.s32 $0xFFFFEC00  }
0xc9: {  	_ =	swait.ge [sflag:s29], $0x1400  }
0xca: {  	[sflag:s29] =	ssyncset.done $0x0  }
0xcb: {  	[sflag:s29] =	ssyncadd.s32 $0xFFFFEC00  }
0xcc: {  	_ =	swait.ge [sflag:s29], $0x1400  }
0xcd: {  	[sflag:s29] =	ssyncset.done $0x0  }
0xce: {  	[sflag:s29] =	ssyncadd.s32 $0xFFFFEC00  }
0xcf: {  	_ =	swait.ge [sflag:s29], $0x1400  }
0xd0: {  	[sflag:s29] =	ssyncset.done $0x0  }
0xd1: {  	[sflag:s29] =	ssyncadd.s32 $0xFFFFEC00  }
0xd2: {  	_ =	swait.ge [sflag:s29], $0x1400  }
0xd3: {  	[sflag:s29] =	ssyncset.done $0x0  }
0xd4: {  	[sflag:s29] =	ssyncadd.s32 $0xFFFFEC00  }
0xd5: {  	_ =	swait.ge [sflag:s29], $0x1400  }
0xd6: {  	[sflag:s29] =	ssyncset.done $0x0  }
0xd7: {  	[sflag:s29] =	ssyncadd.s32 $0xFFFFEC00  }
0xd8: {  	_ =	swait.ge [sflag:s29], $0x1400  }
0xd9: {  	[sflag:s29] =	ssyncset.done $0x0  }
0xda: {  	[sflag:s29] =	ssyncadd.s32 $0xFFFFEC00  }
0xdb: {  	_ =	swait.ge [sflag:s29], $0x1400  }
0xdc: {  	[sflag:s29] =	ssyncset.done $0x0  }
0xdd: {  	[sflag:s29] =	ssyncadd.s32 $0xFFFFEC00  }
0xde: {  	_ =	swait.ge [sflag:s29], $0x1400  }
0xdf: {  	[sflag:s29] =	ssyncset.done $0x0  }
0xe0: {  	[sflag:s29] =	ssyncadd.s32 $0xFFFFEC00  }
0xe1: {  	_ =	swait.ge [sflag:s29], $0x1400  }
0xe2: {  	[sflag:s29] =	ssyncset.done $0x0  }
0xe3: {  	[sflag:s29] =	ssyncadd.s32 $0xFFFFEC00  }
0xe4: {  	_ =	swait.ge [sflag:s29], $0x1400  }
0xe5: {  	[sflag:s29] =	ssyncset.done $0x0  }
0xe6: {  	[sflag:s29] =	ssyncadd.s32 $0xFFFFEC00  }
0xe7: {  	_ =	swait.ge [sflag:s29], $0x1400  }
0xe8: {  	p0 =	sne.s32 s1, $0x1;
	[sflag:s29] =	ssyncset.done $0x0  }
.Ltmp1:
0xe9: {  	[sflag:s29] =	ssyncadd.s32 $0xFFFFEC00;
	(pc) =	sbr.rel @p0 .LBB2_1-.Ltmp1, $4  }
0xea: {  	_ =	swait.ge [sflag:s29], $0x1400  }
0xeb: {  	[sflag:s29] =	ssyncset.done $0x0  }
0xec: {  	[sflag:s29] =	ssyncadd.s32 $0xFFFFEC00  }
0xed: {  	s1 =	sadd.s32 $0xFFFFFFFF, s1;
	_ =	swait.ge [sflag:s29], $0x1400  }
.LBB2_2:
0xee: {  	[sflag:s29] =	ssyncset.done $0x0  }
0xef: {  	s0 =	rddreg [dreg:$0x3];
	[sflag:s29] =	ssyncadd.s32 $0xFFFFEC00  }
0xf0: {  	[hbm4b:s0+s2] =	stream.linear.scatter [tilespmem:s5], [sflag:$0x2], $0x19000, $0x38;
	[tilespmem:$0x19640] =	vst v63  }
0xf1: {  	_ =	swait.ge [sflag:s3], $0x19000  }
0xf2: {  	[sflag:s3] =	ssyncset.done $0x0  }
0xf3: {  	[sflag:s3] =	ssyncadd.s32 $0xFFFE7000  }
0xf4: {  	_ =	sfence.sel $0x180000  }
0xf5: {  	[bflag:$0x0] =	sbarrier.arrive $0xFFFF  }
0xf6: {  	_ =	strace $0x90000047  }
0xf7: {  	s31 =	stileid.u32;
	[bflag:$0x2] =	sbarrier.arrive $0xFFFF  }
0xf8: {  	p0 =	sne.s32 s31, $0x0;
	s0 =	rddreg [dreg:$0x1]  }
0xf9: {  	s0 =	sadd.s32 @!p0 $0x100000, s0  }
0xfa: {  	[sflag:s0] =	ssyncadd.tile.s32 @!p0 $0x1;
	_ =	shalt  }
.Lfunc_end2:
_tile_overlayer_lowered:
.L_overlay_start_2:
0xfb: {  	(tag) =	ssettag $0x2  }
0xfc: {  	s0 =	rddreg [dreg:$0x0];
	s2 =	stileid.u32  }
0xfd: {  	s1 =	rddreg [dreg:$0x1];
	p0 =	sne.s32 s2, $0x0  }
0xfe: {  	s3 =	rddreg [dreg:$0x2];
	[bflag:$0x3] =	sbarrier.arrive $0xFFFF;
	s2 =	simm.s32 @!p0 $0x1C02  }
0xff: {  	[timem:s3], [sflag:s2] =	dma.local @!p0 [hbm:s0], s1  }
0x100: {  	s0 =	simm.s32 @!p0 $0x2  }
0x101: {  	_ =	swait.ge @!p0 [sflag:s0], s1  }
0x102: {  	s1 =	ssub.s32 @!p0 $0x0, s1;
	[sflag:s0] =	ssyncset.done @!p0 $0x0  }
0x103: {  	[sflag:s0] =	ssyncadd.s32 @!p0 s1  }
0x104: {  	[bflag:$0x3] =	sbarrier.arrive $0xFFFF  }
0x105: {  	_ =	shalt  }

</sc_bundles>
